<compile_context>
chip_gen: v7x
topology: tpu7x:2x2x1
jax: 0.10.2.dev20260603
libtpu: 0.0.44.dev20260713+nightly
codegen_flags: <defaults>
</compile_context>

<pallas_src>
import jax
import jax.numpy as jnp
from jax import lax
from jax.experimental import pallas as pl
from jax.experimental.pallas import tpu as pltpu
from jax.experimental.pallas import tpu_sc as plsc

VOCAB = 1000000
EMBED_DIM = 32
BATCH = 4096
N_FIELDS = 26

NC = 2
NS = 16
NW = NC * NS
SPW = BATCH // NW
IPW = SPW * N_FIELDS
NCHUNK = IPW // 128
NGROUP = SPW // 16


def _fm_body(idx_hbm, fc_hbm, bias_hbm, emb_hbm, out_hbm,
             idx_v, rows_v, fcv, out_v, bias_v, sem):
    c = lax.axis_index("c")
    s = lax.axis_index("s")
    wid = s * NC + c

    pltpu.sync_copy(idx_hbm.at[wid], idx_v)
    pltpu.sync_copy(bias_hbm, bias_v)

    copies = []
    for j in range(NCHUNK):
        copies.append(pltpu.async_copy(
            emb_hbm.at[idx_v.at[j]], rows_v.at[pl.ds(j * 128, 128)], sem))
        copies.append(pltpu.async_copy(
            fc_hbm.at[idx_v.at[j]], fcv.at[pl.ds(j * 128, 128)], sem))
    for cp in copies:
        cp.wait()

    lane = lax.iota(jnp.int32, 16)
    bias_vec = bias_v[...]
    zeros = jnp.zeros((16,), jnp.float32)

    def g_body(g, _):
        p0 = (g * 16 + lane) * N_FIELDS
        accfc = zeros
        pv = p0
        for _f in range(N_FIELDS):
            accfc = accfc + plsc.load_gather(fcv, [pv])
            pv = pv + 1

        def d_body(d, tot):
            dsplat = jnp.broadcast_to(d, (16,))
            acc = zeros
            sq = zeros
            q = p0
            for _f in range(N_FIELDS):
                v = plsc.load_gather(rows_v, [q, dsplat])
                acc = acc + v
                sq = sq + v * v
                q = q + 1
            return tot + acc * acc - sq

        tot = lax.fori_loop(0, EMBED_DIM, d_body, zeros)
        out_v[pl.ds(g * 16, 16)] = accfc + bias_vec + 0.5 * tot
        return 0

    lax.fori_loop(0, NGROUP, g_body, 0)
    pltpu.sync_copy(out_v, out_hbm.at[pl.ds(wid * SPW, SPW)])


@jax.jit
def _fm_sc(idx2, fc1d, bias16, emb):
    mesh = plsc.VectorSubcoreMesh(core_axis_name="c", subcore_axis_name="s")
    return pl.kernel(
        _fm_body,
        out_type=jax.ShapeDtypeStruct((BATCH,), jnp.float32),
        mesh=mesh,
        compiler_params=pltpu.CompilerParams(
            needs_layout_passes=False, use_tc_tiling_on_sc=False),
        scratch_types=[
            pltpu.VMEM((NCHUNK, 128), jnp.int32),
            pltpu.VMEM((IPW, EMBED_DIM), jnp.float32),
            pltpu.VMEM((IPW,), jnp.float32),
            pltpu.VMEM((SPW,), jnp.float32),
            pltpu.VMEM((16,), jnp.float32),
            pltpu.SemaphoreType.DMA,
        ],
    )(idx2, fc1d, bias16, emb)


def kernel(interaction_pairs, fc_weight, bias, emb_weight):
    idx2 = interaction_pairs.reshape(NW, NCHUNK, 128)
    fc1d = fc_weight.reshape(VOCAB)
    bias16 = jnp.broadcast_to(bias, (16,))
    return _fm_sc(idx2, fc1d, bias16, emb_weight)

# --- scband reference (transcript-rebuilt; emitter-appended) ---
"""Pipeline reference for scband-factorization-machine-model-51539607552748 (READ-ONLY COPY).

The authoritative reference and input builder live on the scoring server;
editing this copy changes nothing except your own understanding.
"""

import jax, jax.numpy as jnp
import numpy as np

VOCAB = 1000000
EMBED_DIM = 32
BATCH = 4096
N_FIELDS = 26


def setup_inputs(seed: int = 0) -> dict:
    key = jax.random.key(seed)
    k1, k2, k3 = jax.random.split(key, 3)
    interaction_pairs = jax.random.randint(k1, (BATCH, N_FIELDS), 0, VOCAB, dtype=jnp.int64 if jax.config.jax_enable_x64 else jnp.int32).astype(jnp.int32)
    fc_weight = jax.random.normal(k2, (VOCAB, 1), dtype=jnp.float32) * 0.01
    # xavier uniform for embedding: bound = sqrt(6/(fan_in+fan_out))
    bound = float(np.sqrt(6.0 / (VOCAB + EMBED_DIM)))
    emb_weight = jax.random.uniform(k3, (VOCAB, EMBED_DIM), dtype=jnp.float32, minval=-bound, maxval=bound)
    bias = jnp.zeros((1,), dtype=jnp.float32)
    return {"interaction_pairs": interaction_pairs, "fc_weight": fc_weight, "bias": bias, "emb_weight": emb_weight}


def reference(interaction_pairs, fc_weight, bias, emb_weight):
    # FeaturesLinear: sum of per-field linear embeddings + bias -> [B, 1]
    lin = jnp.take(fc_weight, interaction_pairs, axis=0)  # [B, F, 1]
    linear_out = jnp.sum(lin, axis=1) + bias  # [B, 1]
    # FM second-order term
    x = jnp.take(emb_weight, interaction_pairs, axis=0)  # [B, F, D]
    square_of_sum = jnp.sum(x, axis=1) ** 2  # [B, D]
    sum_of_square = jnp.sum(x ** 2, axis=1)  # [B, D]
    ix = square_of_sum - sum_of_square  # [B, D]
    ix = jnp.sum(ix, axis=1, keepdims=True)  # [B, 1]
    fm_out = 0.5 * ix
    out = linear_out + fm_out  # [B, 1]
    return jnp.squeeze(out, axis=1)  # [B]

if __name__ == "__main__":
    import jax
    _d = setup_inputs()
    print(jax.jit(kernel)(*tuple(_d.values())))

</pallas_src>

<mosaic_0001>
#map = affine_map<(d0, d1) -> (0, 0, 0)>
#map1 = affine_map<(d0, d1) -> (0)>
#map2 = affine_map<(d0, d1) -> (0, 0)>
module attributes {stable_mosaic.version = 14 : i64} {
  func.func @_fm_body(%arg0: i32, %arg1: i32, %arg2: memref<32x26x128xi32, #tpu.memory_space<hbm>>, %arg3: memref<1000000xf32, #tpu.memory_space<hbm>>, %arg4: memref<16xf32, #tpu.memory_space<hbm>>, %arg5: memref<1000000x32xf32, #tpu.memory_space<hbm>>, %arg6: memref<4096xf32, #tpu.memory_space<hbm>>, %arg7: memref<26x128xi32, #tpu.memory_space<vmem>>, %arg8: memref<3328x32xf32, #tpu.memory_space<vmem>>, %arg9: memref<3328xf32, #tpu.memory_space<vmem>>, %arg10: memref<128xf32, #tpu.memory_space<vmem>>, %arg11: memref<16xf32, #tpu.memory_space<vmem>>, %arg12: memref<!tpu.dma_semaphore, #tpu.memory_space<semaphore_mem>>) attributes {dimension_semantics = [#tpu.dimension_semantics<core_parallel>, #tpu.dimension_semantics<subcore_parallel>], iteration_bounds = array<i64: 2, 16>, scalar_prefetch = 0 : i64, scratch_operands = 6 : i64, tpu.core_type = #tpu.core_type<sc_vector_subcore>, window_params = [{transform_indices = #map}, {transform_indices = #map1}, {transform_indices = #map1}, {transform_indices = #map2}, {transform_indices = #map1}]} {
    %mul3A = arith.constant 2 : i32
    %mul3A_0 = arith.muli %arg1, %mul3A : i32
    %add3A = arith.addi %mul3A_0, %arg0 : i32
    "tpu.region"() ({
      %run_scoped3A = tpu.sem_alloc : memref<!tpu.dma_semaphore, #tpu.memory_space<semaphore_mem>>
      %dma_start3A_945 = arith.constant 0 : i32
      %dma_start3A_946 = arith.constant 0 : i32
      %dma_start3A_947 = tpu.memref_slice %arg2[%add3A, %dma_start3A_945, %dma_start3A_946] : memref<32x26x128xi32, #tpu.memory_space<hbm>> -> memref<1x26x128xi32, #tpu.memory_space<hbm>>
      %dma_start3A_948 = tpu.memref_squeeze %dma_start3A_947 : memref<1x26x128xi32, #tpu.memory_space<hbm>> -> memref<26x128xi32, #tpu.memory_space<hbm>>
      %dma_start3A_949 = arith.constant 0 : i32
      %dma_start3A_950 = arith.constant 0 : i32
      %dma_start3A_951 = tpu.memref_slice %arg2[%add3A, %dma_start3A_949, %dma_start3A_950] : memref<32x26x128xi32, #tpu.memory_space<hbm>> -> memref<1x26x128xi32, #tpu.memory_space<hbm>>
      %dma_start3A_952 = tpu.memref_squeeze %dma_start3A_951 : memref<1x26x128xi32, #tpu.memory_space<hbm>> -> memref<26x128xi32, #tpu.memory_space<hbm>>
      tpu.enqueue_dma source(%dma_start3A_952 : memref<26x128xi32, #tpu.memory_space<hbm>>) target(%arg7 : memref<26x128xi32, #tpu.memory_space<vmem>>) target_semaphore(%run_scoped3A : memref<!tpu.dma_semaphore, #tpu.memory_space<semaphore_mem>>)
      %dma_wait3A_953 = arith.constant 0 : i32
      %dma_wait3A_954 = arith.constant 0 : i32
      %dma_wait3A_955 = tpu.memref_slice %arg2[%add3A, %dma_wait3A_953, %dma_wait3A_954] : memref<32x26x128xi32, #tpu.memory_space<hbm>> -> memref<1x26x128xi32, #tpu.memory_space<hbm>>
      %dma_wait3A_956 = tpu.memref_squeeze %dma_wait3A_955 : memref<1x26x128xi32, #tpu.memory_space<hbm>> -> memref<26x128xi32, #tpu.memory_space<hbm>>
      %dma_wait3A_957 = arith.constant 0 : i32
      %dma_wait3A_958 = arith.constant 0 : i32
      %dma_wait3A_959 = tpu.memref_slice %arg2[%add3A, %dma_wait3A_957, %dma_wait3A_958] : memref<32x26x128xi32, #tpu.memory_space<hbm>> -> memref<1x26x128xi32, #tpu.memory_space<hbm>>
      %dma_wait3A_960 = tpu.memref_squeeze %dma_wait3A_959 : memref<1x26x128xi32, #tpu.memory_space<hbm>> -> memref<26x128xi32, #tpu.memory_space<hbm>>
      tpu.wait_dma2 semaphore(%run_scoped3A : memref<!tpu.dma_semaphore, #tpu.memory_space<semaphore_mem>>) src(%dma_wait3A_960 : memref<26x128xi32, #tpu.memory_space<hbm>>) dst(%arg7 : memref<26x128xi32, #tpu.memory_space<vmem>>)
      tpu.yield
    }) : () -> ()
    "tpu.region"() ({
      %run_scoped3A = tpu.sem_alloc : memref<!tpu.dma_semaphore, #tpu.memory_space<semaphore_mem>>
      tpu.enqueue_dma source(%arg4 : memref<16xf32, #tpu.memory_space<hbm>>) target(%arg11 : memref<16xf32, #tpu.memory_space<vmem>>) target_semaphore(%run_scoped3A : memref<!tpu.dma_semaphore, #tpu.memory_space<semaphore_mem>>)
      tpu.wait_dma2 semaphore(%run_scoped3A : memref<!tpu.dma_semaphore, #tpu.memory_space<semaphore_mem>>) src(%arg4 : memref<16xf32, #tpu.memory_space<hbm>>) dst(%arg11 : memref<16xf32, #tpu.memory_space<vmem>>)
      tpu.yield
    }) : () -> ()
    %dma_start3A = arith.constant 0 : i32
    %dma_start3A_1 = arith.constant 0 : i32
    %dma_start3A_2 = arith.constant 0 : i32
    %dma_start3A_3 = tpu.memref_slice %arg8[%dma_start3A_1, %dma_start3A_2] : memref<3328x32xf32, #tpu.memory_space<vmem>> -> memref<128x32xf32, #tpu.memory_space<vmem>>
    %dma_start3A_4 = arith.constant 0 : i32
    %dma_start3A_5 = tpu.memref_slice %arg7[%dma_start3A, %dma_start3A_4] : memref<26x128xi32, #tpu.memory_space<vmem>> -> memref<1x128xi32, #tpu.memory_space<vmem>>
    %dma_start3A_6 = tpu.memref_squeeze %dma_start3A_5 : memref<1x128xi32, #tpu.memory_space<vmem>> -> memref<128xi32, #tpu.memory_space<vmem>>
    %dma_start3A_7 = arith.constant 0 : i32
    %dma_start3A_8 = arith.constant 0 : i32
    %dma_start3A_9 = tpu.memref_slice %arg5[%dma_start3A_7, %dma_start3A_8] : memref<1000000x32xf32, #tpu.memory_space<hbm>> -> memref<1000000x32xf32, #tpu.memory_space<hbm>>
    tpu.enqueue_indirect_dma source(%dma_start3A_9 : memref<1000000x32xf32, #tpu.memory_space<hbm>>) target(%dma_start3A_3 : memref<128x32xf32, #tpu.memory_space<vmem>>) offsets(%dma_start3A_6 : memref<128xi32, #tpu.memory_space<vmem>>) semaphore(%arg12 : memref<!tpu.dma_semaphore, #tpu.memory_space<semaphore_mem>>)
    %dma_start3A_10 = arith.constant 0 : i32
    %dma_start3A_11 = arith.constant 0 : i32
    %dma_start3A_12 = tpu.memref_slice %arg9[%dma_start3A_11] : memref<3328xf32, #tpu.memory_space<vmem>> -> memref<128xf32, #tpu.memory_space<vmem>>
    %dma_start3A_13 = arith.constant 0 : i32
    %dma_start3A_14 = tpu.memref_slice %arg7[%dma_start3A_10, %dma_start3A_13] : memref<26x128xi32, #tpu.memory_space<vmem>> -> memref<1x128xi32, #tpu.memory_space<vmem>>
    %dma_start3A_15 = tpu.memref_squeeze %dma_start3A_14 : memref<1x128xi32, #tpu.memory_space<vmem>> -> memref<128xi32, #tpu.memory_space<vmem>>
    %dma_start3A_16 = arith.constant 0 : i32
    %dma_start3A_17 = tpu.memref_slice %arg3[%dma_start3A_16] : memref<1000000xf32, #tpu.memory_space<hbm>> -> memref<1000000xf32, #tpu.memory_space<hbm>>
    tpu.enqueue_indirect_dma source(%dma_start3A_17 : memref<1000000xf32, #tpu.memory_space<hbm>>) target(%dma_start3A_12 : memref<128xf32, #tpu.memory_space<vmem>>) offsets(%dma_start3A_15 : memref<128xi32, #tpu.memory_space<vmem>>) semaphore(%arg12 : memref<!tpu.dma_semaphore, #tpu.memory_space<semaphore_mem>>)
    %dma_start3A_18 = arith.constant 1 : i32
    %dma_start3A_19 = arith.constant 128 : i32
    %dma_start3A_20 = arith.constant 0 : i32
    %dma_start3A_21 = tpu.memref_slice %arg8[%dma_start3A_19, %dma_start3A_20] : memref<3328x32xf32, #tpu.memory_space<vmem>> -> memref<128x32xf32, #tpu.memory_space<vmem>>
    %dma_start3A_22 = arith.constant 0 : i32
    %dma_start3A_23 = tpu.memref_slice %arg7[%dma_start3A_18, %dma_start3A_22] : memref<26x128xi32, #tpu.memory_space<vmem>> -> memref<1x128xi32, #tpu.memory_space<vmem>>
    %dma_start3A_24 = tpu.memref_squeeze %dma_start3A_23 : memref<1x128xi32, #tpu.memory_space<vmem>> -> memref<128xi32, #tpu.memory_space<vmem>>
    %dma_start3A_25 = arith.constant 0 : i32
    %dma_start3A_26 = arith.constant 0 : i32
    %dma_start3A_27 = tpu.memref_slice %arg5[%dma_start3A_25, %dma_start3A_26] : memref<1000000x32xf32, #tpu.memory_space<hbm>> -> memref<1000000x32xf32, #tpu.memory_space<hbm>>
    tpu.enqueue_indirect_dma source(%dma_start3A_27 : memref<1000000x32xf32, #tpu.memory_space<hbm>>) target(%dma_start3A_21 : memref<128x32xf32, #tpu.memory_space<vmem>>) offsets(%dma_start3A_24 : memref<128xi32, #tpu.memory_space<vmem>>) semaphore(%arg12 : memref<!tpu.dma_semaphore, #tpu.memory_space<semaphore_mem>>)
    %dma_start3A_28 = arith.constant 1 : i32
    %dma_start3A_29 = arith.constant 128 : i32
    %dma_start3A_30 = tpu.memref_slice %arg9[%dma_start3A_29] : memref<3328xf32, #tpu.memory_space<vmem>> -> memref<128xf32, #tpu.memory_space<vmem>>
    %dma_start3A_31 = arith.constant 0 : i32
    %dma_start3A_32 = tpu.memref_slice %arg7[%dma_start3A_28, %dma_start3A_31] : memref<26x128xi32, #tpu.memory_space<vmem>> -> memref<1x128xi32, #tpu.memory_space<vmem>>
    %dma_start3A_33 = tpu.memref_squeeze %dma_start3A_32 : memref<1x128xi32, #tpu.memory_space<vmem>> -> memref<128xi32, #tpu.memory_space<vmem>>
    %dma_start3A_34 = arith.constant 0 : i32
    %dma_start3A_35 = tpu.memref_slice %arg3[%dma_start3A_34] : memref<1000000xf32, #tpu.memory_space<hbm>> -> memref<1000000xf32, #tpu.memory_space<hbm>>
    tpu.enqueue_indirect_dma source(%dma_start3A_35 : memref<1000000xf32, #tpu.memory_space<hbm>>) target(%dma_start3A_30 : memref<128xf32, #tpu.memory_space<vmem>>) offsets(%dma_start3A_33 : memref<128xi32, #tpu.memory_space<vmem>>) semaphore(%arg12 : memref<!tpu.dma_semaphore, #tpu.memory_space<semaphore_mem>>)
    %dma_start3A_36 = arith.constant 2 : i32
    %dma_start3A_37 = arith.constant 256 : i32
    %dma_start3A_38 = arith.constant 0 : i32
    %dma_start3A_39 = tpu.memref_slice %arg8[%dma_start3A_37, %dma_start3A_38] : memref<3328x32xf32, #tpu.memory_space<vmem>> -> memref<128x32xf32, #tpu.memory_space<vmem>>
    %dma_start3A_40 = arith.constant 0 : i32
    %dma_start3A_41 = tpu.memref_slice %arg7[%dma_start3A_36, %dma_start3A_40] : memref<26x128xi32, #tpu.memory_space<vmem>> -> memref<1x128xi32, #tpu.memory_space<vmem>>
    %dma_start3A_42 = tpu.memref_squeeze %dma_start3A_41 : memref<1x128xi32, #tpu.memory_space<vmem>> -> memref<128xi32, #tpu.memory_space<vmem>>
    %dma_start3A_43 = arith.constant 0 : i32
    %dma_start3A_44 = arith.constant 0 : i32
    %dma_start3A_45 = tpu.memref_slice %arg5[%dma_start3A_43, %dma_start3A_44] : memref<1000000x32xf32, #tpu.memory_space<hbm>> -> memref<1000000x32xf32, #tpu.memory_space<hbm>>
    tpu.enqueue_indirect_dma source(%dma_start3A_45 : memref<1000000x32xf32, #tpu.memory_space<hbm>>) target(%dma_start3A_39 : memref<128x32xf32, #tpu.memory_space<vmem>>) offsets(%dma_start3A_42 : memref<128xi32, #tpu.memory_space<vmem>>) semaphore(%arg12 : memref<!tpu.dma_semaphore, #tpu.memory_space<semaphore_mem>>)
    %dma_start3A_46 = arith.constant 2 : i32
    %dma_start3A_47 = arith.constant 256 : i32
    %dma_start3A_48 = tpu.memref_slice %arg9[%dma_start3A_47] : memref<3328xf32, #tpu.memory_space<vmem>> -> memref<128xf32, #tpu.memory_space<vmem>>
    %dma_start3A_49 = arith.constant 0 : i32
    %dma_start3A_50 = tpu.memref_slice %arg7[%dma_start3A_46, %dma_start3A_49] : memref<26x128xi32, #tpu.memory_space<vmem>> -> memref<1x128xi32, #tpu.memory_space<vmem>>
    %dma_start3A_51 = tpu.memref_squeeze %dma_start3A_50 : memref<1x128xi32, #tpu.memory_space<vmem>> -> memref<128xi32, #tpu.memory_space<vmem>>
    %dma_start3A_52 = arith.constant 0 : i32
    %dma_start3A_53 = tpu.memref_slice %arg3[%dma_start3A_52] : memref<1000000xf32, #tpu.memory_space<hbm>> -> memref<1000000xf32, #tpu.memory_space<hbm>>
    tpu.enqueue_indirect_dma source(%dma_start3A_53 : memref<1000000xf32, #tpu.memory_space<hbm>>) target(%dma_start3A_48 : memref<128xf32, #tpu.memory_space<vmem>>) offsets(%dma_start3A_51 : memref<128xi32, #tpu.memory_space<vmem>>) semaphore(%arg12 : memref<!tpu.dma_semaphore, #tpu.memory_space<semaphore_mem>>)
    %dma_start3A_54 = arith.constant 3 : i32
    %dma_start3A_55 = arith.constant 384 : i32
    %dma_start3A_56 = arith.constant 0 : i32
    %dma_start3A_57 = tpu.memref_slice %arg8[%dma_start3A_55, %dma_start3A_56] : memref<3328x32xf32, #tpu.memory_space<vmem>> -> memref<128x32xf32, #tpu.memory_space<vmem>>
    %dma_start3A_58 = arith.constant 0 : i32
    %dma_start3A_59 = tpu.memref_slice %arg7[%dma_start3A_54, %dma_start3A_58] : memref<26x128xi32, #tpu.memory_space<vmem>> -> memref<1x128xi32, #tpu.memory_space<vmem>>
    %dma_start3A_60 = tpu.memref_squeeze %dma_start3A_59 : memref<1x128xi32, #tpu.memory_space<vmem>> -> memref<128xi32, #tpu.memory_space<vmem>>
    %dma_start3A_61 = arith.constant 0 : i32
    %dma_start3A_62 = arith.constant 0 : i32
    %dma_start3A_63 = tpu.memref_slice %arg5[%dma_start3A_61, %dma_start3A_62] : memref<1000000x32xf32, #tpu.memory_space<hbm>> -> memref<1000000x32xf32, #tpu.memory_space<hbm>>
    tpu.enqueue_indirect_dma source(%dma_start3A_63 : memref<1000000x32xf32, #tpu.memory_space<hbm>>) target(%dma_start3A_57 : memref<128x32xf32, #tpu.memory_space<vmem>>) offsets(%dma_start3A_60 : memref<128xi32, #tpu.memory_space<vmem>>) semaphore(%arg12 : memref<!tpu.dma_semaphore, #tpu.memory_space<semaphore_mem>>)
    %dma_start3A_64 = arith.constant 3 : i32
    %dma_start3A_65 = arith.constant 384 : i32
    %dma_start3A_66 = tpu.memref_slice %arg9[%dma_start3A_65] : memref<3328xf32, #tpu.memory_space<vmem>> -> memref<128xf32, #tpu.memory_space<vmem>>
    %dma_start3A_67 = arith.constant 0 : i32
    %dma_start3A_68 = tpu.memref_slice %arg7[%dma_start3A_64, %dma_start3A_67] : memref<26x128xi32, #tpu.memory_space<vmem>> -> memref<1x128xi32, #tpu.memory_space<vmem>>
    %dma_start3A_69 = tpu.memref_squeeze %dma_start3A_68 : memref<1x128xi32, #tpu.memory_space<vmem>> -> memref<128xi32, #tpu.memory_space<vmem>>
    %dma_start3A_70 = arith.constant 0 : i32
    %dma_start3A_71 = tpu.memref_slice %arg3[%dma_start3A_70] : memref<1000000xf32, #tpu.memory_space<hbm>> -> memref<1000000xf32, #tpu.memory_space<hbm>>
    tpu.enqueue_indirect_dma source(%dma_start3A_71 : memref<1000000xf32, #tpu.memory_space<hbm>>) target(%dma_start3A_66 : memref<128xf32, #tpu.memory_space<vmem>>) offsets(%dma_start3A_69 : memref<128xi32, #tpu.memory_space<vmem>>) semaphore(%arg12 : memref<!tpu.dma_semaphore, #tpu.memory_space<semaphore_mem>>)
    %dma_start3A_72 = arith.constant 4 : i32
    %dma_start3A_73 = arith.constant 512 : i32
    %dma_start3A_74 = arith.constant 0 : i32
    %dma_start3A_75 = tpu.memref_slice %arg8[%dma_start3A_73, %dma_start3A_74] : memref<3328x32xf32, #tpu.memory_space<vmem>> -> memref<128x32xf32, #tpu.memory_space<vmem>>
    %dma_start3A_76 = arith.constant 0 : i32
    %dma_start3A_77 = tpu.memref_slice %arg7[%dma_start3A_72, %dma_start3A_76] : memref<26x128xi32, #tpu.memory_space<vmem>> -> memref<1x128xi32, #tpu.memory_space<vmem>>
    %dma_start3A_78 = tpu.memref_squeeze %dma_start3A_77 : memref<1x128xi32, #tpu.memory_space<vmem>> -> memref<128xi32, #tpu.memory_space<vmem>>
    %dma_start3A_79 = arith.constant 0 : i32
    %dma_start3A_80 = arith.constant 0 : i32
    %dma_start3A_81 = tpu.memref_slice %arg5[%dma_start3A_79, %dma_start3A_80] : memref<1000000x32xf32, #tpu.memory_space<hbm>> -> memref<1000000x32xf32, #tpu.memory_space<hbm>>
    tpu.enqueue_indirect_dma source(%dma_start3A_81 : memref<1000000x32xf32, #tpu.memory_space<hbm>>) target(%dma_start3A_75 : memref<128x32xf32, #tpu.memory_space<vmem>>) offsets(%dma_start3A_78 : memref<128xi32, #tpu.memory_space<vmem>>) semaphore(%arg12 : memref<!tpu.dma_semaphore, #tpu.memory_space<semaphore_mem>>)
    %dma_start3A_82 = arith.constant 4 : i32
    %dma_start3A_83 = arith.constant 512 : i32
    %dma_start3A_84 = tpu.memref_slice %arg9[%dma_start3A_83] : memref<3328xf32, #tpu.memory_space<vmem>> -> memref<128xf32, #tpu.memory_space<vmem>>
    %dma_start3A_85 = arith.constant 0 : i32
    %dma_start3A_86 = tpu.memref_slice %arg7[%dma_start3A_82, %dma_start3A_85] : memref<26x128xi32, #tpu.memory_space<vmem>> -> memref<1x128xi32, #tpu.memory_space<vmem>>
    %dma_start3A_87 = tpu.memref_squeeze %dma_start3A_86 : memref<1x128xi32, #tpu.memory_space<vmem>> -> memref<128xi32, #tpu.memory_space<vmem>>
    %dma_start3A_88 = arith.constant 0 : i32
    %dma_start3A_89 = tpu.memref_slice %arg3[%dma_start3A_88] : memref<1000000xf32, #tpu.memory_space<hbm>> -> memref<1000000xf32, #tpu.memory_space<hbm>>
    tpu.enqueue_indirect_dma source(%dma_start3A_89 : memref<1000000xf32, #tpu.memory_space<hbm>>) target(%dma_start3A_84 : memref<128xf32, #tpu.memory_space<vmem>>) offsets(%dma_start3A_87 : memref<128xi32, #tpu.memory_space<vmem>>) semaphore(%arg12 : memref<!tpu.dma_semaphore, #tpu.memory_space<semaphore_mem>>)
    %dma_start3A_90 = arith.constant 5 : i32
    %dma_start3A_91 = arith.constant 640 : i32
    %dma_start3A_92 = arith.constant 0 : i32
    %dma_start3A_93 = tpu.memref_slice %arg8[%dma_start3A_91, %dma_start3A_92] : memref<3328x32xf32, #tpu.memory_space<vmem>> -> memref<128x32xf32, #tpu.memory_space<vmem>>
    %dma_start3A_94 = arith.constant 0 : i32
    %dma_start3A_95 = tpu.memref_slice %arg7[%dma_start3A_90, %dma_start3A_94] : memref<26x128xi32, #tpu.memory_space<vmem>> -> memref<1x128xi32, #tpu.memory_space<vmem>>
    %dma_start3A_96 = tpu.memref_squeeze %dma_start3A_95 : memref<1x128xi32, #tpu.memory_space<vmem>> -> memref<128xi32, #tpu.memory_space<vmem>>
    %dma_start3A_97 = arith.constant 0 : i32
    %dma_start3A_98 = arith.constant 0 : i32
    %dma_start3A_99 = tpu.memref_slice %arg5[%dma_start3A_97, %dma_start3A_98] : memref<1000000x32xf32, #tpu.memory_space<hbm>> -> memref<1000000x32xf32, #tpu.memory_space<hbm>>
    tpu.enqueue_indirect_dma source(%dma_start3A_99 : memref<1000000x32xf32, #tpu.memory_space<hbm>>) target(%dma_start3A_93 : memref<128x32xf32, #tpu.memory_space<vmem>>) offsets(%dma_start3A_96 : memref<128xi32, #tpu.memory_space<vmem>>) semaphore(%arg12 : memref<!tpu.dma_semaphore, #tpu.memory_space<semaphore_mem>>)
    %dma_start3A_100 = arith.constant 5 : i32
    %dma_start3A_101 = arith.constant 640 : i32
    %dma_start3A_102 = tpu.memref_slice %arg9[%dma_start3A_101] : memref<3328xf32, #tpu.memory_space<vmem>> -> memref<128xf32, #tpu.memory_space<vmem>>
    %dma_start3A_103 = arith.constant 0 : i32
    %dma_start3A_104 = tpu.memref_slice %arg7[%dma_start3A_100, %dma_start3A_103] : memref<26x128xi32, #tpu.memory_space<vmem>> -> memref<1x128xi32, #tpu.memory_space<vmem>>
    %dma_start3A_105 = tpu.memref_squeeze %dma_start3A_104 : memref<1x128xi32, #tpu.memory_space<vmem>> -> memref<128xi32, #tpu.memory_space<vmem>>
    %dma_start3A_106 = arith.constant 0 : i32
    %dma_start3A_107 = tpu.memref_slice %arg3[%dma_start3A_106] : memref<1000000xf32, #tpu.memory_space<hbm>> -> memref<1000000xf32, #tpu.memory_space<hbm>>
    tpu.enqueue_indirect_dma source(%dma_start3A_107 : memref<1000000xf32, #tpu.memory_space<hbm>>) target(%dma_start3A_102 : memref<128xf32, #tpu.memory_space<vmem>>) offsets(%dma_start3A_105 : memref<128xi32, #tpu.memory_space<vmem>>) semaphore(%arg12 : memref<!tpu.dma_semaphore, #tpu.memory_space<semaphore_mem>>)
    %dma_start3A_108 = arith.constant 6 : i32
    %dma_start3A_109 = arith.constant 768 : i32
    %dma_start3A_110 = arith.constant 0 : i32
    %dma_start3A_111 = tpu.memref_slice %arg8[%dma_start3A_109, %dma_start3A_110] : memref<3328x32xf32, #tpu.memory_space<vmem>> -> memref<128x32xf32, #tpu.memory_space<vmem>>
    %dma_start3A_112 = arith.constant 0 : i32
    %dma_start3A_113 = tpu.memref_slice %arg7[%dma_start3A_108, %dma_start3A_112] : memref<26x128xi32, #tpu.memory_space<vmem>> -> memref<1x128xi32, #tpu.memory_space<vmem>>
    %dma_start3A_114 = tpu.memref_squeeze %dma_start3A_113 : memref<1x128xi32, #tpu.memory_space<vmem>> -> memref<128xi32, #tpu.memory_space<vmem>>
    %dma_start3A_115 = arith.constant 0 : i32
    %dma_start3A_116 = arith.constant 0 : i32
    %dma_start3A_117 = tpu.memref_slice %arg5[%dma_start3A_115, %dma_start3A_116] : memref<1000000x32xf32, #tpu.memory_space<hbm>> -> memref<1000000x32xf32, #tpu.memory_space<hbm>>
    tpu.enqueue_indirect_dma source(%dma_start3A_117 : memref<1000000x32xf32, #tpu.memory_space<hbm>>) target(%dma_start3A_111 : memref<128x32xf32, #tpu.memory_space<vmem>>) offsets(%dma_start3A_114 : memref<128xi32, #tpu.memory_space<vmem>>) semaphore(%arg12 : memref<!tpu.dma_semaphore, #tpu.memory_space<semaphore_mem>>)
    %dma_start3A_118 = arith.constant 6 : i32
    %dma_start3A_119 = arith.constant 768 : i32
    %dma_start3A_120 = tpu.memref_slice %arg9[%dma_start3A_119] : memref<3328xf32, #tpu.memory_space<vmem>> -> memref<128xf32, #tpu.memory_space<vmem>>
    %dma_start3A_121 = arith.constant 0 : i32
    %dma_start3A_122 = tpu.memref_slice %arg7[%dma_start3A_118, %dma_start3A_121] : memref<26x128xi32, #tpu.memory_space<vmem>> -> memref<1x128xi32, #tpu.memory_space<vmem>>
    %dma_start3A_123 = tpu.memref_squeeze %dma_start3A_122 : memref<1x128xi32, #tpu.memory_space<vmem>> -> memref<128xi32, #tpu.memory_space<vmem>>
    %dma_start3A_124 = arith.constant 0 : i32
    %dma_start3A_125 = tpu.memref_slice %arg3[%dma_start3A_124] : memref<1000000xf32, #tpu.memory_space<hbm>> -> memref<1000000xf32, #tpu.memory_space<hbm>>
    tpu.enqueue_indirect_dma source(%dma_start3A_125 : memref<1000000xf32, #tpu.memory_space<hbm>>) target(%dma_start3A_120 : memref<128xf32, #tpu.memory_space<vmem>>) offsets(%dma_start3A_123 : memref<128xi32, #tpu.memory_space<vmem>>) semaphore(%arg12 : memref<!tpu.dma_semaphore, #tpu.memory_space<semaphore_mem>>)
    %dma_start3A_126 = arith.constant 7 : i32
    %dma_start3A_127 = arith.constant 896 : i32
    %dma_start3A_128 = arith.constant 0 : i32
    %dma_start3A_129 = tpu.memref_slice %arg8[%dma_start3A_127, %dma_start3A_128] : memref<3328x32xf32, #tpu.memory_space<vmem>> -> memref<128x32xf32, #tpu.memory_space<vmem>>
    %dma_start3A_130 = arith.constant 0 : i32
    %dma_start3A_131 = tpu.memref_slice %arg7[%dma_start3A_126, %dma_start3A_130] : memref<26x128xi32, #tpu.memory_space<vmem>> -> memref<1x128xi32, #tpu.memory_space<vmem>>
    %dma_start3A_132 = tpu.memref_squeeze %dma_start3A_131 : memref<1x128xi32, #tpu.memory_space<vmem>> -> memref<128xi32, #tpu.memory_space<vmem>>
    %dma_start3A_133 = arith.constant 0 : i32
    %dma_start3A_134 = arith.constant 0 : i32
    %dma_start3A_135 = tpu.memref_slice %arg5[%dma_start3A_133, %dma_start3A_134] : memref<1000000x32xf32, #tpu.memory_space<hbm>> -> memref<1000000x32xf32, #tpu.memory_space<hbm>>
    tpu.enqueue_indirect_dma source(%dma_start3A_135 : memref<1000000x32xf32, #tpu.memory_space<hbm>>) target(%dma_start3A_129 : memref<128x32xf32, #tpu.memory_space<vmem>>) offsets(%dma_start3A_132 : memref<128xi32, #tpu.memory_space<vmem>>) semaphore(%arg12 : memref<!tpu.dma_semaphore, #tpu.memory_space<semaphore_mem>>)
    %dma_start3A_136 = arith.constant 7 : i32
    %dma_start3A_137 = arith.constant 896 : i32
    %dma_start3A_138 = tpu.memref_slice %arg9[%dma_start3A_137] : memref<3328xf32, #tpu.memory_space<vmem>> -> memref<128xf32, #tpu.memory_space<vmem>>
    %dma_start3A_139 = arith.constant 0 : i32
    %dma_start3A_140 = tpu.memref_slice %arg7[%dma_start3A_136, %dma_start3A_139] : memref<26x128xi32, #tpu.memory_space<vmem>> -> memref<1x128xi32, #tpu.memory_space<vmem>>
    %dma_start3A_141 = tpu.memref_squeeze %dma_start3A_140 : memref<1x128xi32, #tpu.memory_space<vmem>> -> memref<128xi32, #tpu.memory_space<vmem>>
    %dma_start3A_142 = arith.constant 0 : i32
    %dma_start3A_143 = tpu.memref_slice %arg3[%dma_start3A_142] : memref<1000000xf32, #tpu.memory_space<hbm>> -> memref<1000000xf32, #tpu.memory_space<hbm>>
    tpu.enqueue_indirect_dma source(%dma_start3A_143 : memref<1000000xf32, #tpu.memory_space<hbm>>) target(%dma_start3A_138 : memref<128xf32, #tpu.memory_space<vmem>>) offsets(%dma_start3A_141 : memref<128xi32, #tpu.memory_space<vmem>>) semaphore(%arg12 : memref<!tpu.dma_semaphore, #tpu.memory_space<semaphore_mem>>)
    %dma_start3A_144 = arith.constant 8 : i32
    %dma_start3A_145 = arith.constant 1024 : i32
    %dma_start3A_146 = arith.constant 0 : i32
    %dma_start3A_147 = tpu.memref_slice %arg8[%dma_start3A_145, %dma_start3A_146] : memref<3328x32xf32, #tpu.memory_space<vmem>> -> memref<128x32xf32, #tpu.memory_space<vmem>>
    %dma_start3A_148 = arith.constant 0 : i32
    %dma_start3A_149 = tpu.memref_slice %arg7[%dma_start3A_144, %dma_start3A_148] : memref<26x128xi32, #tpu.memory_space<vmem>> -> memref<1x128xi32, #tpu.memory_space<vmem>>
    %dma_start3A_150 = tpu.memref_squeeze %dma_start3A_149 : memref<1x128xi32, #tpu.memory_space<vmem>> -> memref<128xi32, #tpu.memory_space<vmem>>
    %dma_start3A_151 = arith.constant 0 : i32
    %dma_start3A_152 = arith.constant 0 : i32
    %dma_start3A_153 = tpu.memref_slice %arg5[%dma_start3A_151, %dma_start3A_152] : memref<1000000x32xf32, #tpu.memory_space<hbm>> -> memref<1000000x32xf32, #tpu.memory_space<hbm>>
    tpu.enqueue_indirect_dma source(%dma_start3A_153 : memref<1000000x32xf32, #tpu.memory_space<hbm>>) target(%dma_start3A_147 : memref<128x32xf32, #tpu.memory_space<vmem>>) offsets(%dma_start3A_150 : memref<128xi32, #tpu.memory_space<vmem>>) semaphore(%arg12 : memref<!tpu.dma_semaphore, #tpu.memory_space<semaphore_mem>>)
    %dma_start3A_154 = arith.constant 8 : i32
    %dma_start3A_155 = arith.constant 1024 : i32
    %dma_start3A_156 = tpu.memref_slice %arg9[%dma_start3A_155] : memref<3328xf32, #tpu.memory_space<vmem>> -> memref<128xf32, #tpu.memory_space<vmem>>
    %dma_start3A_157 = arith.constant 0 : i32
    %dma_start3A_158 = tpu.memref_slice %arg7[%dma_start3A_154, %dma_start3A_157] : memref<26x128xi32, #tpu.memory_space<vmem>> -> memref<1x128xi32, #tpu.memory_space<vmem>>
    %dma_start3A_159 = tpu.memref_squeeze %dma_start3A_158 : memref<1x128xi32, #tpu.memory_space<vmem>> -> memref<128xi32, #tpu.memory_space<vmem>>
    %dma_start3A_160 = arith.constant 0 : i32
    %dma_start3A_161 = tpu.memref_slice %arg3[%dma_start3A_160] : memref<1000000xf32, #tpu.memory_space<hbm>> -> memref<1000000xf32, #tpu.memory_space<hbm>>
    tpu.enqueue_indirect_dma source(%dma_start3A_161 : memref<1000000xf32, #tpu.memory_space<hbm>>) target(%dma_start3A_156 : memref<128xf32, #tpu.memory_space<vmem>>) offsets(%dma_start3A_159 : memref<128xi32, #tpu.memory_space<vmem>>) semaphore(%arg12 : memref<!tpu.dma_semaphore, #tpu.memory_space<semaphore_mem>>)
    %dma_start3A_162 = arith.constant 9 : i32
    %dma_start3A_163 = arith.constant 1152 : i32
    %dma_start3A_164 = arith.constant 0 : i32
    %dma_start3A_165 = tpu.memref_slice %arg8[%dma_start3A_163, %dma_start3A_164] : memref<3328x32xf32, #tpu.memory_space<vmem>> -> memref<128x32xf32, #tpu.memory_space<vmem>>
    %dma_start3A_166 = arith.constant 0 : i32
    %dma_start3A_167 = tpu.memref_slice %arg7[%dma_start3A_162, %dma_start3A_166] : memref<26x128xi32, #tpu.memory_space<vmem>> -> memref<1x128xi32, #tpu.memory_space<vmem>>
    %dma_start3A_168 = tpu.memref_squeeze %dma_start3A_167 : memref<1x128xi32, #tpu.memory_space<vmem>> -> memref<128xi32, #tpu.memory_space<vmem>>
    %dma_start3A_169 = arith.constant 0 : i32
    %dma_start3A_170 = arith.constant 0 : i32
    %dma_start3A_171 = tpu.memref_slice %arg5[%dma_start3A_169, %dma_start3A_170] : memref<1000000x32xf32, #tpu.memory_space<hbm>> -> memref<1000000x32xf32, #tpu.memory_space<hbm>>
    tpu.enqueue_indirect_dma source(%dma_start3A_171 : memref<1000000x32xf32, #tpu.memory_space<hbm>>) target(%dma_start3A_165 : memref<128x32xf32, #tpu.memory_space<vmem>>) offsets(%dma_start3A_168 : memref<128xi32, #tpu.memory_space<vmem>>) semaphore(%arg12 : memref<!tpu.dma_semaphore, #tpu.memory_space<semaphore_mem>>)
    %dma_start3A_172 = arith.constant 9 : i32
    %dma_start3A_173 = arith.constant 1152 : i32
    %dma_start3A_174 = tpu.memref_slice %arg9[%dma_start3A_173] : memref<3328xf32, #tpu.memory_space<vmem>> -> memref<128xf32, #tpu.memory_space<vmem>>
    %dma_start3A_175 = arith.constant 0 : i32
    %dma_start3A_176 = tpu.memref_slice %arg7[%dma_start3A_172, %dma_start3A_175] : memref<26x128xi32, #tpu.memory_space<vmem>> -> memref<1x128xi32, #tpu.memory_space<vmem>>
    %dma_start3A_177 = tpu.memref_squeeze %dma_start3A_176 : memref<1x128xi32, #tpu.memory_space<vmem>> -> memref<128xi32, #tpu.memory_space<vmem>>
    %dma_start3A_178 = arith.constant 0 : i32
    %dma_start3A_179 = tpu.memref_slice %arg3[%dma_start3A_178] : memref<1000000xf32, #tpu.memory_space<hbm>> -> memref<1000000xf32, #tpu.memory_space<hbm>>
    tpu.enqueue_indirect_dma source(%dma_start3A_179 : memref<1000000xf32, #tpu.memory_space<hbm>>) target(%dma_start3A_174 : memref<128xf32, #tpu.memory_space<vmem>>) offsets(%dma_start3A_177 : memref<128xi32, #tpu.memory_space<vmem>>) semaphore(%arg12 : memref<!tpu.dma_semaphore, #tpu.memory_space<semaphore_mem>>)
    %dma_start3A_180 = arith.constant 10 : i32
    %dma_start3A_181 = arith.constant 1280 : i32
    %dma_start3A_182 = arith.constant 0 : i32
    %dma_start3A_183 = tpu.memref_slice %arg8[%dma_start3A_181, %dma_start3A_182] : memref<3328x32xf32, #tpu.memory_space<vmem>> -> memref<128x32xf32, #tpu.memory_space<vmem>>
    %dma_start3A_184 = arith.constant 0 : i32
    %dma_start3A_185 = tpu.memref_slice %arg7[%dma_start3A_180, %dma_start3A_184] : memref<26x128xi32, #tpu.memory_space<vmem>> -> memref<1x128xi32, #tpu.memory_space<vmem>>
    %dma_start3A_186 = tpu.memref_squeeze %dma_start3A_185 : memref<1x128xi32, #tpu.memory_space<vmem>> -> memref<128xi32, #tpu.memory_space<vmem>>
    %dma_start3A_187 = arith.constant 0 : i32
    %dma_start3A_188 = arith.constant 0 : i32
    %dma_start3A_189 = tpu.memref_slice %arg5[%dma_start3A_187, %dma_start3A_188] : memref<1000000x32xf32, #tpu.memory_space<hbm>> -> memref<1000000x32xf32, #tpu.memory_space<hbm>>
    tpu.enqueue_indirect_dma source(%dma_start3A_189 : memref<1000000x32xf32, #tpu.memory_space<hbm>>) target(%dma_start3A_183 : memref<128x32xf32, #tpu.memory_space<vmem>>) offsets(%dma_start3A_186 : memref<128xi32, #tpu.memory_space<vmem>>) semaphore(%arg12 : memref<!tpu.dma_semaphore, #tpu.memory_space<semaphore_mem>>)
    %dma_start3A_190 = arith.constant 10 : i32
    %dma_start3A_191 = arith.constant 1280 : i32
    %dma_start3A_192 = tpu.memref_slice %arg9[%dma_start3A_191] : memref<3328xf32, #tpu.memory_space<vmem>> -> memref<128xf32, #tpu.memory_space<vmem>>
    %dma_start3A_193 = arith.constant 0 : i32
    %dma_start3A_194 = tpu.memref_slice %arg7[%dma_start3A_190, %dma_start3A_193] : memref<26x128xi32, #tpu.memory_space<vmem>> -> memref<1x128xi32, #tpu.memory_space<vmem>>
    %dma_start3A_195 = tpu.memref_squeeze %dma_start3A_194 : memref<1x128xi32, #tpu.memory_space<vmem>> -> memref<128xi32, #tpu.memory_space<vmem>>
    %dma_start3A_196 = arith.constant 0 : i32
    %dma_start3A_197 = tpu.memref_slice %arg3[%dma_start3A_196] : memref<1000000xf32, #tpu.memory_space<hbm>> -> memref<1000000xf32, #tpu.memory_space<hbm>>
    tpu.enqueue_indirect_dma source(%dma_start3A_197 : memref<1000000xf32, #tpu.memory_space<hbm>>) target(%dma_start3A_192 : memref<128xf32, #tpu.memory_space<vmem>>) offsets(%dma_start3A_195 : memref<128xi32, #tpu.memory_space<vmem>>) semaphore(%arg12 : memref<!tpu.dma_semaphore, #tpu.memory_space<semaphore_mem>>)
    %dma_start3A_198 = arith.constant 11 : i32
    %dma_start3A_199 = arith.constant 1408 : i32
    %dma_start3A_200 = arith.constant 0 : i32
    %dma_start3A_201 = tpu.memref_slice %arg8[%dma_start3A_199, %dma_start3A_200] : memref<3328x32xf32, #tpu.memory_space<vmem>> -> memref<128x32xf32, #tpu.memory_space<vmem>>
    %dma_start3A_202 = arith.constant 0 : i32
    %dma_start3A_203 = tpu.memref_slice %arg7[%dma_start3A_198, %dma_start3A_202] : memref<26x128xi32, #tpu.memory_space<vmem>> -> memref<1x128xi32, #tpu.memory_space<vmem>>
    %dma_start3A_204 = tpu.memref_squeeze %dma_start3A_203 : memref<1x128xi32, #tpu.memory_space<vmem>> -> memref<128xi32, #tpu.memory_space<vmem>>
    %dma_start3A_205 = arith.constant 0 : i32
    %dma_start3A_206 = arith.constant 0 : i32
    %dma_start3A_207 = tpu.memref_slice %arg5[%dma_start3A_205, %dma_start3A_206] : memref<1000000x32xf32, #tpu.memory_space<hbm>> -> memref<1000000x32xf32, #tpu.memory_space<hbm>>
    tpu.enqueue_indirect_dma source(%dma_start3A_207 : memref<1000000x32xf32, #tpu.memory_space<hbm>>) target(%dma_start3A_201 : memref<128x32xf32, #tpu.memory_space<vmem>>) offsets(%dma_start3A_204 : memref<128xi32, #tpu.memory_space<vmem>>) semaphore(%arg12 : memref<!tpu.dma_semaphore, #tpu.memory_space<semaphore_mem>>)
    %dma_start3A_208 = arith.constant 11 : i32
    %dma_start3A_209 = arith.constant 1408 : i32
    %dma_start3A_210 = tpu.memref_slice %arg9[%dma_start3A_209] : memref<3328xf32, #tpu.memory_space<vmem>> -> memref<128xf32, #tpu.memory_space<vmem>>
    %dma_start3A_211 = arith.constant 0 : i32
    %dma_start3A_212 = tpu.memref_slice %arg7[%dma_start3A_208, %dma_start3A_211] : memref<26x128xi32, #tpu.memory_space<vmem>> -> memref<1x128xi32, #tpu.memory_space<vmem>>
    %dma_start3A_213 = tpu.memref_squeeze %dma_start3A_212 : memref<1x128xi32, #tpu.memory_space<vmem>> -> memref<128xi32, #tpu.memory_space<vmem>>
    %dma_start3A_214 = arith.constant 0 : i32
    %dma_start3A_215 = tpu.memref_slice %arg3[%dma_start3A_214] : memref<1000000xf32, #tpu.memory_space<hbm>> -> memref<1000000xf32, #tpu.memory_space<hbm>>
    tpu.enqueue_indirect_dma source(%dma_start3A_215 : memref<1000000xf32, #tpu.memory_space<hbm>>) target(%dma_start3A_210 : memref<128xf32, #tpu.memory_space<vmem>>) offsets(%dma_start3A_213 : memref<128xi32, #tpu.memory_space<vmem>>) semaphore(%arg12 : memref<!tpu.dma_semaphore, #tpu.memory_space<semaphore_mem>>)
    %dma_start3A_216 = arith.constant 12 : i32
    %dma_start3A_217 = arith.constant 1536 : i32
    %dma_start3A_218 = arith.constant 0 : i32
    %dma_start3A_219 = tpu.memref_slice %arg8[%dma_start3A_217, %dma_start3A_218] : memref<3328x32xf32, #tpu.memory_space<vmem>> -> memref<128x32xf32, #tpu.memory_space<vmem>>
    %dma_start3A_220 = arith.constant 0 : i32
    %dma_start3A_221 = tpu.memref_slice %arg7[%dma_start3A_216, %dma_start3A_220] : memref<26x128xi32, #tpu.memory_space<vmem>> -> memref<1x128xi32, #tpu.memory_space<vmem>>
    %dma_start3A_222 = tpu.memref_squeeze %dma_start3A_221 : memref<1x128xi32, #tpu.memory_space<vmem>> -> memref<128xi32, #tpu.memory_space<vmem>>
    %dma_start3A_223 = arith.constant 0 : i32
    %dma_start3A_224 = arith.constant 0 : i32
    %dma_start3A_225 = tpu.memref_slice %arg5[%dma_start3A_223, %dma_start3A_224] : memref<1000000x32xf32, #tpu.memory_space<hbm>> -> memref<1000000x32xf32, #tpu.memory_space<hbm>>
    tpu.enqueue_indirect_dma source(%dma_start3A_225 : memref<1000000x32xf32, #tpu.memory_space<hbm>>) target(%dma_start3A_219 : memref<128x32xf32, #tpu.memory_space<vmem>>) offsets(%dma_start3A_222 : memref<128xi32, #tpu.memory_space<vmem>>) semaphore(%arg12 : memref<!tpu.dma_semaphore, #tpu.memory_space<semaphore_mem>>)
    %dma_start3A_226 = arith.constant 12 : i32
    %dma_start3A_227 = arith.constant 1536 : i32
    %dma_start3A_228 = tpu.memref_slice %arg9[%dma_start3A_227] : memref<3328xf32, #tpu.memory_space<vmem>> -> memref<128xf32, #tpu.memory_space<vmem>>
    %dma_start3A_229 = arith.constant 0 : i32
    %dma_start3A_230 = tpu.memref_slice %arg7[%dma_start3A_226, %dma_start3A_229] : memref<26x128xi32, #tpu.memory_space<vmem>> -> memref<1x128xi32, #tpu.memory_space<vmem>>
    %dma_start3A_231 = tpu.memref_squeeze %dma_start3A_230 : memref<1x128xi32, #tpu.memory_space<vmem>> -> memref<128xi32, #tpu.memory_space<vmem>>
    %dma_start3A_232 = arith.constant 0 : i32
    %dma_start3A_233 = tpu.memref_slice %arg3[%dma_start3A_232] : memref<1000000xf32, #tpu.memory_space<hbm>> -> memref<1000000xf32, #tpu.memory_space<hbm>>
    tpu.enqueue_indirect_dma source(%dma_start3A_233 : memref<1000000xf32, #tpu.memory_space<hbm>>) target(%dma_start3A_228 : memref<128xf32, #tpu.memory_space<vmem>>) offsets(%dma_start3A_231 : memref<128xi32, #tpu.memory_space<vmem>>) semaphore(%arg12 : memref<!tpu.dma_semaphore, #tpu.memory_space<semaphore_mem>>)
    %dma_start3A_234 = arith.constant 13 : i32
    %dma_start3A_235 = arith.constant 1664 : i32
    %dma_start3A_236 = arith.constant 0 : i32
    %dma_start3A_237 = tpu.memref_slice %arg8[%dma_start3A_235, %dma_start3A_236] : memref<3328x32xf32, #tpu.memory_space<vmem>> -> memref<128x32xf32, #tpu.memory_space<vmem>>
    %dma_start3A_238 = arith.constant 0 : i32
    %dma_start3A_239 = tpu.memref_slice %arg7[%dma_start3A_234, %dma_start3A_238] : memref<26x128xi32, #tpu.memory_space<vmem>> -> memref<1x128xi32, #tpu.memory_space<vmem>>
    %dma_start3A_240 = tpu.memref_squeeze %dma_start3A_239 : memref<1x128xi32, #tpu.memory_space<vmem>> -> memref<128xi32, #tpu.memory_space<vmem>>
    %dma_start3A_241 = arith.constant 0 : i32
    %dma_start3A_242 = arith.constant 0 : i32
    %dma_start3A_243 = tpu.memref_slice %arg5[%dma_start3A_241, %dma_start3A_242] : memref<1000000x32xf32, #tpu.memory_space<hbm>> -> memref<1000000x32xf32, #tpu.memory_space<hbm>>
    tpu.enqueue_indirect_dma source(%dma_start3A_243 : memref<1000000x32xf32, #tpu.memory_space<hbm>>) target(%dma_start3A_237 : memref<128x32xf32, #tpu.memory_space<vmem>>) offsets(%dma_start3A_240 : memref<128xi32, #tpu.memory_space<vmem>>) semaphore(%arg12 : memref<!tpu.dma_semaphore, #tpu.memory_space<semaphore_mem>>)
    %dma_start3A_244 = arith.constant 13 : i32
    %dma_start3A_245 = arith.constant 1664 : i32
    %dma_start3A_246 = tpu.memref_slice %arg9[%dma_start3A_245] : memref<3328xf32, #tpu.memory_space<vmem>> -> memref<128xf32, #tpu.memory_space<vmem>>
    %dma_start3A_247 = arith.constant 0 : i32
    %dma_start3A_248 = tpu.memref_slice %arg7[%dma_start3A_244, %dma_start3A_247] : memref<26x128xi32, #tpu.memory_space<vmem>> -> memref<1x128xi32, #tpu.memory_space<vmem>>
    %dma_start3A_249 = tpu.memref_squeeze %dma_start3A_248 : memref<1x128xi32, #tpu.memory_space<vmem>> -> memref<128xi32, #tpu.memory_space<vmem>>
    %dma_start3A_250 = arith.constant 0 : i32
    %dma_start3A_251 = tpu.memref_slice %arg3[%dma_start3A_250] : memref<1000000xf32, #tpu.memory_space<hbm>> -> memref<1000000xf32, #tpu.memory_space<hbm>>
    tpu.enqueue_indirect_dma source(%dma_start3A_251 : memref<1000000xf32, #tpu.memory_space<hbm>>) target(%dma_start3A_246 : memref<128xf32, #tpu.memory_space<vmem>>) offsets(%dma_start3A_249 : memref<128xi32, #tpu.memory_space<vmem>>) semaphore(%arg12 : memref<!tpu.dma_semaphore, #tpu.memory_space<semaphore_mem>>)
    %dma_start3A_252 = arith.constant 14 : i32
    %dma_start3A_253 = arith.constant 1792 : i32
    %dma_start3A_254 = arith.constant 0 : i32
    %dma_start3A_255 = tpu.memref_slice %arg8[%dma_start3A_253, %dma_start3A_254] : memref<3328x32xf32, #tpu.memory_space<vmem>> -> memref<128x32xf32, #tpu.memory_space<vmem>>
    %dma_start3A_256 = arith.constant 0 : i32
    %dma_start3A_257 = tpu.memref_slice %arg7[%dma_start3A_252, %dma_start3A_256] : memref<26x128xi32, #tpu.memory_space<vmem>> -> memref<1x128xi32, #tpu.memory_space<vmem>>
    %dma_start3A_258 = tpu.memref_squeeze %dma_start3A_257 : memref<1x128xi32, #tpu.memory_space<vmem>> -> memref<128xi32, #tpu.memory_space<vmem>>
    %dma_start3A_259 = arith.constant 0 : i32
    %dma_start3A_260 = arith.constant 0 : i32
    %dma_start3A_261 = tpu.memref_slice %arg5[%dma_start3A_259, %dma_start3A_260] : memref<1000000x32xf32, #tpu.memory_space<hbm>> -> memref<1000000x32xf32, #tpu.memory_space<hbm>>
    tpu.enqueue_indirect_dma source(%dma_start3A_261 : memref<1000000x32xf32, #tpu.memory_space<hbm>>) target(%dma_start3A_255 : memref<128x32xf32, #tpu.memory_space<vmem>>) offsets(%dma_start3A_258 : memref<128xi32, #tpu.memory_space<vmem>>) semaphore(%arg12 : memref<!tpu.dma_semaphore, #tpu.memory_space<semaphore_mem>>)
    %dma_start3A_262 = arith.constant 14 : i32
    %dma_start3A_263 = arith.constant 1792 : i32
    %dma_start3A_264 = tpu.memref_slice %arg9[%dma_start3A_263] : memref<3328xf32, #tpu.memory_space<vmem>> -> memref<128xf32, #tpu.memory_space<vmem>>
    %dma_start3A_265 = arith.constant 0 : i32
    %dma_start3A_266 = tpu.memref_slice %arg7[%dma_start3A_262, %dma_start3A_265] : memref<26x128xi32, #tpu.memory_space<vmem>> -> memref<1x128xi32, #tpu.memory_space<vmem>>
    %dma_start3A_267 = tpu.memref_squeeze %dma_start3A_266 : memref<1x128xi32, #tpu.memory_space<vmem>> -> memref<128xi32, #tpu.memory_space<vmem>>
    %dma_start3A_268 = arith.constant 0 : i32
    %dma_start3A_269 = tpu.memref_slice %arg3[%dma_start3A_268] : memref<1000000xf32, #tpu.memory_space<hbm>> -> memref<1000000xf32, #tpu.memory_space<hbm>>
    tpu.enqueue_indirect_dma source(%dma_start3A_269 : memref<1000000xf32, #tpu.memory_space<hbm>>) target(%dma_start3A_264 : memref<128xf32, #tpu.memory_space<vmem>>) offsets(%dma_start3A_267 : memref<128xi32, #tpu.memory_space<vmem>>) semaphore(%arg12 : memref<!tpu.dma_semaphore, #tpu.memory_space<semaphore_mem>>)
    %dma_start3A_270 = arith.constant 15 : i32
    %dma_start3A_271 = arith.constant 1920 : i32
    %dma_start3A_272 = arith.constant 0 : i32
    %dma_start3A_273 = tpu.memref_slice %arg8[%dma_start3A_271, %dma_start3A_272] : memref<3328x32xf32, #tpu.memory_space<vmem>> -> memref<128x32xf32, #tpu.memory_space<vmem>>
    %dma_start3A_274 = arith.constant 0 : i32
    %dma_start3A_275 = tpu.memref_slice %arg7[%dma_start3A_270, %dma_start3A_274] : memref<26x128xi32, #tpu.memory_space<vmem>> -> memref<1x128xi32, #tpu.memory_space<vmem>>
    %dma_start3A_276 = tpu.memref_squeeze %dma_start3A_275 : memref<1x128xi32, #tpu.memory_space<vmem>> -> memref<128xi32, #tpu.memory_space<vmem>>
    %dma_start3A_277 = arith.constant 0 : i32
    %dma_start3A_278 = arith.constant 0 : i32
    %dma_start3A_279 = tpu.memref_slice %arg5[%dma_start3A_277, %dma_start3A_278] : memref<1000000x32xf32, #tpu.memory_space<hbm>> -> memref<1000000x32xf32, #tpu.memory_space<hbm>>
    tpu.enqueue_indirect_dma source(%dma_start3A_279 : memref<1000000x32xf32, #tpu.memory_space<hbm>>) target(%dma_start3A_273 : memref<128x32xf32, #tpu.memory_space<vmem>>) offsets(%dma_start3A_276 : memref<128xi32, #tpu.memory_space<vmem>>) semaphore(%arg12 : memref<!tpu.dma_semaphore, #tpu.memory_space<semaphore_mem>>)
    %dma_start3A_280 = arith.constant 15 : i32
    %dma_start3A_281 = arith.constant 1920 : i32
    %dma_start3A_282 = tpu.memref_slice %arg9[%dma_start3A_281] : memref<3328xf32, #tpu.memory_space<vmem>> -> memref<128xf32, #tpu.memory_space<vmem>>
    %dma_start3A_283 = arith.constant 0 : i32
    %dma_start3A_284 = tpu.memref_slice %arg7[%dma_start3A_280, %dma_start3A_283] : memref<26x128xi32, #tpu.memory_space<vmem>> -> memref<1x128xi32, #tpu.memory_space<vmem>>
    %dma_start3A_285 = tpu.memref_squeeze %dma_start3A_284 : memref<1x128xi32, #tpu.memory_space<vmem>> -> memref<128xi32, #tpu.memory_space<vmem>>
    %dma_start3A_286 = arith.constant 0 : i32
    %dma_start3A_287 = tpu.memref_slice %arg3[%dma_start3A_286] : memref<1000000xf32, #tpu.memory_space<hbm>> -> memref<1000000xf32, #tpu.memory_space<hbm>>
    tpu.enqueue_indirect_dma source(%dma_start3A_287 : memref<1000000xf32, #tpu.memory_space<hbm>>) target(%dma_start3A_282 : memref<128xf32, #tpu.memory_space<vmem>>) offsets(%dma_start3A_285 : memref<128xi32, #tpu.memory_space<vmem>>) semaphore(%arg12 : memref<!tpu.dma_semaphore, #tpu.memory_space<semaphore_mem>>)
    %dma_start3A_288 = arith.constant 16 : i32
    %dma_start3A_289 = arith.constant 2048 : i32
    %dma_start3A_290 = arith.constant 0 : i32
    %dma_start3A_291 = tpu.memref_slice %arg8[%dma_start3A_289, %dma_start3A_290] : memref<3328x32xf32, #tpu.memory_space<vmem>> -> memref<128x32xf32, #tpu.memory_space<vmem>>
    %dma_start3A_292 = arith.constant 0 : i32
    %dma_start3A_293 = tpu.memref_slice %arg7[%dma_start3A_288, %dma_start3A_292] : memref<26x128xi32, #tpu.memory_space<vmem>> -> memref<1x128xi32, #tpu.memory_space<vmem>>
    %dma_start3A_294 = tpu.memref_squeeze %dma_start3A_293 : memref<1x128xi32, #tpu.memory_space<vmem>> -> memref<128xi32, #tpu.memory_space<vmem>>
    %dma_start3A_295 = arith.constant 0 : i32
    %dma_start3A_296 = arith.constant 0 : i32
    %dma_start3A_297 = tpu.memref_slice %arg5[%dma_start3A_295, %dma_start3A_296] : memref<1000000x32xf32, #tpu.memory_space<hbm>> -> memref<1000000x32xf32, #tpu.memory_space<hbm>>
    tpu.enqueue_indirect_dma source(%dma_start3A_297 : memref<1000000x32xf32, #tpu.memory_space<hbm>>) target(%dma_start3A_291 : memref<128x32xf32, #tpu.memory_space<vmem>>) offsets(%dma_start3A_294 : memref<128xi32, #tpu.memory_space<vmem>>) semaphore(%arg12 : memref<!tpu.dma_semaphore, #tpu.memory_space<semaphore_mem>>)
    %dma_start3A_298 = arith.constant 16 : i32
    %dma_start3A_299 = arith.constant 2048 : i32
    %dma_start3A_300 = tpu.memref_slice %arg9[%dma_start3A_299] : memref<3328xf32, #tpu.memory_space<vmem>> -> memref<128xf32, #tpu.memory_space<vmem>>
    %dma_start3A_301 = arith.constant 0 : i32
    %dma_start3A_302 = tpu.memref_slice %arg7[%dma_start3A_298, %dma_start3A_301] : memref<26x128xi32, #tpu.memory_space<vmem>> -> memref<1x128xi32, #tpu.memory_space<vmem>>
    %dma_start3A_303 = tpu.memref_squeeze %dma_start3A_302 : memref<1x128xi32, #tpu.memory_space<vmem>> -> memref<128xi32, #tpu.memory_space<vmem>>
    %dma_start3A_304 = arith.constant 0 : i32
    %dma_start3A_305 = tpu.memref_slice %arg3[%dma_start3A_304] : memref<1000000xf32, #tpu.memory_space<hbm>> -> memref<1000000xf32, #tpu.memory_space<hbm>>
    tpu.enqueue_indirect_dma source(%dma_start3A_305 : memref<1000000xf32, #tpu.memory_space<hbm>>) target(%dma_start3A_300 : memref<128xf32, #tpu.memory_space<vmem>>) offsets(%dma_start3A_303 : memref<128xi32, #tpu.memory_space<vmem>>) semaphore(%arg12 : memref<!tpu.dma_semaphore, #tpu.memory_space<semaphore_mem>>)
    %dma_start3A_306 = arith.constant 17 : i32
    %dma_start3A_307 = arith.constant 2176 : i32
    %dma_start3A_308 = arith.constant 0 : i32
    %dma_start3A_309 = tpu.memref_slice %arg8[%dma_start3A_307, %dma_start3A_308] : memref<3328x32xf32, #tpu.memory_space<vmem>> -> memref<128x32xf32, #tpu.memory_space<vmem>>
    %dma_start3A_310 = arith.constant 0 : i32
    %dma_start3A_311 = tpu.memref_slice %arg7[%dma_start3A_306, %dma_start3A_310] : memref<26x128xi32, #tpu.memory_space<vmem>> -> memref<1x128xi32, #tpu.memory_space<vmem>>
    %dma_start3A_312 = tpu.memref_squeeze %dma_start3A_311 : memref<1x128xi32, #tpu.memory_space<vmem>> -> memref<128xi32, #tpu.memory_space<vmem>>
    %dma_start3A_313 = arith.constant 0 : i32
    %dma_start3A_314 = arith.constant 0 : i32
    %dma_start3A_315 = tpu.memref_slice %arg5[%dma_start3A_313, %dma_start3A_314] : memref<1000000x32xf32, #tpu.memory_space<hbm>> -> memref<1000000x32xf32, #tpu.memory_space<hbm>>
    tpu.enqueue_indirect_dma source(%dma_start3A_315 : memref<1000000x32xf32, #tpu.memory_space<hbm>>) target(%dma_start3A_309 : memref<128x32xf32, #tpu.memory_space<vmem>>) offsets(%dma_start3A_312 : memref<128xi32, #tpu.memory_space<vmem>>) semaphore(%arg12 : memref<!tpu.dma_semaphore, #tpu.memory_space<semaphore_mem>>)
    %dma_start3A_316 = arith.constant 17 : i32
    %dma_start3A_317 = arith.constant 2176 : i32
    %dma_start3A_318 = tpu.memref_slice %arg9[%dma_start3A_317] : memref<3328xf32, #tpu.memory_space<vmem>> -> memref<128xf32, #tpu.memory_space<vmem>>
    %dma_start3A_319 = arith.constant 0 : i32
    %dma_start3A_320 = tpu.memref_slice %arg7[%dma_start3A_316, %dma_start3A_319] : memref<26x128xi32, #tpu.memory_space<vmem>> -> memref<1x128xi32, #tpu.memory_space<vmem>>
    %dma_start3A_321 = tpu.memref_squeeze %dma_start3A_320 : memref<1x128xi32, #tpu.memory_space<vmem>> -> memref<128xi32, #tpu.memory_space<vmem>>
    %dma_start3A_322 = arith.constant 0 : i32
    %dma_start3A_323 = tpu.memref_slice %arg3[%dma_start3A_322] : memref<1000000xf32, #tpu.memory_space<hbm>> -> memref<1000000xf32, #tpu.memory_space<hbm>>
    tpu.enqueue_indirect_dma source(%dma_start3A_323 : memref<1000000xf32, #tpu.memory_space<hbm>>) target(%dma_start3A_318 : memref<128xf32, #tpu.memory_space<vmem>>) offsets(%dma_start3A_321 : memref<128xi32, #tpu.memory_space<vmem>>) semaphore(%arg12 : memref<!tpu.dma_semaphore, #tpu.memory_space<semaphore_mem>>)
    %dma_start3A_324 = arith.constant 18 : i32
    %dma_start3A_325 = arith.constant 2304 : i32
    %dma_start3A_326 = arith.constant 0 : i32
    %dma_start3A_327 = tpu.memref_slice %arg8[%dma_start3A_325, %dma_start3A_326] : memref<3328x32xf32, #tpu.memory_space<vmem>> -> memref<128x32xf32, #tpu.memory_space<vmem>>
    %dma_start3A_328 = arith.constant 0 : i32
    %dma_start3A_329 = tpu.memref_slice %arg7[%dma_start3A_324, %dma_start3A_328] : memref<26x128xi32, #tpu.memory_space<vmem>> -> memref<1x128xi32, #tpu.memory_space<vmem>>
    %dma_start3A_330 = tpu.memref_squeeze %dma_start3A_329 : memref<1x128xi32, #tpu.memory_space<vmem>> -> memref<128xi32, #tpu.memory_space<vmem>>
    %dma_start3A_331 = arith.constant 0 : i32
    %dma_start3A_332 = arith.constant 0 : i32
    %dma_start3A_333 = tpu.memref_slice %arg5[%dma_start3A_331, %dma_start3A_332] : memref<1000000x32xf32, #tpu.memory_space<hbm>> -> memref<1000000x32xf32, #tpu.memory_space<hbm>>
    tpu.enqueue_indirect_dma source(%dma_start3A_333 : memref<1000000x32xf32, #tpu.memory_space<hbm>>) target(%dma_start3A_327 : memref<128x32xf32, #tpu.memory_space<vmem>>) offsets(%dma_start3A_330 : memref<128xi32, #tpu.memory_space<vmem>>) semaphore(%arg12 : memref<!tpu.dma_semaphore, #tpu.memory_space<semaphore_mem>>)
    %dma_start3A_334 = arith.constant 18 : i32
    %dma_start3A_335 = arith.constant 2304 : i32
    %dma_start3A_336 = tpu.memref_slice %arg9[%dma_start3A_335] : memref<3328xf32, #tpu.memory_space<vmem>> -> memref<128xf32, #tpu.memory_space<vmem>>
    %dma_start3A_337 = arith.constant 0 : i32
    %dma_start3A_338 = tpu.memref_slice %arg7[%dma_start3A_334, %dma_start3A_337] : memref<26x128xi32, #tpu.memory_space<vmem>> -> memref<1x128xi32, #tpu.memory_space<vmem>>
    %dma_start3A_339 = tpu.memref_squeeze %dma_start3A_338 : memref<1x128xi32, #tpu.memory_space<vmem>> -> memref<128xi32, #tpu.memory_space<vmem>>
    %dma_start3A_340 = arith.constant 0 : i32
    %dma_start3A_341 = tpu.memref_slice %arg3[%dma_start3A_340] : memref<1000000xf32, #tpu.memory_space<hbm>> -> memref<1000000xf32, #tpu.memory_space<hbm>>
    tpu.enqueue_indirect_dma source(%dma_start3A_341 : memref<1000000xf32, #tpu.memory_space<hbm>>) target(%dma_start3A_336 : memref<128xf32, #tpu.memory_space<vmem>>) offsets(%dma_start3A_339 : memref<128xi32, #tpu.memory_space<vmem>>) semaphore(%arg12 : memref<!tpu.dma_semaphore, #tpu.memory_space<semaphore_mem>>)
    %dma_start3A_342 = arith.constant 19 : i32
    %dma_start3A_343 = arith.constant 2432 : i32
    %dma_start3A_344 = arith.constant 0 : i32
    %dma_start3A_345 = tpu.memref_slice %arg8[%dma_start3A_343, %dma_start3A_344] : memref<3328x32xf32, #tpu.memory_space<vmem>> -> memref<128x32xf32, #tpu.memory_space<vmem>>
    %dma_start3A_346 = arith.constant 0 : i32
    %dma_start3A_347 = tpu.memref_slice %arg7[%dma_start3A_342, %dma_start3A_346] : memref<26x128xi32, #tpu.memory_space<vmem>> -> memref<1x128xi32, #tpu.memory_space<vmem>>
    %dma_start3A_348 = tpu.memref_squeeze %dma_start3A_347 : memref<1x128xi32, #tpu.memory_space<vmem>> -> memref<128xi32, #tpu.memory_space<vmem>>
    %dma_start3A_349 = arith.constant 0 : i32
    %dma_start3A_350 = arith.constant 0 : i32
    %dma_start3A_351 = tpu.memref_slice %arg5[%dma_start3A_349, %dma_start3A_350] : memref<1000000x32xf32, #tpu.memory_space<hbm>> -> memref<1000000x32xf32, #tpu.memory_space<hbm>>
    tpu.enqueue_indirect_dma source(%dma_start3A_351 : memref<1000000x32xf32, #tpu.memory_space<hbm>>) target(%dma_start3A_345 : memref<128x32xf32, #tpu.memory_space<vmem>>) offsets(%dma_start3A_348 : memref<128xi32, #tpu.memory_space<vmem>>) semaphore(%arg12 : memref<!tpu.dma_semaphore, #tpu.memory_space<semaphore_mem>>)
    %dma_start3A_352 = arith.constant 19 : i32
    %dma_start3A_353 = arith.constant 2432 : i32
    %dma_start3A_354 = tpu.memref_slice %arg9[%dma_start3A_353] : memref<3328xf32, #tpu.memory_space<vmem>> -> memref<128xf32, #tpu.memory_space<vmem>>
    %dma_start3A_355 = arith.constant 0 : i32
    %dma_start3A_356 = tpu.memref_slice %arg7[%dma_start3A_352, %dma_start3A_355] : memref<26x128xi32, #tpu.memory_space<vmem>> -> memref<1x128xi32, #tpu.memory_space<vmem>>
    %dma_start3A_357 = tpu.memref_squeeze %dma_start3A_356 : memref<1x128xi32, #tpu.memory_space<vmem>> -> memref<128xi32, #tpu.memory_space<vmem>>
    %dma_start3A_358 = arith.constant 0 : i32
    %dma_start3A_359 = tpu.memref_slice %arg3[%dma_start3A_358] : memref<1000000xf32, #tpu.memory_space<hbm>> -> memref<1000000xf32, #tpu.memory_space<hbm>>
    tpu.enqueue_indirect_dma source(%dma_start3A_359 : memref<1000000xf32, #tpu.memory_space<hbm>>) target(%dma_start3A_354 : memref<128xf32, #tpu.memory_space<vmem>>) offsets(%dma_start3A_357 : memref<128xi32, #tpu.memory_space<vmem>>) semaphore(%arg12 : memref<!tpu.dma_semaphore, #tpu.memory_space<semaphore_mem>>)
    %dma_start3A_360 = arith.constant 20 : i32
    %dma_start3A_361 = arith.constant 2560 : i32
    %dma_start3A_362 = arith.constant 0 : i32
    %dma_start3A_363 = tpu.memref_slice %arg8[%dma_start3A_361, %dma_start3A_362] : memref<3328x32xf32, #tpu.memory_space<vmem>> -> memref<128x32xf32, #tpu.memory_space<vmem>>
    %dma_start3A_364 = arith.constant 0 : i32
    %dma_start3A_365 = tpu.memref_slice %arg7[%dma_start3A_360, %dma_start3A_364] : memref<26x128xi32, #tpu.memory_space<vmem>> -> memref<1x128xi32, #tpu.memory_space<vmem>>
    %dma_start3A_366 = tpu.memref_squeeze %dma_start3A_365 : memref<1x128xi32, #tpu.memory_space<vmem>> -> memref<128xi32, #tpu.memory_space<vmem>>
    %dma_start3A_367 = arith.constant 0 : i32
    %dma_start3A_368 = arith.constant 0 : i32
    %dma_start3A_369 = tpu.memref_slice %arg5[%dma_start3A_367, %dma_start3A_368] : memref<1000000x32xf32, #tpu.memory_space<hbm>> -> memref<1000000x32xf32, #tpu.memory_space<hbm>>
    tpu.enqueue_indirect_dma source(%dma_start3A_369 : memref<1000000x32xf32, #tpu.memory_space<hbm>>) target(%dma_start3A_363 : memref<128x32xf32, #tpu.memory_space<vmem>>) offsets(%dma_start3A_366 : memref<128xi32, #tpu.memory_space<vmem>>) semaphore(%arg12 : memref<!tpu.dma_semaphore, #tpu.memory_space<semaphore_mem>>)
    %dma_start3A_370 = arith.constant 20 : i32
    %dma_start3A_371 = arith.constant 2560 : i32
    %dma_start3A_372 = tpu.memref_slice %arg9[%dma_start3A_371] : memref<3328xf32, #tpu.memory_space<vmem>> -> memref<128xf32, #tpu.memory_space<vmem>>
    %dma_start3A_373 = arith.constant 0 : i32
    %dma_start3A_374 = tpu.memref_slice %arg7[%dma_start3A_370, %dma_start3A_373] : memref<26x128xi32, #tpu.memory_space<vmem>> -> memref<1x128xi32, #tpu.memory_space<vmem>>
    %dma_start3A_375 = tpu.memref_squeeze %dma_start3A_374 : memref<1x128xi32, #tpu.memory_space<vmem>> -> memref<128xi32, #tpu.memory_space<vmem>>
    %dma_start3A_376 = arith.constant 0 : i32
    %dma_start3A_377 = tpu.memref_slice %arg3[%dma_start3A_376] : memref<1000000xf32, #tpu.memory_space<hbm>> -> memref<1000000xf32, #tpu.memory_space<hbm>>
    tpu.enqueue_indirect_dma source(%dma_start3A_377 : memref<1000000xf32, #tpu.memory_space<hbm>>) target(%dma_start3A_372 : memref<128xf32, #tpu.memory_space<vmem>>) offsets(%dma_start3A_375 : memref<128xi32, #tpu.memory_space<vmem>>) semaphore(%arg12 : memref<!tpu.dma_semaphore, #tpu.memory_space<semaphore_mem>>)
    %dma_start3A_378 = arith.constant 21 : i32
    %dma_start3A_379 = arith.constant 2688 : i32
    %dma_start3A_380 = arith.constant 0 : i32
    %dma_start3A_381 = tpu.memref_slice %arg8[%dma_start3A_379, %dma_start3A_380] : memref<3328x32xf32, #tpu.memory_space<vmem>> -> memref<128x32xf32, #tpu.memory_space<vmem>>
    %dma_start3A_382 = arith.constant 0 : i32
    %dma_start3A_383 = tpu.memref_slice %arg7[%dma_start3A_378, %dma_start3A_382] : memref<26x128xi32, #tpu.memory_space<vmem>> -> memref<1x128xi32, #tpu.memory_space<vmem>>
    %dma_start3A_384 = tpu.memref_squeeze %dma_start3A_383 : memref<1x128xi32, #tpu.memory_space<vmem>> -> memref<128xi32, #tpu.memory_space<vmem>>
    %dma_start3A_385 = arith.constant 0 : i32
    %dma_start3A_386 = arith.constant 0 : i32
    %dma_start3A_387 = tpu.memref_slice %arg5[%dma_start3A_385, %dma_start3A_386] : memref<1000000x32xf32, #tpu.memory_space<hbm>> -> memref<1000000x32xf32, #tpu.memory_space<hbm>>
    tpu.enqueue_indirect_dma source(%dma_start3A_387 : memref<1000000x32xf32, #tpu.memory_space<hbm>>) target(%dma_start3A_381 : memref<128x32xf32, #tpu.memory_space<vmem>>) offsets(%dma_start3A_384 : memref<128xi32, #tpu.memory_space<vmem>>) semaphore(%arg12 : memref<!tpu.dma_semaphore, #tpu.memory_space<semaphore_mem>>)
    %dma_start3A_388 = arith.constant 21 : i32
    %dma_start3A_389 = arith.constant 2688 : i32
    %dma_start3A_390 = tpu.memref_slice %arg9[%dma_start3A_389] : memref<3328xf32, #tpu.memory_space<vmem>> -> memref<128xf32, #tpu.memory_space<vmem>>
    %dma_start3A_391 = arith.constant 0 : i32
    %dma_start3A_392 = tpu.memref_slice %arg7[%dma_start3A_388, %dma_start3A_391] : memref<26x128xi32, #tpu.memory_space<vmem>> -> memref<1x128xi32, #tpu.memory_space<vmem>>
    %dma_start3A_393 = tpu.memref_squeeze %dma_start3A_392 : memref<1x128xi32, #tpu.memory_space<vmem>> -> memref<128xi32, #tpu.memory_space<vmem>>
    %dma_start3A_394 = arith.constant 0 : i32
    %dma_start3A_395 = tpu.memref_slice %arg3[%dma_start3A_394] : memref<1000000xf32, #tpu.memory_space<hbm>> -> memref<1000000xf32, #tpu.memory_space<hbm>>
    tpu.enqueue_indirect_dma source(%dma_start3A_395 : memref<1000000xf32, #tpu.memory_space<hbm>>) target(%dma_start3A_390 : memref<128xf32, #tpu.memory_space<vmem>>) offsets(%dma_start3A_393 : memref<128xi32, #tpu.memory_space<vmem>>) semaphore(%arg12 : memref<!tpu.dma_semaphore, #tpu.memory_space<semaphore_mem>>)
    %dma_start3A_396 = arith.constant 22 : i32
    %dma_start3A_397 = arith.constant 2816 : i32
    %dma_start3A_398 = arith.constant 0 : i32
    %dma_start3A_399 = tpu.memref_slice %arg8[%dma_start3A_397, %dma_start3A_398] : memref<3328x32xf32, #tpu.memory_space<vmem>> -> memref<128x32xf32, #tpu.memory_space<vmem>>
    %dma_start3A_400 = arith.constant 0 : i32
    %dma_start3A_401 = tpu.memref_slice %arg7[%dma_start3A_396, %dma_start3A_400] : memref<26x128xi32, #tpu.memory_space<vmem>> -> memref<1x128xi32, #tpu.memory_space<vmem>>
    %dma_start3A_402 = tpu.memref_squeeze %dma_start3A_401 : memref<1x128xi32, #tpu.memory_space<vmem>> -> memref<128xi32, #tpu.memory_space<vmem>>
    %dma_start3A_403 = arith.constant 0 : i32
    %dma_start3A_404 = arith.constant 0 : i32
    %dma_start3A_405 = tpu.memref_slice %arg5[%dma_start3A_403, %dma_start3A_404] : memref<1000000x32xf32, #tpu.memory_space<hbm>> -> memref<1000000x32xf32, #tpu.memory_space<hbm>>
    tpu.enqueue_indirect_dma source(%dma_start3A_405 : memref<1000000x32xf32, #tpu.memory_space<hbm>>) target(%dma_start3A_399 : memref<128x32xf32, #tpu.memory_space<vmem>>) offsets(%dma_start3A_402 : memref<128xi32, #tpu.memory_space<vmem>>) semaphore(%arg12 : memref<!tpu.dma_semaphore, #tpu.memory_space<semaphore_mem>>)
    %dma_start3A_406 = arith.constant 22 : i32
    %dma_start3A_407 = arith.constant 2816 : i32
    %dma_start3A_408 = tpu.memref_slice %arg9[%dma_start3A_407] : memref<3328xf32, #tpu.memory_space<vmem>> -> memref<128xf32, #tpu.memory_space<vmem>>
    %dma_start3A_409 = arith.constant 0 : i32
    %dma_start3A_410 = tpu.memref_slice %arg7[%dma_start3A_406, %dma_start3A_409] : memref<26x128xi32, #tpu.memory_space<vmem>> -> memref<1x128xi32, #tpu.memory_space<vmem>>
    %dma_start3A_411 = tpu.memref_squeeze %dma_start3A_410 : memref<1x128xi32, #tpu.memory_space<vmem>> -> memref<128xi32, #tpu.memory_space<vmem>>
    %dma_start3A_412 = arith.constant 0 : i32
    %dma_start3A_413 = tpu.memref_slice %arg3[%dma_start3A_412] : memref<1000000xf32, #tpu.memory_space<hbm>> -> memref<1000000xf32, #tpu.memory_space<hbm>>
    tpu.enqueue_indirect_dma source(%dma_start3A_413 : memref<1000000xf32, #tpu.memory_space<hbm>>) target(%dma_start3A_408 : memref<128xf32, #tpu.memory_space<vmem>>) offsets(%dma_start3A_411 : memref<128xi32, #tpu.memory_space<vmem>>) semaphore(%arg12 : memref<!tpu.dma_semaphore, #tpu.memory_space<semaphore_mem>>)
    %dma_start3A_414 = arith.constant 23 : i32
    %dma_start3A_415 = arith.constant 2944 : i32
    %dma_start3A_416 = arith.constant 0 : i32
    %dma_start3A_417 = tpu.memref_slice %arg8[%dma_start3A_415, %dma_start3A_416] : memref<3328x32xf32, #tpu.memory_space<vmem>> -> memref<128x32xf32, #tpu.memory_space<vmem>>
    %dma_start3A_418 = arith.constant 0 : i32
    %dma_start3A_419 = tpu.memref_slice %arg7[%dma_start3A_414, %dma_start3A_418] : memref<26x128xi32, #tpu.memory_space<vmem>> -> memref<1x128xi32, #tpu.memory_space<vmem>>
    %dma_start3A_420 = tpu.memref_squeeze %dma_start3A_419 : memref<1x128xi32, #tpu.memory_space<vmem>> -> memref<128xi32, #tpu.memory_space<vmem>>
    %dma_start3A_421 = arith.constant 0 : i32
    %dma_start3A_422 = arith.constant 0 : i32
    %dma_start3A_423 = tpu.memref_slice %arg5[%dma_start3A_421, %dma_start3A_422] : memref<1000000x32xf32, #tpu.memory_space<hbm>> -> memref<1000000x32xf32, #tpu.memory_space<hbm>>
    tpu.enqueue_indirect_dma source(%dma_start3A_423 : memref<1000000x32xf32, #tpu.memory_space<hbm>>) target(%dma_start3A_417 : memref<128x32xf32, #tpu.memory_space<vmem>>) offsets(%dma_start3A_420 : memref<128xi32, #tpu.memory_space<vmem>>) semaphore(%arg12 : memref<!tpu.dma_semaphore, #tpu.memory_space<semaphore_mem>>)
    %dma_start3A_424 = arith.constant 23 : i32
    %dma_start3A_425 = arith.constant 2944 : i32
    %dma_start3A_426 = tpu.memref_slice %arg9[%dma_start3A_425] : memref<3328xf32, #tpu.memory_space<vmem>> -> memref<128xf32, #tpu.memory_space<vmem>>
    %dma_start3A_427 = arith.constant 0 : i32
    %dma_start3A_428 = tpu.memref_slice %arg7[%dma_start3A_424, %dma_start3A_427] : memref<26x128xi32, #tpu.memory_space<vmem>> -> memref<1x128xi32, #tpu.memory_space<vmem>>
    %dma_start3A_429 = tpu.memref_squeeze %dma_start3A_428 : memref<1x128xi32, #tpu.memory_space<vmem>> -> memref<128xi32, #tpu.memory_space<vmem>>
    %dma_start3A_430 = arith.constant 0 : i32
    %dma_start3A_431 = tpu.memref_slice %arg3[%dma_start3A_430] : memref<1000000xf32, #tpu.memory_space<hbm>> -> memref<1000000xf32, #tpu.memory_space<hbm>>
    tpu.enqueue_indirect_dma source(%dma_start3A_431 : memref<1000000xf32, #tpu.memory_space<hbm>>) target(%dma_start3A_426 : memref<128xf32, #tpu.memory_space<vmem>>) offsets(%dma_start3A_429 : memref<128xi32, #tpu.memory_space<vmem>>) semaphore(%arg12 : memref<!tpu.dma_semaphore, #tpu.memory_space<semaphore_mem>>)
    %dma_start3A_432 = arith.constant 24 : i32
    %dma_start3A_433 = arith.constant 3072 : i32
    %dma_start3A_434 = arith.constant 0 : i32
    %dma_start3A_435 = tpu.memref_slice %arg8[%dma_start3A_433, %dma_start3A_434] : memref<3328x32xf32, #tpu.memory_space<vmem>> -> memref<128x32xf32, #tpu.memory_space<vmem>>
    %dma_start3A_436 = arith.constant 0 : i32
    %dma_start3A_437 = tpu.memref_slice %arg7[%dma_start3A_432, %dma_start3A_436] : memref<26x128xi32, #tpu.memory_space<vmem>> -> memref<1x128xi32, #tpu.memory_space<vmem>>
    %dma_start3A_438 = tpu.memref_squeeze %dma_start3A_437 : memref<1x128xi32, #tpu.memory_space<vmem>> -> memref<128xi32, #tpu.memory_space<vmem>>
    %dma_start3A_439 = arith.constant 0 : i32
    %dma_start3A_440 = arith.constant 0 : i32
    %dma_start3A_441 = tpu.memref_slice %arg5[%dma_start3A_439, %dma_start3A_440] : memref<1000000x32xf32, #tpu.memory_space<hbm>> -> memref<1000000x32xf32, #tpu.memory_space<hbm>>
    tpu.enqueue_indirect_dma source(%dma_start3A_441 : memref<1000000x32xf32, #tpu.memory_space<hbm>>) target(%dma_start3A_435 : memref<128x32xf32, #tpu.memory_space<vmem>>) offsets(%dma_start3A_438 : memref<128xi32, #tpu.memory_space<vmem>>) semaphore(%arg12 : memref<!tpu.dma_semaphore, #tpu.memory_space<semaphore_mem>>)
    %dma_start3A_442 = arith.constant 24 : i32
    %dma_start3A_443 = arith.constant 3072 : i32
    %dma_start3A_444 = tpu.memref_slice %arg9[%dma_start3A_443] : memref<3328xf32, #tpu.memory_space<vmem>> -> memref<128xf32, #tpu.memory_space<vmem>>
    %dma_start3A_445 = arith.constant 0 : i32
    %dma_start3A_446 = tpu.memref_slice %arg7[%dma_start3A_442, %dma_start3A_445] : memref<26x128xi32, #tpu.memory_space<vmem>> -> memref<1x128xi32, #tpu.memory_space<vmem>>
    %dma_start3A_447 = tpu.memref_squeeze %dma_start3A_446 : memref<1x128xi32, #tpu.memory_space<vmem>> -> memref<128xi32, #tpu.memory_space<vmem>>
    %dma_start3A_448 = arith.constant 0 : i32
    %dma_start3A_449 = tpu.memref_slice %arg3[%dma_start3A_448] : memref<1000000xf32, #tpu.memory_space<hbm>> -> memref<1000000xf32, #tpu.memory_space<hbm>>
    tpu.enqueue_indirect_dma source(%dma_start3A_449 : memref<1000000xf32, #tpu.memory_space<hbm>>) target(%dma_start3A_444 : memref<128xf32, #tpu.memory_space<vmem>>) offsets(%dma_start3A_447 : memref<128xi32, #tpu.memory_space<vmem>>) semaphore(%arg12 : memref<!tpu.dma_semaphore, #tpu.memory_space<semaphore_mem>>)
    %dma_start3A_450 = arith.constant 25 : i32
    %dma_start3A_451 = arith.constant 3200 : i32
    %dma_start3A_452 = arith.constant 0 : i32
    %dma_start3A_453 = tpu.memref_slice %arg8[%dma_start3A_451, %dma_start3A_452] : memref<3328x32xf32, #tpu.memory_space<vmem>> -> memref<128x32xf32, #tpu.memory_space<vmem>>
    %dma_start3A_454 = arith.constant 0 : i32
    %dma_start3A_455 = tpu.memref_slice %arg7[%dma_start3A_450, %dma_start3A_454] : memref<26x128xi32, #tpu.memory_space<vmem>> -> memref<1x128xi32, #tpu.memory_space<vmem>>
    %dma_start3A_456 = tpu.memref_squeeze %dma_start3A_455 : memref<1x128xi32, #tpu.memory_space<vmem>> -> memref<128xi32, #tpu.memory_space<vmem>>
    %dma_start3A_457 = arith.constant 0 : i32
    %dma_start3A_458 = arith.constant 0 : i32
    %dma_start3A_459 = tpu.memref_slice %arg5[%dma_start3A_457, %dma_start3A_458] : memref<1000000x32xf32, #tpu.memory_space<hbm>> -> memref<1000000x32xf32, #tpu.memory_space<hbm>>
    tpu.enqueue_indirect_dma source(%dma_start3A_459 : memref<1000000x32xf32, #tpu.memory_space<hbm>>) target(%dma_start3A_453 : memref<128x32xf32, #tpu.memory_space<vmem>>) offsets(%dma_start3A_456 : memref<128xi32, #tpu.memory_space<vmem>>) semaphore(%arg12 : memref<!tpu.dma_semaphore, #tpu.memory_space<semaphore_mem>>)
    %dma_start3A_460 = arith.constant 25 : i32
    %dma_start3A_461 = arith.constant 3200 : i32
    %dma_start3A_462 = tpu.memref_slice %arg9[%dma_start3A_461] : memref<3328xf32, #tpu.memory_space<vmem>> -> memref<128xf32, #tpu.memory_space<vmem>>
    %dma_start3A_463 = arith.constant 0 : i32
    %dma_start3A_464 = tpu.memref_slice %arg7[%dma_start3A_460, %dma_start3A_463] : memref<26x128xi32, #tpu.memory_space<vmem>> -> memref<1x128xi32, #tpu.memory_space<vmem>>
    %dma_start3A_465 = tpu.memref_squeeze %dma_start3A_464 : memref<1x128xi32, #tpu.memory_space<vmem>> -> memref<128xi32, #tpu.memory_space<vmem>>
    %dma_start3A_466 = arith.constant 0 : i32
    %dma_start3A_467 = tpu.memref_slice %arg3[%dma_start3A_466] : memref<1000000xf32, #tpu.memory_space<hbm>> -> memref<1000000xf32, #tpu.memory_space<hbm>>
    tpu.enqueue_indirect_dma source(%dma_start3A_467 : memref<1000000xf32, #tpu.memory_space<hbm>>) target(%dma_start3A_462 : memref<128xf32, #tpu.memory_space<vmem>>) offsets(%dma_start3A_465 : memref<128xi32, #tpu.memory_space<vmem>>) semaphore(%arg12 : memref<!tpu.dma_semaphore, #tpu.memory_space<semaphore_mem>>)
    %dma_wait3A = arith.constant 0 : i32
    %dma_wait3A_468 = arith.constant 0 : i32
    %dma_wait3A_469 = arith.constant 0 : i32
    %dma_wait3A_470 = tpu.memref_slice %arg8[%dma_wait3A_468, %dma_wait3A_469] : memref<3328x32xf32, #tpu.memory_space<vmem>> -> memref<128x32xf32, #tpu.memory_space<vmem>>
    %dma_wait3A_471 = arith.constant 0 : i32
    %dma_wait3A_472 = tpu.memref_slice %arg7[%dma_wait3A, %dma_wait3A_471] : memref<26x128xi32, #tpu.memory_space<vmem>> -> memref<1x128xi32, #tpu.memory_space<vmem>>
    %dma_wait3A_473 = tpu.memref_squeeze %dma_wait3A_472 : memref<1x128xi32, #tpu.memory_space<vmem>> -> memref<128xi32, #tpu.memory_space<vmem>>
    %dma_wait3A_474 = arith.constant 0 : i32
    %dma_wait3A_475 = arith.constant 0 : i32
    %dma_wait3A_476 = tpu.memref_slice %arg5[%dma_wait3A_474, %dma_wait3A_475] : memref<1000000x32xf32, #tpu.memory_space<hbm>> -> memref<1000000x32xf32, #tpu.memory_space<hbm>>
    tpu.wait_indirect_dma semaphore(%arg12 : memref<!tpu.dma_semaphore, #tpu.memory_space<semaphore_mem>>) src(%dma_wait3A_476 : memref<1000000x32xf32, #tpu.memory_space<hbm>>) dst(%dma_wait3A_470 : memref<128x32xf32, #tpu.memory_space<vmem>>)
    %dma_wait3A_477 = arith.constant 0 : i32
    %dma_wait3A_478 = arith.constant 0 : i32
    %dma_wait3A_479 = tpu.memref_slice %arg9[%dma_wait3A_478] : memref<3328xf32, #tpu.memory_space<vmem>> -> memref<128xf32, #tpu.memory_space<vmem>>
    %dma_wait3A_480 = arith.constant 0 : i32
    %dma_wait3A_481 = tpu.memref_slice %arg7[%dma_wait3A_477, %dma_wait3A_480] : memref<26x128xi32, #tpu.memory_space<vmem>> -> memref<1x128xi32, #tpu.memory_space<vmem>>
    %dma_wait3A_482 = tpu.memref_squeeze %dma_wait3A_481 : memref<1x128xi32, #tpu.memory_space<vmem>> -> memref<128xi32, #tpu.memory_space<vmem>>
    %dma_wait3A_483 = arith.constant 0 : i32
    %dma_wait3A_484 = tpu.memref_slice %arg3[%dma_wait3A_483] : memref<1000000xf32, #tpu.memory_space<hbm>> -> memref<1000000xf32, #tpu.memory_space<hbm>>
    tpu.wait_indirect_dma semaphore(%arg12 : memref<!tpu.dma_semaphore, #tpu.memory_space<semaphore_mem>>) src(%dma_wait3A_484 : memref<1000000xf32, #tpu.memory_space<hbm>>) dst(%dma_wait3A_479 : memref<128xf32, #tpu.memory_space<vmem>>)
    %dma_wait3A_485 = arith.constant 1 : i32
    %dma_wait3A_486 = arith.constant 128 : i32
    %dma_wait3A_487 = arith.constant 0 : i32
    %dma_wait3A_488 = tpu.memref_slice %arg8[%dma_wait3A_486, %dma_wait3A_487] : memref<3328x32xf32, #tpu.memory_space<vmem>> -> memref<128x32xf32, #tpu.memory_space<vmem>>
    %dma_wait3A_489 = arith.constant 0 : i32
    %dma_wait3A_490 = tpu.memref_slice %arg7[%dma_wait3A_485, %dma_wait3A_489] : memref<26x128xi32, #tpu.memory_space<vmem>> -> memref<1x128xi32, #tpu.memory_space<vmem>>
    %dma_wait3A_491 = tpu.memref_squeeze %dma_wait3A_490 : memref<1x128xi32, #tpu.memory_space<vmem>> -> memref<128xi32, #tpu.memory_space<vmem>>
    %dma_wait3A_492 = arith.constant 0 : i32
    %dma_wait3A_493 = arith.constant 0 : i32
    %dma_wait3A_494 = tpu.memref_slice %arg5[%dma_wait3A_492, %dma_wait3A_493] : memref<1000000x32xf32, #tpu.memory_space<hbm>> -> memref<1000000x32xf32, #tpu.memory_space<hbm>>
    tpu.wait_indirect_dma semaphore(%arg12 : memref<!tpu.dma_semaphore, #tpu.memory_space<semaphore_mem>>) src(%dma_wait3A_494 : memref<1000000x32xf32, #tpu.memory_space<hbm>>) dst(%dma_wait3A_488 : memref<128x32xf32, #tpu.memory_space<vmem>>)
    %dma_wait3A_495 = arith.constant 1 : i32
    %dma_wait3A_496 = arith.constant 128 : i32
    %dma_wait3A_497 = tpu.memref_slice %arg9[%dma_wait3A_496] : memref<3328xf32, #tpu.memory_space<vmem>> -> memref<128xf32, #tpu.memory_space<vmem>>
    %dma_wait3A_498 = arith.constant 0 : i32
    %dma_wait3A_499 = tpu.memref_slice %arg7[%dma_wait3A_495, %dma_wait3A_498] : memref<26x128xi32, #tpu.memory_space<vmem>> -> memref<1x128xi32, #tpu.memory_space<vmem>>
    %dma_wait3A_500 = tpu.memref_squeeze %dma_wait3A_499 : memref<1x128xi32, #tpu.memory_space<vmem>> -> memref<128xi32, #tpu.memory_space<vmem>>
    %dma_wait3A_501 = arith.constant 0 : i32
    %dma_wait3A_502 = tpu.memref_slice %arg3[%dma_wait3A_501] : memref<1000000xf32, #tpu.memory_space<hbm>> -> memref<1000000xf32, #tpu.memory_space<hbm>>
    tpu.wait_indirect_dma semaphore(%arg12 : memref<!tpu.dma_semaphore, #tpu.memory_space<semaphore_mem>>) src(%dma_wait3A_502 : memref<1000000xf32, #tpu.memory_space<hbm>>) dst(%dma_wait3A_497 : memref<128xf32, #tpu.memory_space<vmem>>)
    %dma_wait3A_503 = arith.constant 2 : i32
    %dma_wait3A_504 = arith.constant 256 : i32
    %dma_wait3A_505 = arith.constant 0 : i32
    %dma_wait3A_506 = tpu.memref_slice %arg8[%dma_wait3A_504, %dma_wait3A_505] : memref<3328x32xf32, #tpu.memory_space<vmem>> -> memref<128x32xf32, #tpu.memory_space<vmem>>
    %dma_wait3A_507 = arith.constant 0 : i32
    %dma_wait3A_508 = tpu.memref_slice %arg7[%dma_wait3A_503, %dma_wait3A_507] : memref<26x128xi32, #tpu.memory_space<vmem>> -> memref<1x128xi32, #tpu.memory_space<vmem>>
    %dma_wait3A_509 = tpu.memref_squeeze %dma_wait3A_508 : memref<1x128xi32, #tpu.memory_space<vmem>> -> memref<128xi32, #tpu.memory_space<vmem>>
    %dma_wait3A_510 = arith.constant 0 : i32
    %dma_wait3A_511 = arith.constant 0 : i32
    %dma_wait3A_512 = tpu.memref_slice %arg5[%dma_wait3A_510, %dma_wait3A_511] : memref<1000000x32xf32, #tpu.memory_space<hbm>> -> memref<1000000x32xf32, #tpu.memory_space<hbm>>
    tpu.wait_indirect_dma semaphore(%arg12 : memref<!tpu.dma_semaphore, #tpu.memory_space<semaphore_mem>>) src(%dma_wait3A_512 : memref<1000000x32xf32, #tpu.memory_space<hbm>>) dst(%dma_wait3A_506 : memref<128x32xf32, #tpu.memory_space<vmem>>)
    %dma_wait3A_513 = arith.constant 2 : i32
    %dma_wait3A_514 = arith.constant 256 : i32
    %dma_wait3A_515 = tpu.memref_slice %arg9[%dma_wait3A_514] : memref<3328xf32, #tpu.memory_space<vmem>> -> memref<128xf32, #tpu.memory_space<vmem>>
    %dma_wait3A_516 = arith.constant 0 : i32
    %dma_wait3A_517 = tpu.memref_slice %arg7[%dma_wait3A_513, %dma_wait3A_516] : memref<26x128xi32, #tpu.memory_space<vmem>> -> memref<1x128xi32, #tpu.memory_space<vmem>>
    %dma_wait3A_518 = tpu.memref_squeeze %dma_wait3A_517 : memref<1x128xi32, #tpu.memory_space<vmem>> -> memref<128xi32, #tpu.memory_space<vmem>>
    %dma_wait3A_519 = arith.constant 0 : i32
    %dma_wait3A_520 = tpu.memref_slice %arg3[%dma_wait3A_519] : memref<1000000xf32, #tpu.memory_space<hbm>> -> memref<1000000xf32, #tpu.memory_space<hbm>>
    tpu.wait_indirect_dma semaphore(%arg12 : memref<!tpu.dma_semaphore, #tpu.memory_space<semaphore_mem>>) src(%dma_wait3A_520 : memref<1000000xf32, #tpu.memory_space<hbm>>) dst(%dma_wait3A_515 : memref<128xf32, #tpu.memory_space<vmem>>)
    %dma_wait3A_521 = arith.constant 3 : i32
    %dma_wait3A_522 = arith.constant 384 : i32
    %dma_wait3A_523 = arith.constant 0 : i32
    %dma_wait3A_524 = tpu.memref_slice %arg8[%dma_wait3A_522, %dma_wait3A_523] : memref<3328x32xf32, #tpu.memory_space<vmem>> -> memref<128x32xf32, #tpu.memory_space<vmem>>
    %dma_wait3A_525 = arith.constant 0 : i32
    %dma_wait3A_526 = tpu.memref_slice %arg7[%dma_wait3A_521, %dma_wait3A_525] : memref<26x128xi32, #tpu.memory_space<vmem>> -> memref<1x128xi32, #tpu.memory_space<vmem>>
    %dma_wait3A_527 = tpu.memref_squeeze %dma_wait3A_526 : memref<1x128xi32, #tpu.memory_space<vmem>> -> memref<128xi32, #tpu.memory_space<vmem>>
    %dma_wait3A_528 = arith.constant 0 : i32
    %dma_wait3A_529 = arith.constant 0 : i32
    %dma_wait3A_530 = tpu.memref_slice %arg5[%dma_wait3A_528, %dma_wait3A_529] : memref<1000000x32xf32, #tpu.memory_space<hbm>> -> memref<1000000x32xf32, #tpu.memory_space<hbm>>
    tpu.wait_indirect_dma semaphore(%arg12 : memref<!tpu.dma_semaphore, #tpu.memory_space<semaphore_mem>>) src(%dma_wait3A_530 : memref<1000000x32xf32, #tpu.memory_space<hbm>>) dst(%dma_wait3A_524 : memref<128x32xf32, #tpu.memory_space<vmem>>)
    %dma_wait3A_531 = arith.constant 3 : i32
    %dma_wait3A_532 = arith.constant 384 : i32
    %dma_wait3A_533 = tpu.memref_slice %arg9[%dma_wait3A_532] : memref<3328xf32, #tpu.memory_space<vmem>> -> memref<128xf32, #tpu.memory_space<vmem>>
    %dma_wait3A_534 = arith.constant 0 : i32
    %dma_wait3A_535 = tpu.memref_slice %arg7[%dma_wait3A_531, %dma_wait3A_534] : memref<26x128xi32, #tpu.memory_space<vmem>> -> memref<1x128xi32, #tpu.memory_space<vmem>>
    %dma_wait3A_536 = tpu.memref_squeeze %dma_wait3A_535 : memref<1x128xi32, #tpu.memory_space<vmem>> -> memref<128xi32, #tpu.memory_space<vmem>>
    %dma_wait3A_537 = arith.constant 0 : i32
    %dma_wait3A_538 = tpu.memref_slice %arg3[%dma_wait3A_537] : memref<1000000xf32, #tpu.memory_space<hbm>> -> memref<1000000xf32, #tpu.memory_space<hbm>>
    tpu.wait_indirect_dma semaphore(%arg12 : memref<!tpu.dma_semaphore, #tpu.memory_space<semaphore_mem>>) src(%dma_wait3A_538 : memref<1000000xf32, #tpu.memory_space<hbm>>) dst(%dma_wait3A_533 : memref<128xf32, #tpu.memory_space<vmem>>)
    %dma_wait3A_539 = arith.constant 4 : i32
    %dma_wait3A_540 = arith.constant 512 : i32
    %dma_wait3A_541 = arith.constant 0 : i32
    %dma_wait3A_542 = tpu.memref_slice %arg8[%dma_wait3A_540, %dma_wait3A_541] : memref<3328x32xf32, #tpu.memory_space<vmem>> -> memref<128x32xf32, #tpu.memory_space<vmem>>
    %dma_wait3A_543 = arith.constant 0 : i32
    %dma_wait3A_544 = tpu.memref_slice %arg7[%dma_wait3A_539, %dma_wait3A_543] : memref<26x128xi32, #tpu.memory_space<vmem>> -> memref<1x128xi32, #tpu.memory_space<vmem>>
    %dma_wait3A_545 = tpu.memref_squeeze %dma_wait3A_544 : memref<1x128xi32, #tpu.memory_space<vmem>> -> memref<128xi32, #tpu.memory_space<vmem>>
    %dma_wait3A_546 = arith.constant 0 : i32
    %dma_wait3A_547 = arith.constant 0 : i32
    %dma_wait3A_548 = tpu.memref_slice %arg5[%dma_wait3A_546, %dma_wait3A_547] : memref<1000000x32xf32, #tpu.memory_space<hbm>> -> memref<1000000x32xf32, #tpu.memory_space<hbm>>
    tpu.wait_indirect_dma semaphore(%arg12 : memref<!tpu.dma_semaphore, #tpu.memory_space<semaphore_mem>>) src(%dma_wait3A_548 : memref<1000000x32xf32, #tpu.memory_space<hbm>>) dst(%dma_wait3A_542 : memref<128x32xf32, #tpu.memory_space<vmem>>)
    %dma_wait3A_549 = arith.constant 4 : i32
    %dma_wait3A_550 = arith.constant 512 : i32
    %dma_wait3A_551 = tpu.memref_slice %arg9[%dma_wait3A_550] : memref<3328xf32, #tpu.memory_space<vmem>> -> memref<128xf32, #tpu.memory_space<vmem>>
    %dma_wait3A_552 = arith.constant 0 : i32
    %dma_wait3A_553 = tpu.memref_slice %arg7[%dma_wait3A_549, %dma_wait3A_552] : memref<26x128xi32, #tpu.memory_space<vmem>> -> memref<1x128xi32, #tpu.memory_space<vmem>>
    %dma_wait3A_554 = tpu.memref_squeeze %dma_wait3A_553 : memref<1x128xi32, #tpu.memory_space<vmem>> -> memref<128xi32, #tpu.memory_space<vmem>>
    %dma_wait3A_555 = arith.constant 0 : i32
    %dma_wait3A_556 = tpu.memref_slice %arg3[%dma_wait3A_555] : memref<1000000xf32, #tpu.memory_space<hbm>> -> memref<1000000xf32, #tpu.memory_space<hbm>>
    tpu.wait_indirect_dma semaphore(%arg12 : memref<!tpu.dma_semaphore, #tpu.memory_space<semaphore_mem>>) src(%dma_wait3A_556 : memref<1000000xf32, #tpu.memory_space<hbm>>) dst(%dma_wait3A_551 : memref<128xf32, #tpu.memory_space<vmem>>)
    %dma_wait3A_557 = arith.constant 5 : i32
    %dma_wait3A_558 = arith.constant 640 : i32
    %dma_wait3A_559 = arith.constant 0 : i32
    %dma_wait3A_560 = tpu.memref_slice %arg8[%dma_wait3A_558, %dma_wait3A_559] : memref<3328x32xf32, #tpu.memory_space<vmem>> -> memref<128x32xf32, #tpu.memory_space<vmem>>
    %dma_wait3A_561 = arith.constant 0 : i32
    %dma_wait3A_562 = tpu.memref_slice %arg7[%dma_wait3A_557, %dma_wait3A_561] : memref<26x128xi32, #tpu.memory_space<vmem>> -> memref<1x128xi32, #tpu.memory_space<vmem>>
    %dma_wait3A_563 = tpu.memref_squeeze %dma_wait3A_562 : memref<1x128xi32, #tpu.memory_space<vmem>> -> memref<128xi32, #tpu.memory_space<vmem>>
    %dma_wait3A_564 = arith.constant 0 : i32
    %dma_wait3A_565 = arith.constant 0 : i32
    %dma_wait3A_566 = tpu.memref_slice %arg5[%dma_wait3A_564, %dma_wait3A_565] : memref<1000000x32xf32, #tpu.memory_space<hbm>> -> memref<1000000x32xf32, #tpu.memory_space<hbm>>
    tpu.wait_indirect_dma semaphore(%arg12 : memref<!tpu.dma_semaphore, #tpu.memory_space<semaphore_mem>>) src(%dma_wait3A_566 : memref<1000000x32xf32, #tpu.memory_space<hbm>>) dst(%dma_wait3A_560 : memref<128x32xf32, #tpu.memory_space<vmem>>)
    %dma_wait3A_567 = arith.constant 5 : i32
    %dma_wait3A_568 = arith.constant 640 : i32
    %dma_wait3A_569 = tpu.memref_slice %arg9[%dma_wait3A_568] : memref<3328xf32, #tpu.memory_space<vmem>> -> memref<128xf32, #tpu.memory_space<vmem>>
    %dma_wait3A_570 = arith.constant 0 : i32
    %dma_wait3A_571 = tpu.memref_slice %arg7[%dma_wait3A_567, %dma_wait3A_570] : memref<26x128xi32, #tpu.memory_space<vmem>> -> memref<1x128xi32, #tpu.memory_space<vmem>>
    %dma_wait3A_572 = tpu.memref_squeeze %dma_wait3A_571 : memref<1x128xi32, #tpu.memory_space<vmem>> -> memref<128xi32, #tpu.memory_space<vmem>>
    %dma_wait3A_573 = arith.constant 0 : i32
    %dma_wait3A_574 = tpu.memref_slice %arg3[%dma_wait3A_573] : memref<1000000xf32, #tpu.memory_space<hbm>> -> memref<1000000xf32, #tpu.memory_space<hbm>>
    tpu.wait_indirect_dma semaphore(%arg12 : memref<!tpu.dma_semaphore, #tpu.memory_space<semaphore_mem>>) src(%dma_wait3A_574 : memref<1000000xf32, #tpu.memory_space<hbm>>) dst(%dma_wait3A_569 : memref<128xf32, #tpu.memory_space<vmem>>)
    %dma_wait3A_575 = arith.constant 6 : i32
    %dma_wait3A_576 = arith.constant 768 : i32
    %dma_wait3A_577 = arith.constant 0 : i32
    %dma_wait3A_578 = tpu.memref_slice %arg8[%dma_wait3A_576, %dma_wait3A_577] : memref<3328x32xf32, #tpu.memory_space<vmem>> -> memref<128x32xf32, #tpu.memory_space<vmem>>
    %dma_wait3A_579 = arith.constant 0 : i32
    %dma_wait3A_580 = tpu.memref_slice %arg7[%dma_wait3A_575, %dma_wait3A_579] : memref<26x128xi32, #tpu.memory_space<vmem>> -> memref<1x128xi32, #tpu.memory_space<vmem>>
    %dma_wait3A_581 = tpu.memref_squeeze %dma_wait3A_580 : memref<1x128xi32, #tpu.memory_space<vmem>> -> memref<128xi32, #tpu.memory_space<vmem>>
    %dma_wait3A_582 = arith.constant 0 : i32
    %dma_wait3A_583 = arith.constant 0 : i32
    %dma_wait3A_584 = tpu.memref_slice %arg5[%dma_wait3A_582, %dma_wait3A_583] : memref<1000000x32xf32, #tpu.memory_space<hbm>> -> memref<1000000x32xf32, #tpu.memory_space<hbm>>
    tpu.wait_indirect_dma semaphore(%arg12 : memref<!tpu.dma_semaphore, #tpu.memory_space<semaphore_mem>>) src(%dma_wait3A_584 : memref<1000000x32xf32, #tpu.memory_space<hbm>>) dst(%dma_wait3A_578 : memref<128x32xf32, #tpu.memory_space<vmem>>)
    %dma_wait3A_585 = arith.constant 6 : i32
    %dma_wait3A_586 = arith.constant 768 : i32
    %dma_wait3A_587 = tpu.memref_slice %arg9[%dma_wait3A_586] : memref<3328xf32, #tpu.memory_space<vmem>> -> memref<128xf32, #tpu.memory_space<vmem>>
    %dma_wait3A_588 = arith.constant 0 : i32
    %dma_wait3A_589 = tpu.memref_slice %arg7[%dma_wait3A_585, %dma_wait3A_588] : memref<26x128xi32, #tpu.memory_space<vmem>> -> memref<1x128xi32, #tpu.memory_space<vmem>>
    %dma_wait3A_590 = tpu.memref_squeeze %dma_wait3A_589 : memref<1x128xi32, #tpu.memory_space<vmem>> -> memref<128xi32, #tpu.memory_space<vmem>>
    %dma_wait3A_591 = arith.constant 0 : i32
    %dma_wait3A_592 = tpu.memref_slice %arg3[%dma_wait3A_591] : memref<1000000xf32, #tpu.memory_space<hbm>> -> memref<1000000xf32, #tpu.memory_space<hbm>>
    tpu.wait_indirect_dma semaphore(%arg12 : memref<!tpu.dma_semaphore, #tpu.memory_space<semaphore_mem>>) src(%dma_wait3A_592 : memref<1000000xf32, #tpu.memory_space<hbm>>) dst(%dma_wait3A_587 : memref<128xf32, #tpu.memory_space<vmem>>)
    %dma_wait3A_593 = arith.constant 7 : i32
    %dma_wait3A_594 = arith.constant 896 : i32
    %dma_wait3A_595 = arith.constant 0 : i32
    %dma_wait3A_596 = tpu.memref_slice %arg8[%dma_wait3A_594, %dma_wait3A_595] : memref<3328x32xf32, #tpu.memory_space<vmem>> -> memref<128x32xf32, #tpu.memory_space<vmem>>
    %dma_wait3A_597 = arith.constant 0 : i32
    %dma_wait3A_598 = tpu.memref_slice %arg7[%dma_wait3A_593, %dma_wait3A_597] : memref<26x128xi32, #tpu.memory_space<vmem>> -> memref<1x128xi32, #tpu.memory_space<vmem>>
    %dma_wait3A_599 = tpu.memref_squeeze %dma_wait3A_598 : memref<1x128xi32, #tpu.memory_space<vmem>> -> memref<128xi32, #tpu.memory_space<vmem>>
    %dma_wait3A_600 = arith.constant 0 : i32
    %dma_wait3A_601 = arith.constant 0 : i32
    %dma_wait3A_602 = tpu.memref_slice %arg5[%dma_wait3A_600, %dma_wait3A_601] : memref<1000000x32xf32, #tpu.memory_space<hbm>> -> memref<1000000x32xf32, #tpu.memory_space<hbm>>
    tpu.wait_indirect_dma semaphore(%arg12 : memref<!tpu.dma_semaphore, #tpu.memory_space<semaphore_mem>>) src(%dma_wait3A_602 : memref<1000000x32xf32, #tpu.memory_space<hbm>>) dst(%dma_wait3A_596 : memref<128x32xf32, #tpu.memory_space<vmem>>)
    %dma_wait3A_603 = arith.constant 7 : i32
    %dma_wait3A_604 = arith.constant 896 : i32
    %dma_wait3A_605 = tpu.memref_slice %arg9[%dma_wait3A_604] : memref<3328xf32, #tpu.memory_space<vmem>> -> memref<128xf32, #tpu.memory_space<vmem>>
    %dma_wait3A_606 = arith.constant 0 : i32
    %dma_wait3A_607 = tpu.memref_slice %arg7[%dma_wait3A_603, %dma_wait3A_606] : memref<26x128xi32, #tpu.memory_space<vmem>> -> memref<1x128xi32, #tpu.memory_space<vmem>>
    %dma_wait3A_608 = tpu.memref_squeeze %dma_wait3A_607 : memref<1x128xi32, #tpu.memory_space<vmem>> -> memref<128xi32, #tpu.memory_space<vmem>>
    %dma_wait3A_609 = arith.constant 0 : i32
    %dma_wait3A_610 = tpu.memref_slice %arg3[%dma_wait3A_609] : memref<1000000xf32, #tpu.memory_space<hbm>> -> memref<1000000xf32, #tpu.memory_space<hbm>>
    tpu.wait_indirect_dma semaphore(%arg12 : memref<!tpu.dma_semaphore, #tpu.memory_space<semaphore_mem>>) src(%dma_wait3A_610 : memref<1000000xf32, #tpu.memory_space<hbm>>) dst(%dma_wait3A_605 : memref<128xf32, #tpu.memory_space<vmem>>)
    %dma_wait3A_611 = arith.constant 8 : i32
    %dma_wait3A_612 = arith.constant 1024 : i32
    %dma_wait3A_613 = arith.constant 0 : i32
    %dma_wait3A_614 = tpu.memref_slice %arg8[%dma_wait3A_612, %dma_wait3A_613] : memref<3328x32xf32, #tpu.memory_space<vmem>> -> memref<128x32xf32, #tpu.memory_space<vmem>>
    %dma_wait3A_615 = arith.constant 0 : i32
    %dma_wait3A_616 = tpu.memref_slice %arg7[%dma_wait3A_611, %dma_wait3A_615] : memref<26x128xi32, #tpu.memory_space<vmem>> -> memref<1x128xi32, #tpu.memory_space<vmem>>
    %dma_wait3A_617 = tpu.memref_squeeze %dma_wait3A_616 : memref<1x128xi32, #tpu.memory_space<vmem>> -> memref<128xi32, #tpu.memory_space<vmem>>
    %dma_wait3A_618 = arith.constant 0 : i32
    %dma_wait3A_619 = arith.constant 0 : i32
    %dma_wait3A_620 = tpu.memref_slice %arg5[%dma_wait3A_618, %dma_wait3A_619] : memref<1000000x32xf32, #tpu.memory_space<hbm>> -> memref<1000000x32xf32, #tpu.memory_space<hbm>>
    tpu.wait_indirect_dma semaphore(%arg12 : memref<!tpu.dma_semaphore, #tpu.memory_space<semaphore_mem>>) src(%dma_wait3A_620 : memref<1000000x32xf32, #tpu.memory_space<hbm>>) dst(%dma_wait3A_614 : memref<128x32xf32, #tpu.memory_space<vmem>>)
    %dma_wait3A_621 = arith.constant 8 : i32
    %dma_wait3A_622 = arith.constant 1024 : i32
    %dma_wait3A_623 = tpu.memref_slice %arg9[%dma_wait3A_622] : memref<3328xf32, #tpu.memory_space<vmem>> -> memref<128xf32, #tpu.memory_space<vmem>>
    %dma_wait3A_624 = arith.constant 0 : i32
    %dma_wait3A_625 = tpu.memref_slice %arg7[%dma_wait3A_621, %dma_wait3A_624] : memref<26x128xi32, #tpu.memory_space<vmem>> -> memref<1x128xi32, #tpu.memory_space<vmem>>
    %dma_wait3A_626 = tpu.memref_squeeze %dma_wait3A_625 : memref<1x128xi32, #tpu.memory_space<vmem>> -> memref<128xi32, #tpu.memory_space<vmem>>
    %dma_wait3A_627 = arith.constant 0 : i32
    %dma_wait3A_628 = tpu.memref_slice %arg3[%dma_wait3A_627] : memref<1000000xf32, #tpu.memory_space<hbm>> -> memref<1000000xf32, #tpu.memory_space<hbm>>
    tpu.wait_indirect_dma semaphore(%arg12 : memref<!tpu.dma_semaphore, #tpu.memory_space<semaphore_mem>>) src(%dma_wait3A_628 : memref<1000000xf32, #tpu.memory_space<hbm>>) dst(%dma_wait3A_623 : memref<128xf32, #tpu.memory_space<vmem>>)
    %dma_wait3A_629 = arith.constant 9 : i32
    %dma_wait3A_630 = arith.constant 1152 : i32
    %dma_wait3A_631 = arith.constant 0 : i32
    %dma_wait3A_632 = tpu.memref_slice %arg8[%dma_wait3A_630, %dma_wait3A_631] : memref<3328x32xf32, #tpu.memory_space<vmem>> -> memref<128x32xf32, #tpu.memory_space<vmem>>
    %dma_wait3A_633 = arith.constant 0 : i32
    %dma_wait3A_634 = tpu.memref_slice %arg7[%dma_wait3A_629, %dma_wait3A_633] : memref<26x128xi32, #tpu.memory_space<vmem>> -> memref<1x128xi32, #tpu.memory_space<vmem>>
    %dma_wait3A_635 = tpu.memref_squeeze %dma_wait3A_634 : memref<1x128xi32, #tpu.memory_space<vmem>> -> memref<128xi32, #tpu.memory_space<vmem>>
    %dma_wait3A_636 = arith.constant 0 : i32
    %dma_wait3A_637 = arith.constant 0 : i32
    %dma_wait3A_638 = tpu.memref_slice %arg5[%dma_wait3A_636, %dma_wait3A_637] : memref<1000000x32xf32, #tpu.memory_space<hbm>> -> memref<1000000x32xf32, #tpu.memory_space<hbm>>
    tpu.wait_indirect_dma semaphore(%arg12 : memref<!tpu.dma_semaphore, #tpu.memory_space<semaphore_mem>>) src(%dma_wait3A_638 : memref<1000000x32xf32, #tpu.memory_space<hbm>>) dst(%dma_wait3A_632 : memref<128x32xf32, #tpu.memory_space<vmem>>)
    %dma_wait3A_639 = arith.constant 9 : i32
    %dma_wait3A_640 = arith.constant 1152 : i32
    %dma_wait3A_641 = tpu.memref_slice %arg9[%dma_wait3A_640] : memref<3328xf32, #tpu.memory_space<vmem>> -> memref<128xf32, #tpu.memory_space<vmem>>
    %dma_wait3A_642 = arith.constant 0 : i32
    %dma_wait3A_643 = tpu.memref_slice %arg7[%dma_wait3A_639, %dma_wait3A_642] : memref<26x128xi32, #tpu.memory_space<vmem>> -> memref<1x128xi32, #tpu.memory_space<vmem>>
    %dma_wait3A_644 = tpu.memref_squeeze %dma_wait3A_643 : memref<1x128xi32, #tpu.memory_space<vmem>> -> memref<128xi32, #tpu.memory_space<vmem>>
    %dma_wait3A_645 = arith.constant 0 : i32
    %dma_wait3A_646 = tpu.memref_slice %arg3[%dma_wait3A_645] : memref<1000000xf32, #tpu.memory_space<hbm>> -> memref<1000000xf32, #tpu.memory_space<hbm>>
    tpu.wait_indirect_dma semaphore(%arg12 : memref<!tpu.dma_semaphore, #tpu.memory_space<semaphore_mem>>) src(%dma_wait3A_646 : memref<1000000xf32, #tpu.memory_space<hbm>>) dst(%dma_wait3A_641 : memref<128xf32, #tpu.memory_space<vmem>>)
    %dma_wait3A_647 = arith.constant 10 : i32
    %dma_wait3A_648 = arith.constant 1280 : i32
    %dma_wait3A_649 = arith.constant 0 : i32
    %dma_wait3A_650 = tpu.memref_slice %arg8[%dma_wait3A_648, %dma_wait3A_649] : memref<3328x32xf32, #tpu.memory_space<vmem>> -> memref<128x32xf32, #tpu.memory_space<vmem>>
    %dma_wait3A_651 = arith.constant 0 : i32
    %dma_wait3A_652 = tpu.memref_slice %arg7[%dma_wait3A_647, %dma_wait3A_651] : memref<26x128xi32, #tpu.memory_space<vmem>> -> memref<1x128xi32, #tpu.memory_space<vmem>>
    %dma_wait3A_653 = tpu.memref_squeeze %dma_wait3A_652 : memref<1x128xi32, #tpu.memory_space<vmem>> -> memref<128xi32, #tpu.memory_space<vmem>>
    %dma_wait3A_654 = arith.constant 0 : i32
    %dma_wait3A_655 = arith.constant 0 : i32
    %dma_wait3A_656 = tpu.memref_slice %arg5[%dma_wait3A_654, %dma_wait3A_655] : memref<1000000x32xf32, #tpu.memory_space<hbm>> -> memref<1000000x32xf32, #tpu.memory_space<hbm>>
    tpu.wait_indirect_dma semaphore(%arg12 : memref<!tpu.dma_semaphore, #tpu.memory_space<semaphore_mem>>) src(%dma_wait3A_656 : memref<1000000x32xf32, #tpu.memory_space<hbm>>) dst(%dma_wait3A_650 : memref<128x32xf32, #tpu.memory_space<vmem>>)
    %dma_wait3A_657 = arith.constant 10 : i32
    %dma_wait3A_658 = arith.constant 1280 : i32
    %dma_wait3A_659 = tpu.memref_slice %arg9[%dma_wait3A_658] : memref<3328xf32, #tpu.memory_space<vmem>> -> memref<128xf32, #tpu.memory_space<vmem>>
    %dma_wait3A_660 = arith.constant 0 : i32
    %dma_wait3A_661 = tpu.memref_slice %arg7[%dma_wait3A_657, %dma_wait3A_660] : memref<26x128xi32, #tpu.memory_space<vmem>> -> memref<1x128xi32, #tpu.memory_space<vmem>>
    %dma_wait3A_662 = tpu.memref_squeeze %dma_wait3A_661 : memref<1x128xi32, #tpu.memory_space<vmem>> -> memref<128xi32, #tpu.memory_space<vmem>>
    %dma_wait3A_663 = arith.constant 0 : i32
    %dma_wait3A_664 = tpu.memref_slice %arg3[%dma_wait3A_663] : memref<1000000xf32, #tpu.memory_space<hbm>> -> memref<1000000xf32, #tpu.memory_space<hbm>>
    tpu.wait_indirect_dma semaphore(%arg12 : memref<!tpu.dma_semaphore, #tpu.memory_space<semaphore_mem>>) src(%dma_wait3A_664 : memref<1000000xf32, #tpu.memory_space<hbm>>) dst(%dma_wait3A_659 : memref<128xf32, #tpu.memory_space<vmem>>)
    %dma_wait3A_665 = arith.constant 11 : i32
    %dma_wait3A_666 = arith.constant 1408 : i32
    %dma_wait3A_667 = arith.constant 0 : i32
    %dma_wait3A_668 = tpu.memref_slice %arg8[%dma_wait3A_666, %dma_wait3A_667] : memref<3328x32xf32, #tpu.memory_space<vmem>> -> memref<128x32xf32, #tpu.memory_space<vmem>>
    %dma_wait3A_669 = arith.constant 0 : i32
    %dma_wait3A_670 = tpu.memref_slice %arg7[%dma_wait3A_665, %dma_wait3A_669] : memref<26x128xi32, #tpu.memory_space<vmem>> -> memref<1x128xi32, #tpu.memory_space<vmem>>
    %dma_wait3A_671 = tpu.memref_squeeze %dma_wait3A_670 : memref<1x128xi32, #tpu.memory_space<vmem>> -> memref<128xi32, #tpu.memory_space<vmem>>
    %dma_wait3A_672 = arith.constant 0 : i32
    %dma_wait3A_673 = arith.constant 0 : i32
    %dma_wait3A_674 = tpu.memref_slice %arg5[%dma_wait3A_672, %dma_wait3A_673] : memref<1000000x32xf32, #tpu.memory_space<hbm>> -> memref<1000000x32xf32, #tpu.memory_space<hbm>>
    tpu.wait_indirect_dma semaphore(%arg12 : memref<!tpu.dma_semaphore, #tpu.memory_space<semaphore_mem>>) src(%dma_wait3A_674 : memref<1000000x32xf32, #tpu.memory_space<hbm>>) dst(%dma_wait3A_668 : memref<128x32xf32, #tpu.memory_space<vmem>>)
    %dma_wait3A_675 = arith.constant 11 : i32
    %dma_wait3A_676 = arith.constant 1408 : i32
    %dma_wait3A_677 = tpu.memref_slice %arg9[%dma_wait3A_676] : memref<3328xf32, #tpu.memory_space<vmem>> -> memref<128xf32, #tpu.memory_space<vmem>>
    %dma_wait3A_678 = arith.constant 0 : i32
    %dma_wait3A_679 = tpu.memref_slice %arg7[%dma_wait3A_675, %dma_wait3A_678] : memref<26x128xi32, #tpu.memory_space<vmem>> -> memref<1x128xi32, #tpu.memory_space<vmem>>
    %dma_wait3A_680 = tpu.memref_squeeze %dma_wait3A_679 : memref<1x128xi32, #tpu.memory_space<vmem>> -> memref<128xi32, #tpu.memory_space<vmem>>
    %dma_wait3A_681 = arith.constant 0 : i32
    %dma_wait3A_682 = tpu.memref_slice %arg3[%dma_wait3A_681] : memref<1000000xf32, #tpu.memory_space<hbm>> -> memref<1000000xf32, #tpu.memory_space<hbm>>
    tpu.wait_indirect_dma semaphore(%arg12 : memref<!tpu.dma_semaphore, #tpu.memory_space<semaphore_mem>>) src(%dma_wait3A_682 : memref<1000000xf32, #tpu.memory_space<hbm>>) dst(%dma_wait3A_677 : memref<128xf32, #tpu.memory_space<vmem>>)
    %dma_wait3A_683 = arith.constant 12 : i32
    %dma_wait3A_684 = arith.constant 1536 : i32
    %dma_wait3A_685 = arith.constant 0 : i32
    %dma_wait3A_686 = tpu.memref_slice %arg8[%dma_wait3A_684, %dma_wait3A_685] : memref<3328x32xf32, #tpu.memory_space<vmem>> -> memref<128x32xf32, #tpu.memory_space<vmem>>
    %dma_wait3A_687 = arith.constant 0 : i32
    %dma_wait3A_688 = tpu.memref_slice %arg7[%dma_wait3A_683, %dma_wait3A_687] : memref<26x128xi32, #tpu.memory_space<vmem>> -> memref<1x128xi32, #tpu.memory_space<vmem>>
    %dma_wait3A_689 = tpu.memref_squeeze %dma_wait3A_688 : memref<1x128xi32, #tpu.memory_space<vmem>> -> memref<128xi32, #tpu.memory_space<vmem>>
    %dma_wait3A_690 = arith.constant 0 : i32
    %dma_wait3A_691 = arith.constant 0 : i32
    %dma_wait3A_692 = tpu.memref_slice %arg5[%dma_wait3A_690, %dma_wait3A_691] : memref<1000000x32xf32, #tpu.memory_space<hbm>> -> memref<1000000x32xf32, #tpu.memory_space<hbm>>
    tpu.wait_indirect_dma semaphore(%arg12 : memref<!tpu.dma_semaphore, #tpu.memory_space<semaphore_mem>>) src(%dma_wait3A_692 : memref<1000000x32xf32, #tpu.memory_space<hbm>>) dst(%dma_wait3A_686 : memref<128x32xf32, #tpu.memory_space<vmem>>)
    %dma_wait3A_693 = arith.constant 12 : i32
    %dma_wait3A_694 = arith.constant 1536 : i32
    %dma_wait3A_695 = tpu.memref_slice %arg9[%dma_wait3A_694] : memref<3328xf32, #tpu.memory_space<vmem>> -> memref<128xf32, #tpu.memory_space<vmem>>
    %dma_wait3A_696 = arith.constant 0 : i32
    %dma_wait3A_697 = tpu.memref_slice %arg7[%dma_wait3A_693, %dma_wait3A_696] : memref<26x128xi32, #tpu.memory_space<vmem>> -> memref<1x128xi32, #tpu.memory_space<vmem>>
    %dma_wait3A_698 = tpu.memref_squeeze %dma_wait3A_697 : memref<1x128xi32, #tpu.memory_space<vmem>> -> memref<128xi32, #tpu.memory_space<vmem>>
    %dma_wait3A_699 = arith.constant 0 : i32
    %dma_wait3A_700 = tpu.memref_slice %arg3[%dma_wait3A_699] : memref<1000000xf32, #tpu.memory_space<hbm>> -> memref<1000000xf32, #tpu.memory_space<hbm>>
    tpu.wait_indirect_dma semaphore(%arg12 : memref<!tpu.dma_semaphore, #tpu.memory_space<semaphore_mem>>) src(%dma_wait3A_700 : memref<1000000xf32, #tpu.memory_space<hbm>>) dst(%dma_wait3A_695 : memref<128xf32, #tpu.memory_space<vmem>>)
    %dma_wait3A_701 = arith.constant 13 : i32
    %dma_wait3A_702 = arith.constant 1664 : i32
    %dma_wait3A_703 = arith.constant 0 : i32
    %dma_wait3A_704 = tpu.memref_slice %arg8[%dma_wait3A_702, %dma_wait3A_703] : memref<3328x32xf32, #tpu.memory_space<vmem>> -> memref<128x32xf32, #tpu.memory_space<vmem>>
    %dma_wait3A_705 = arith.constant 0 : i32
    %dma_wait3A_706 = tpu.memref_slice %arg7[%dma_wait3A_701, %dma_wait3A_705] : memref<26x128xi32, #tpu.memory_space<vmem>> -> memref<1x128xi32, #tpu.memory_space<vmem>>
    %dma_wait3A_707 = tpu.memref_squeeze %dma_wait3A_706 : memref<1x128xi32, #tpu.memory_space<vmem>> -> memref<128xi32, #tpu.memory_space<vmem>>
    %dma_wait3A_708 = arith.constant 0 : i32
    %dma_wait3A_709 = arith.constant 0 : i32
    %dma_wait3A_710 = tpu.memref_slice %arg5[%dma_wait3A_708, %dma_wait3A_709] : memref<1000000x32xf32, #tpu.memory_space<hbm>> -> memref<1000000x32xf32, #tpu.memory_space<hbm>>
    tpu.wait_indirect_dma semaphore(%arg12 : memref<!tpu.dma_semaphore, #tpu.memory_space<semaphore_mem>>) src(%dma_wait3A_710 : memref<1000000x32xf32, #tpu.memory_space<hbm>>) dst(%dma_wait3A_704 : memref<128x32xf32, #tpu.memory_space<vmem>>)
    %dma_wait3A_711 = arith.constant 13 : i32
    %dma_wait3A_712 = arith.constant 1664 : i32
    %dma_wait3A_713 = tpu.memref_slice %arg9[%dma_wait3A_712] : memref<3328xf32, #tpu.memory_space<vmem>> -> memref<128xf32, #tpu.memory_space<vmem>>
    %dma_wait3A_714 = arith.constant 0 : i32
    %dma_wait3A_715 = tpu.memref_slice %arg7[%dma_wait3A_711, %dma_wait3A_714] : memref<26x128xi32, #tpu.memory_space<vmem>> -> memref<1x128xi32, #tpu.memory_space<vmem>>
    %dma_wait3A_716 = tpu.memref_squeeze %dma_wait3A_715 : memref<1x128xi32, #tpu.memory_space<vmem>> -> memref<128xi32, #tpu.memory_space<vmem>>
    %dma_wait3A_717 = arith.constant 0 : i32
    %dma_wait3A_718 = tpu.memref_slice %arg3[%dma_wait3A_717] : memref<1000000xf32, #tpu.memory_space<hbm>> -> memref<1000000xf32, #tpu.memory_space<hbm>>
    tpu.wait_indirect_dma semaphore(%arg12 : memref<!tpu.dma_semaphore, #tpu.memory_space<semaphore_mem>>) src(%dma_wait3A_718 : memref<1000000xf32, #tpu.memory_space<hbm>>) dst(%dma_wait3A_713 : memref<128xf32, #tpu.memory_space<vmem>>)
    %dma_wait3A_719 = arith.constant 14 : i32
    %dma_wait3A_720 = arith.constant 1792 : i32
    %dma_wait3A_721 = arith.constant 0 : i32
    %dma_wait3A_722 = tpu.memref_slice %arg8[%dma_wait3A_720, %dma_wait3A_721] : memref<3328x32xf32, #tpu.memory_space<vmem>> -> memref<128x32xf32, #tpu.memory_space<vmem>>
    %dma_wait3A_723 = arith.constant 0 : i32
    %dma_wait3A_724 = tpu.memref_slice %arg7[%dma_wait3A_719, %dma_wait3A_723] : memref<26x128xi32, #tpu.memory_space<vmem>> -> memref<1x128xi32, #tpu.memory_space<vmem>>
    %dma_wait3A_725 = tpu.memref_squeeze %dma_wait3A_724 : memref<1x128xi32, #tpu.memory_space<vmem>> -> memref<128xi32, #tpu.memory_space<vmem>>
    %dma_wait3A_726 = arith.constant 0 : i32
    %dma_wait3A_727 = arith.constant 0 : i32
    %dma_wait3A_728 = tpu.memref_slice %arg5[%dma_wait3A_726, %dma_wait3A_727] : memref<1000000x32xf32, #tpu.memory_space<hbm>> -> memref<1000000x32xf32, #tpu.memory_space<hbm>>
    tpu.wait_indirect_dma semaphore(%arg12 : memref<!tpu.dma_semaphore, #tpu.memory_space<semaphore_mem>>) src(%dma_wait3A_728 : memref<1000000x32xf32, #tpu.memory_space<hbm>>) dst(%dma_wait3A_722 : memref<128x32xf32, #tpu.memory_space<vmem>>)
    %dma_wait3A_729 = arith.constant 14 : i32
    %dma_wait3A_730 = arith.constant 1792 : i32
    %dma_wait3A_731 = tpu.memref_slice %arg9[%dma_wait3A_730] : memref<3328xf32, #tpu.memory_space<vmem>> -> memref<128xf32, #tpu.memory_space<vmem>>
    %dma_wait3A_732 = arith.constant 0 : i32
    %dma_wait3A_733 = tpu.memref_slice %arg7[%dma_wait3A_729, %dma_wait3A_732] : memref<26x128xi32, #tpu.memory_space<vmem>> -> memref<1x128xi32, #tpu.memory_space<vmem>>
    %dma_wait3A_734 = tpu.memref_squeeze %dma_wait3A_733 : memref<1x128xi32, #tpu.memory_space<vmem>> -> memref<128xi32, #tpu.memory_space<vmem>>
    %dma_wait3A_735 = arith.constant 0 : i32
    %dma_wait3A_736 = tpu.memref_slice %arg3[%dma_wait3A_735] : memref<1000000xf32, #tpu.memory_space<hbm>> -> memref<1000000xf32, #tpu.memory_space<hbm>>
    tpu.wait_indirect_dma semaphore(%arg12 : memref<!tpu.dma_semaphore, #tpu.memory_space<semaphore_mem>>) src(%dma_wait3A_736 : memref<1000000xf32, #tpu.memory_space<hbm>>) dst(%dma_wait3A_731 : memref<128xf32, #tpu.memory_space<vmem>>)
    %dma_wait3A_737 = arith.constant 15 : i32
    %dma_wait3A_738 = arith.constant 1920 : i32
    %dma_wait3A_739 = arith.constant 0 : i32
    %dma_wait3A_740 = tpu.memref_slice %arg8[%dma_wait3A_738, %dma_wait3A_739] : memref<3328x32xf32, #tpu.memory_space<vmem>> -> memref<128x32xf32, #tpu.memory_space<vmem>>
    %dma_wait3A_741 = arith.constant 0 : i32
    %dma_wait3A_742 = tpu.memref_slice %arg7[%dma_wait3A_737, %dma_wait3A_741] : memref<26x128xi32, #tpu.memory_space<vmem>> -> memref<1x128xi32, #tpu.memory_space<vmem>>
    %dma_wait3A_743 = tpu.memref_squeeze %dma_wait3A_742 : memref<1x128xi32, #tpu.memory_space<vmem>> -> memref<128xi32, #tpu.memory_space<vmem>>
    %dma_wait3A_744 = arith.constant 0 : i32
    %dma_wait3A_745 = arith.constant 0 : i32
    %dma_wait3A_746 = tpu.memref_slice %arg5[%dma_wait3A_744, %dma_wait3A_745] : memref<1000000x32xf32, #tpu.memory_space<hbm>> -> memref<1000000x32xf32, #tpu.memory_space<hbm>>
    tpu.wait_indirect_dma semaphore(%arg12 : memref<!tpu.dma_semaphore, #tpu.memory_space<semaphore_mem>>) src(%dma_wait3A_746 : memref<1000000x32xf32, #tpu.memory_space<hbm>>) dst(%dma_wait3A_740 : memref<128x32xf32, #tpu.memory_space<vmem>>)
    %dma_wait3A_747 = arith.constant 15 : i32
    %dma_wait3A_748 = arith.constant 1920 : i32
    %dma_wait3A_749 = tpu.memref_slice %arg9[%dma_wait3A_748] : memref<3328xf32, #tpu.memory_space<vmem>> -> memref<128xf32, #tpu.memory_space<vmem>>
    %dma_wait3A_750 = arith.constant 0 : i32
    %dma_wait3A_751 = tpu.memref_slice %arg7[%dma_wait3A_747, %dma_wait3A_750] : memref<26x128xi32, #tpu.memory_space<vmem>> -> memref<1x128xi32, #tpu.memory_space<vmem>>
    %dma_wait3A_752 = tpu.memref_squeeze %dma_wait3A_751 : memref<1x128xi32, #tpu.memory_space<vmem>> -> memref<128xi32, #tpu.memory_space<vmem>>
    %dma_wait3A_753 = arith.constant 0 : i32
    %dma_wait3A_754 = tpu.memref_slice %arg3[%dma_wait3A_753] : memref<1000000xf32, #tpu.memory_space<hbm>> -> memref<1000000xf32, #tpu.memory_space<hbm>>
    tpu.wait_indirect_dma semaphore(%arg12 : memref<!tpu.dma_semaphore, #tpu.memory_space<semaphore_mem>>) src(%dma_wait3A_754 : memref<1000000xf32, #tpu.memory_space<hbm>>) dst(%dma_wait3A_749 : memref<128xf32, #tpu.memory_space<vmem>>)
    %dma_wait3A_755 = arith.constant 16 : i32
    %dma_wait3A_756 = arith.constant 2048 : i32
    %dma_wait3A_757 = arith.constant 0 : i32
    %dma_wait3A_758 = tpu.memref_slice %arg8[%dma_wait3A_756, %dma_wait3A_757] : memref<3328x32xf32, #tpu.memory_space<vmem>> -> memref<128x32xf32, #tpu.memory_space<vmem>>
    %dma_wait3A_759 = arith.constant 0 : i32
    %dma_wait3A_760 = tpu.memref_slice %arg7[%dma_wait3A_755, %dma_wait3A_759] : memref<26x128xi32, #tpu.memory_space<vmem>> -> memref<1x128xi32, #tpu.memory_space<vmem>>
    %dma_wait3A_761 = tpu.memref_squeeze %dma_wait3A_760 : memref<1x128xi32, #tpu.memory_space<vmem>> -> memref<128xi32, #tpu.memory_space<vmem>>
    %dma_wait3A_762 = arith.constant 0 : i32
    %dma_wait3A_763 = arith.constant 0 : i32
    %dma_wait3A_764 = tpu.memref_slice %arg5[%dma_wait3A_762, %dma_wait3A_763] : memref<1000000x32xf32, #tpu.memory_space<hbm>> -> memref<1000000x32xf32, #tpu.memory_space<hbm>>
    tpu.wait_indirect_dma semaphore(%arg12 : memref<!tpu.dma_semaphore, #tpu.memory_space<semaphore_mem>>) src(%dma_wait3A_764 : memref<1000000x32xf32, #tpu.memory_space<hbm>>) dst(%dma_wait3A_758 : memref<128x32xf32, #tpu.memory_space<vmem>>)
    %dma_wait3A_765 = arith.constant 16 : i32
    %dma_wait3A_766 = arith.constant 2048 : i32
    %dma_wait3A_767 = tpu.memref_slice %arg9[%dma_wait3A_766] : memref<3328xf32, #tpu.memory_space<vmem>> -> memref<128xf32, #tpu.memory_space<vmem>>
    %dma_wait3A_768 = arith.constant 0 : i32
    %dma_wait3A_769 = tpu.memref_slice %arg7[%dma_wait3A_765, %dma_wait3A_768] : memref<26x128xi32, #tpu.memory_space<vmem>> -> memref<1x128xi32, #tpu.memory_space<vmem>>
    %dma_wait3A_770 = tpu.memref_squeeze %dma_wait3A_769 : memref<1x128xi32, #tpu.memory_space<vmem>> -> memref<128xi32, #tpu.memory_space<vmem>>
    %dma_wait3A_771 = arith.constant 0 : i32
    %dma_wait3A_772 = tpu.memref_slice %arg3[%dma_wait3A_771] : memref<1000000xf32, #tpu.memory_space<hbm>> -> memref<1000000xf32, #tpu.memory_space<hbm>>
    tpu.wait_indirect_dma semaphore(%arg12 : memref<!tpu.dma_semaphore, #tpu.memory_space<semaphore_mem>>) src(%dma_wait3A_772 : memref<1000000xf32, #tpu.memory_space<hbm>>) dst(%dma_wait3A_767 : memref<128xf32, #tpu.memory_space<vmem>>)
    %dma_wait3A_773 = arith.constant 17 : i32
    %dma_wait3A_774 = arith.constant 2176 : i32
    %dma_wait3A_775 = arith.constant 0 : i32
    %dma_wait3A_776 = tpu.memref_slice %arg8[%dma_wait3A_774, %dma_wait3A_775] : memref<3328x32xf32, #tpu.memory_space<vmem>> -> memref<128x32xf32, #tpu.memory_space<vmem>>
    %dma_wait3A_777 = arith.constant 0 : i32
    %dma_wait3A_778 = tpu.memref_slice %arg7[%dma_wait3A_773, %dma_wait3A_777] : memref<26x128xi32, #tpu.memory_space<vmem>> -> memref<1x128xi32, #tpu.memory_space<vmem>>
    %dma_wait3A_779 = tpu.memref_squeeze %dma_wait3A_778 : memref<1x128xi32, #tpu.memory_space<vmem>> -> memref<128xi32, #tpu.memory_space<vmem>>
    %dma_wait3A_780 = arith.constant 0 : i32
    %dma_wait3A_781 = arith.constant 0 : i32
    %dma_wait3A_782 = tpu.memref_slice %arg5[%dma_wait3A_780, %dma_wait3A_781] : memref<1000000x32xf32, #tpu.memory_space<hbm>> -> memref<1000000x32xf32, #tpu.memory_space<hbm>>
    tpu.wait_indirect_dma semaphore(%arg12 : memref<!tpu.dma_semaphore, #tpu.memory_space<semaphore_mem>>) src(%dma_wait3A_782 : memref<1000000x32xf32, #tpu.memory_space<hbm>>) dst(%dma_wait3A_776 : memref<128x32xf32, #tpu.memory_space<vmem>>)
    %dma_wait3A_783 = arith.constant 17 : i32
    %dma_wait3A_784 = arith.constant 2176 : i32
    %dma_wait3A_785 = tpu.memref_slice %arg9[%dma_wait3A_784] : memref<3328xf32, #tpu.memory_space<vmem>> -> memref<128xf32, #tpu.memory_space<vmem>>
    %dma_wait3A_786 = arith.constant 0 : i32
    %dma_wait3A_787 = tpu.memref_slice %arg7[%dma_wait3A_783, %dma_wait3A_786] : memref<26x128xi32, #tpu.memory_space<vmem>> -> memref<1x128xi32, #tpu.memory_space<vmem>>
    %dma_wait3A_788 = tpu.memref_squeeze %dma_wait3A_787 : memref<1x128xi32, #tpu.memory_space<vmem>> -> memref<128xi32, #tpu.memory_space<vmem>>
    %dma_wait3A_789 = arith.constant 0 : i32
    %dma_wait3A_790 = tpu.memref_slice %arg3[%dma_wait3A_789] : memref<1000000xf32, #tpu.memory_space<hbm>> -> memref<1000000xf32, #tpu.memory_space<hbm>>
    tpu.wait_indirect_dma semaphore(%arg12 : memref<!tpu.dma_semaphore, #tpu.memory_space<semaphore_mem>>) src(%dma_wait3A_790 : memref<1000000xf32, #tpu.memory_space<hbm>>) dst(%dma_wait3A_785 : memref<128xf32, #tpu.memory_space<vmem>>)
    %dma_wait3A_791 = arith.constant 18 : i32
    %dma_wait3A_792 = arith.constant 2304 : i32
    %dma_wait3A_793 = arith.constant 0 : i32
    %dma_wait3A_794 = tpu.memref_slice %arg8[%dma_wait3A_792, %dma_wait3A_793] : memref<3328x32xf32, #tpu.memory_space<vmem>> -> memref<128x32xf32, #tpu.memory_space<vmem>>
    %dma_wait3A_795 = arith.constant 0 : i32
    %dma_wait3A_796 = tpu.memref_slice %arg7[%dma_wait3A_791, %dma_wait3A_795] : memref<26x128xi32, #tpu.memory_space<vmem>> -> memref<1x128xi32, #tpu.memory_space<vmem>>
    %dma_wait3A_797 = tpu.memref_squeeze %dma_wait3A_796 : memref<1x128xi32, #tpu.memory_space<vmem>> -> memref<128xi32, #tpu.memory_space<vmem>>
    %dma_wait3A_798 = arith.constant 0 : i32
    %dma_wait3A_799 = arith.constant 0 : i32
    %dma_wait3A_800 = tpu.memref_slice %arg5[%dma_wait3A_798, %dma_wait3A_799] : memref<1000000x32xf32, #tpu.memory_space<hbm>> -> memref<1000000x32xf32, #tpu.memory_space<hbm>>
    tpu.wait_indirect_dma semaphore(%arg12 : memref<!tpu.dma_semaphore, #tpu.memory_space<semaphore_mem>>) src(%dma_wait3A_800 : memref<1000000x32xf32, #tpu.memory_space<hbm>>) dst(%dma_wait3A_794 : memref<128x32xf32, #tpu.memory_space<vmem>>)
    %dma_wait3A_801 = arith.constant 18 : i32
    %dma_wait3A_802 = arith.constant 2304 : i32
    %dma_wait3A_803 = tpu.memref_slice %arg9[%dma_wait3A_802] : memref<3328xf32, #tpu.memory_space<vmem>> -> memref<128xf32, #tpu.memory_space<vmem>>
    %dma_wait3A_804 = arith.constant 0 : i32
    %dma_wait3A_805 = tpu.memref_slice %arg7[%dma_wait3A_801, %dma_wait3A_804] : memref<26x128xi32, #tpu.memory_space<vmem>> -> memref<1x128xi32, #tpu.memory_space<vmem>>
    %dma_wait3A_806 = tpu.memref_squeeze %dma_wait3A_805 : memref<1x128xi32, #tpu.memory_space<vmem>> -> memref<128xi32, #tpu.memory_space<vmem>>
    %dma_wait3A_807 = arith.constant 0 : i32
    %dma_wait3A_808 = tpu.memref_slice %arg3[%dma_wait3A_807] : memref<1000000xf32, #tpu.memory_space<hbm>> -> memref<1000000xf32, #tpu.memory_space<hbm>>
    tpu.wait_indirect_dma semaphore(%arg12 : memref<!tpu.dma_semaphore, #tpu.memory_space<semaphore_mem>>) src(%dma_wait3A_808 : memref<1000000xf32, #tpu.memory_space<hbm>>) dst(%dma_wait3A_803 : memref<128xf32, #tpu.memory_space<vmem>>)
    %dma_wait3A_809 = arith.constant 19 : i32
    %dma_wait3A_810 = arith.constant 2432 : i32
    %dma_wait3A_811 = arith.constant 0 : i32
    %dma_wait3A_812 = tpu.memref_slice %arg8[%dma_wait3A_810, %dma_wait3A_811] : memref<3328x32xf32, #tpu.memory_space<vmem>> -> memref<128x32xf32, #tpu.memory_space<vmem>>
    %dma_wait3A_813 = arith.constant 0 : i32
    %dma_wait3A_814 = tpu.memref_slice %arg7[%dma_wait3A_809, %dma_wait3A_813] : memref<26x128xi32, #tpu.memory_space<vmem>> -> memref<1x128xi32, #tpu.memory_space<vmem>>
    %dma_wait3A_815 = tpu.memref_squeeze %dma_wait3A_814 : memref<1x128xi32, #tpu.memory_space<vmem>> -> memref<128xi32, #tpu.memory_space<vmem>>
    %dma_wait3A_816 = arith.constant 0 : i32
    %dma_wait3A_817 = arith.constant 0 : i32
    %dma_wait3A_818 = tpu.memref_slice %arg5[%dma_wait3A_816, %dma_wait3A_817] : memref<1000000x32xf32, #tpu.memory_space<hbm>> -> memref<1000000x32xf32, #tpu.memory_space<hbm>>
    tpu.wait_indirect_dma semaphore(%arg12 : memref<!tpu.dma_semaphore, #tpu.memory_space<semaphore_mem>>) src(%dma_wait3A_818 : memref<1000000x32xf32, #tpu.memory_space<hbm>>) dst(%dma_wait3A_812 : memref<128x32xf32, #tpu.memory_space<vmem>>)
    %dma_wait3A_819 = arith.constant 19 : i32
    %dma_wait3A_820 = arith.constant 2432 : i32
    %dma_wait3A_821 = tpu.memref_slice %arg9[%dma_wait3A_820] : memref<3328xf32, #tpu.memory_space<vmem>> -> memref<128xf32, #tpu.memory_space<vmem>>
    %dma_wait3A_822 = arith.constant 0 : i32
    %dma_wait3A_823 = tpu.memref_slice %arg7[%dma_wait3A_819, %dma_wait3A_822] : memref<26x128xi32, #tpu.memory_space<vmem>> -> memref<1x128xi32, #tpu.memory_space<vmem>>
    %dma_wait3A_824 = tpu.memref_squeeze %dma_wait3A_823 : memref<1x128xi32, #tpu.memory_space<vmem>> -> memref<128xi32, #tpu.memory_space<vmem>>
    %dma_wait3A_825 = arith.constant 0 : i32
    %dma_wait3A_826 = tpu.memref_slice %arg3[%dma_wait3A_825] : memref<1000000xf32, #tpu.memory_space<hbm>> -> memref<1000000xf32, #tpu.memory_space<hbm>>
    tpu.wait_indirect_dma semaphore(%arg12 : memref<!tpu.dma_semaphore, #tpu.memory_space<semaphore_mem>>) src(%dma_wait3A_826 : memref<1000000xf32, #tpu.memory_space<hbm>>) dst(%dma_wait3A_821 : memref<128xf32, #tpu.memory_space<vmem>>)
    %dma_wait3A_827 = arith.constant 20 : i32
    %dma_wait3A_828 = arith.constant 2560 : i32
    %dma_wait3A_829 = arith.constant 0 : i32
    %dma_wait3A_830 = tpu.memref_slice %arg8[%dma_wait3A_828, %dma_wait3A_829] : memref<3328x32xf32, #tpu.memory_space<vmem>> -> memref<128x32xf32, #tpu.memory_space<vmem>>
    %dma_wait3A_831 = arith.constant 0 : i32
    %dma_wait3A_832 = tpu.memref_slice %arg7[%dma_wait3A_827, %dma_wait3A_831] : memref<26x128xi32, #tpu.memory_space<vmem>> -> memref<1x128xi32, #tpu.memory_space<vmem>>
    %dma_wait3A_833 = tpu.memref_squeeze %dma_wait3A_832 : memref<1x128xi32, #tpu.memory_space<vmem>> -> memref<128xi32, #tpu.memory_space<vmem>>
    %dma_wait3A_834 = arith.constant 0 : i32
    %dma_wait3A_835 = arith.constant 0 : i32
    %dma_wait3A_836 = tpu.memref_slice %arg5[%dma_wait3A_834, %dma_wait3A_835] : memref<1000000x32xf32, #tpu.memory_space<hbm>> -> memref<1000000x32xf32, #tpu.memory_space<hbm>>
    tpu.wait_indirect_dma semaphore(%arg12 : memref<!tpu.dma_semaphore, #tpu.memory_space<semaphore_mem>>) src(%dma_wait3A_836 : memref<1000000x32xf32, #tpu.memory_space<hbm>>) dst(%dma_wait3A_830 : memref<128x32xf32, #tpu.memory_space<vmem>>)
    %dma_wait3A_837 = arith.constant 20 : i32
    %dma_wait3A_838 = arith.constant 2560 : i32
    %dma_wait3A_839 = tpu.memref_slice %arg9[%dma_wait3A_838] : memref<3328xf32, #tpu.memory_space<vmem>> -> memref<128xf32, #tpu.memory_space<vmem>>
    %dma_wait3A_840 = arith.constant 0 : i32
    %dma_wait3A_841 = tpu.memref_slice %arg7[%dma_wait3A_837, %dma_wait3A_840] : memref<26x128xi32, #tpu.memory_space<vmem>> -> memref<1x128xi32, #tpu.memory_space<vmem>>
    %dma_wait3A_842 = tpu.memref_squeeze %dma_wait3A_841 : memref<1x128xi32, #tpu.memory_space<vmem>> -> memref<128xi32, #tpu.memory_space<vmem>>
    %dma_wait3A_843 = arith.constant 0 : i32
    %dma_wait3A_844 = tpu.memref_slice %arg3[%dma_wait3A_843] : memref<1000000xf32, #tpu.memory_space<hbm>> -> memref<1000000xf32, #tpu.memory_space<hbm>>
    tpu.wait_indirect_dma semaphore(%arg12 : memref<!tpu.dma_semaphore, #tpu.memory_space<semaphore_mem>>) src(%dma_wait3A_844 : memref<1000000xf32, #tpu.memory_space<hbm>>) dst(%dma_wait3A_839 : memref<128xf32, #tpu.memory_space<vmem>>)
    %dma_wait3A_845 = arith.constant 21 : i32
    %dma_wait3A_846 = arith.constant 2688 : i32
    %dma_wait3A_847 = arith.constant 0 : i32
    %dma_wait3A_848 = tpu.memref_slice %arg8[%dma_wait3A_846, %dma_wait3A_847] : memref<3328x32xf32, #tpu.memory_space<vmem>> -> memref<128x32xf32, #tpu.memory_space<vmem>>
    %dma_wait3A_849 = arith.constant 0 : i32
    %dma_wait3A_850 = tpu.memref_slice %arg7[%dma_wait3A_845, %dma_wait3A_849] : memref<26x128xi32, #tpu.memory_space<vmem>> -> memref<1x128xi32, #tpu.memory_space<vmem>>
    %dma_wait3A_851 = tpu.memref_squeeze %dma_wait3A_850 : memref<1x128xi32, #tpu.memory_space<vmem>> -> memref<128xi32, #tpu.memory_space<vmem>>
    %dma_wait3A_852 = arith.constant 0 : i32
    %dma_wait3A_853 = arith.constant 0 : i32
    %dma_wait3A_854 = tpu.memref_slice %arg5[%dma_wait3A_852, %dma_wait3A_853] : memref<1000000x32xf32, #tpu.memory_space<hbm>> -> memref<1000000x32xf32, #tpu.memory_space<hbm>>
    tpu.wait_indirect_dma semaphore(%arg12 : memref<!tpu.dma_semaphore, #tpu.memory_space<semaphore_mem>>) src(%dma_wait3A_854 : memref<1000000x32xf32, #tpu.memory_space<hbm>>) dst(%dma_wait3A_848 : memref<128x32xf32, #tpu.memory_space<vmem>>)
    %dma_wait3A_855 = arith.constant 21 : i32
    %dma_wait3A_856 = arith.constant 2688 : i32
    %dma_wait3A_857 = tpu.memref_slice %arg9[%dma_wait3A_856] : memref<3328xf32, #tpu.memory_space<vmem>> -> memref<128xf32, #tpu.memory_space<vmem>>
    %dma_wait3A_858 = arith.constant 0 : i32
    %dma_wait3A_859 = tpu.memref_slice %arg7[%dma_wait3A_855, %dma_wait3A_858] : memref<26x128xi32, #tpu.memory_space<vmem>> -> memref<1x128xi32, #tpu.memory_space<vmem>>
    %dma_wait3A_860 = tpu.memref_squeeze %dma_wait3A_859 : memref<1x128xi32, #tpu.memory_space<vmem>> -> memref<128xi32, #tpu.memory_space<vmem>>
    %dma_wait3A_861 = arith.constant 0 : i32
    %dma_wait3A_862 = tpu.memref_slice %arg3[%dma_wait3A_861] : memref<1000000xf32, #tpu.memory_space<hbm>> -> memref<1000000xf32, #tpu.memory_space<hbm>>
    tpu.wait_indirect_dma semaphore(%arg12 : memref<!tpu.dma_semaphore, #tpu.memory_space<semaphore_mem>>) src(%dma_wait3A_862 : memref<1000000xf32, #tpu.memory_space<hbm>>) dst(%dma_wait3A_857 : memref<128xf32, #tpu.memory_space<vmem>>)
    %dma_wait3A_863 = arith.constant 22 : i32
    %dma_wait3A_864 = arith.constant 2816 : i32
    %dma_wait3A_865 = arith.constant 0 : i32
    %dma_wait3A_866 = tpu.memref_slice %arg8[%dma_wait3A_864, %dma_wait3A_865] : memref<3328x32xf32, #tpu.memory_space<vmem>> -> memref<128x32xf32, #tpu.memory_space<vmem>>
    %dma_wait3A_867 = arith.constant 0 : i32
    %dma_wait3A_868 = tpu.memref_slice %arg7[%dma_wait3A_863, %dma_wait3A_867] : memref<26x128xi32, #tpu.memory_space<vmem>> -> memref<1x128xi32, #tpu.memory_space<vmem>>
    %dma_wait3A_869 = tpu.memref_squeeze %dma_wait3A_868 : memref<1x128xi32, #tpu.memory_space<vmem>> -> memref<128xi32, #tpu.memory_space<vmem>>
    %dma_wait3A_870 = arith.constant 0 : i32
    %dma_wait3A_871 = arith.constant 0 : i32
    %dma_wait3A_872 = tpu.memref_slice %arg5[%dma_wait3A_870, %dma_wait3A_871] : memref<1000000x32xf32, #tpu.memory_space<hbm>> -> memref<1000000x32xf32, #tpu.memory_space<hbm>>
    tpu.wait_indirect_dma semaphore(%arg12 : memref<!tpu.dma_semaphore, #tpu.memory_space<semaphore_mem>>) src(%dma_wait3A_872 : memref<1000000x32xf32, #tpu.memory_space<hbm>>) dst(%dma_wait3A_866 : memref<128x32xf32, #tpu.memory_space<vmem>>)
    %dma_wait3A_873 = arith.constant 22 : i32
    %dma_wait3A_874 = arith.constant 2816 : i32
    %dma_wait3A_875 = tpu.memref_slice %arg9[%dma_wait3A_874] : memref<3328xf32, #tpu.memory_space<vmem>> -> memref<128xf32, #tpu.memory_space<vmem>>
    %dma_wait3A_876 = arith.constant 0 : i32
    %dma_wait3A_877 = tpu.memref_slice %arg7[%dma_wait3A_873, %dma_wait3A_876] : memref<26x128xi32, #tpu.memory_space<vmem>> -> memref<1x128xi32, #tpu.memory_space<vmem>>
    %dma_wait3A_878 = tpu.memref_squeeze %dma_wait3A_877 : memref<1x128xi32, #tpu.memory_space<vmem>> -> memref<128xi32, #tpu.memory_space<vmem>>
    %dma_wait3A_879 = arith.constant 0 : i32
    %dma_wait3A_880 = tpu.memref_slice %arg3[%dma_wait3A_879] : memref<1000000xf32, #tpu.memory_space<hbm>> -> memref<1000000xf32, #tpu.memory_space<hbm>>
    tpu.wait_indirect_dma semaphore(%arg12 : memref<!tpu.dma_semaphore, #tpu.memory_space<semaphore_mem>>) src(%dma_wait3A_880 : memref<1000000xf32, #tpu.memory_space<hbm>>) dst(%dma_wait3A_875 : memref<128xf32, #tpu.memory_space<vmem>>)
    %dma_wait3A_881 = arith.constant 23 : i32
    %dma_wait3A_882 = arith.constant 2944 : i32
    %dma_wait3A_883 = arith.constant 0 : i32
    %dma_wait3A_884 = tpu.memref_slice %arg8[%dma_wait3A_882, %dma_wait3A_883] : memref<3328x32xf32, #tpu.memory_space<vmem>> -> memref<128x32xf32, #tpu.memory_space<vmem>>
    %dma_wait3A_885 = arith.constant 0 : i32
    %dma_wait3A_886 = tpu.memref_slice %arg7[%dma_wait3A_881, %dma_wait3A_885] : memref<26x128xi32, #tpu.memory_space<vmem>> -> memref<1x128xi32, #tpu.memory_space<vmem>>
    %dma_wait3A_887 = tpu.memref_squeeze %dma_wait3A_886 : memref<1x128xi32, #tpu.memory_space<vmem>> -> memref<128xi32, #tpu.memory_space<vmem>>
    %dma_wait3A_888 = arith.constant 0 : i32
    %dma_wait3A_889 = arith.constant 0 : i32
    %dma_wait3A_890 = tpu.memref_slice %arg5[%dma_wait3A_888, %dma_wait3A_889] : memref<1000000x32xf32, #tpu.memory_space<hbm>> -> memref<1000000x32xf32, #tpu.memory_space<hbm>>
    tpu.wait_indirect_dma semaphore(%arg12 : memref<!tpu.dma_semaphore, #tpu.memory_space<semaphore_mem>>) src(%dma_wait3A_890 : memref<1000000x32xf32, #tpu.memory_space<hbm>>) dst(%dma_wait3A_884 : memref<128x32xf32, #tpu.memory_space<vmem>>)
    %dma_wait3A_891 = arith.constant 23 : i32
    %dma_wait3A_892 = arith.constant 2944 : i32
    %dma_wait3A_893 = tpu.memref_slice %arg9[%dma_wait3A_892] : memref<3328xf32, #tpu.memory_space<vmem>> -> memref<128xf32, #tpu.memory_space<vmem>>
    %dma_wait3A_894 = arith.constant 0 : i32
    %dma_wait3A_895 = tpu.memref_slice %arg7[%dma_wait3A_891, %dma_wait3A_894] : memref<26x128xi32, #tpu.memory_space<vmem>> -> memref<1x128xi32, #tpu.memory_space<vmem>>
    %dma_wait3A_896 = tpu.memref_squeeze %dma_wait3A_895 : memref<1x128xi32, #tpu.memory_space<vmem>> -> memref<128xi32, #tpu.memory_space<vmem>>
    %dma_wait3A_897 = arith.constant 0 : i32
    %dma_wait3A_898 = tpu.memref_slice %arg3[%dma_wait3A_897] : memref<1000000xf32, #tpu.memory_space<hbm>> -> memref<1000000xf32, #tpu.memory_space<hbm>>
    tpu.wait_indirect_dma semaphore(%arg12 : memref<!tpu.dma_semaphore, #tpu.memory_space<semaphore_mem>>) src(%dma_wait3A_898 : memref<1000000xf32, #tpu.memory_space<hbm>>) dst(%dma_wait3A_893 : memref<128xf32, #tpu.memory_space<vmem>>)
    %dma_wait3A_899 = arith.constant 24 : i32
    %dma_wait3A_900 = arith.constant 3072 : i32
    %dma_wait3A_901 = arith.constant 0 : i32
    %dma_wait3A_902 = tpu.memref_slice %arg8[%dma_wait3A_900, %dma_wait3A_901] : memref<3328x32xf32, #tpu.memory_space<vmem>> -> memref<128x32xf32, #tpu.memory_space<vmem>>
    %dma_wait3A_903 = arith.constant 0 : i32
    %dma_wait3A_904 = tpu.memref_slice %arg7[%dma_wait3A_899, %dma_wait3A_903] : memref<26x128xi32, #tpu.memory_space<vmem>> -> memref<1x128xi32, #tpu.memory_space<vmem>>
    %dma_wait3A_905 = tpu.memref_squeeze %dma_wait3A_904 : memref<1x128xi32, #tpu.memory_space<vmem>> -> memref<128xi32, #tpu.memory_space<vmem>>
    %dma_wait3A_906 = arith.constant 0 : i32
    %dma_wait3A_907 = arith.constant 0 : i32
    %dma_wait3A_908 = tpu.memref_slice %arg5[%dma_wait3A_906, %dma_wait3A_907] : memref<1000000x32xf32, #tpu.memory_space<hbm>> -> memref<1000000x32xf32, #tpu.memory_space<hbm>>
    tpu.wait_indirect_dma semaphore(%arg12 : memref<!tpu.dma_semaphore, #tpu.memory_space<semaphore_mem>>) src(%dma_wait3A_908 : memref<1000000x32xf32, #tpu.memory_space<hbm>>) dst(%dma_wait3A_902 : memref<128x32xf32, #tpu.memory_space<vmem>>)
    %dma_wait3A_909 = arith.constant 24 : i32
    %dma_wait3A_910 = arith.constant 3072 : i32
    %dma_wait3A_911 = tpu.memref_slice %arg9[%dma_wait3A_910] : memref<3328xf32, #tpu.memory_space<vmem>> -> memref<128xf32, #tpu.memory_space<vmem>>
    %dma_wait3A_912 = arith.constant 0 : i32
    %dma_wait3A_913 = tpu.memref_slice %arg7[%dma_wait3A_909, %dma_wait3A_912] : memref<26x128xi32, #tpu.memory_space<vmem>> -> memref<1x128xi32, #tpu.memory_space<vmem>>
    %dma_wait3A_914 = tpu.memref_squeeze %dma_wait3A_913 : memref<1x128xi32, #tpu.memory_space<vmem>> -> memref<128xi32, #tpu.memory_space<vmem>>
    %dma_wait3A_915 = arith.constant 0 : i32
    %dma_wait3A_916 = tpu.memref_slice %arg3[%dma_wait3A_915] : memref<1000000xf32, #tpu.memory_space<hbm>> -> memref<1000000xf32, #tpu.memory_space<hbm>>
    tpu.wait_indirect_dma semaphore(%arg12 : memref<!tpu.dma_semaphore, #tpu.memory_space<semaphore_mem>>) src(%dma_wait3A_916 : memref<1000000xf32, #tpu.memory_space<hbm>>) dst(%dma_wait3A_911 : memref<128xf32, #tpu.memory_space<vmem>>)
    %dma_wait3A_917 = arith.constant 25 : i32
    %dma_wait3A_918 = arith.constant 3200 : i32
    %dma_wait3A_919 = arith.constant 0 : i32
    %dma_wait3A_920 = tpu.memref_slice %arg8[%dma_wait3A_918, %dma_wait3A_919] : memref<3328x32xf32, #tpu.memory_space<vmem>> -> memref<128x32xf32, #tpu.memory_space<vmem>>
    %dma_wait3A_921 = arith.constant 0 : i32
    %dma_wait3A_922 = tpu.memref_slice %arg7[%dma_wait3A_917, %dma_wait3A_921] : memref<26x128xi32, #tpu.memory_space<vmem>> -> memref<1x128xi32, #tpu.memory_space<vmem>>
    %dma_wait3A_923 = tpu.memref_squeeze %dma_wait3A_922 : memref<1x128xi32, #tpu.memory_space<vmem>> -> memref<128xi32, #tpu.memory_space<vmem>>
    %dma_wait3A_924 = arith.constant 0 : i32
    %dma_wait3A_925 = arith.constant 0 : i32
    %dma_wait3A_926 = tpu.memref_slice %arg5[%dma_wait3A_924, %dma_wait3A_925] : memref<1000000x32xf32, #tpu.memory_space<hbm>> -> memref<1000000x32xf32, #tpu.memory_space<hbm>>
    tpu.wait_indirect_dma semaphore(%arg12 : memref<!tpu.dma_semaphore, #tpu.memory_space<semaphore_mem>>) src(%dma_wait3A_926 : memref<1000000x32xf32, #tpu.memory_space<hbm>>) dst(%dma_wait3A_920 : memref<128x32xf32, #tpu.memory_space<vmem>>)
    %dma_wait3A_927 = arith.constant 25 : i32
    %dma_wait3A_928 = arith.constant 3200 : i32
    %dma_wait3A_929 = tpu.memref_slice %arg9[%dma_wait3A_928] : memref<3328xf32, #tpu.memory_space<vmem>> -> memref<128xf32, #tpu.memory_space<vmem>>
    %dma_wait3A_930 = arith.constant 0 : i32
    %dma_wait3A_931 = tpu.memref_slice %arg7[%dma_wait3A_927, %dma_wait3A_930] : memref<26x128xi32, #tpu.memory_space<vmem>> -> memref<1x128xi32, #tpu.memory_space<vmem>>
    %dma_wait3A_932 = tpu.memref_squeeze %dma_wait3A_931 : memref<1x128xi32, #tpu.memory_space<vmem>> -> memref<128xi32, #tpu.memory_space<vmem>>
    %dma_wait3A_933 = arith.constant 0 : i32
    %dma_wait3A_934 = tpu.memref_slice %arg3[%dma_wait3A_933] : memref<1000000xf32, #tpu.memory_space<hbm>> -> memref<1000000xf32, #tpu.memory_space<hbm>>
    tpu.wait_indirect_dma semaphore(%arg12 : memref<!tpu.dma_semaphore, #tpu.memory_space<semaphore_mem>>) src(%dma_wait3A_934 : memref<1000000xf32, #tpu.memory_space<hbm>>) dst(%dma_wait3A_929 : memref<128xf32, #tpu.memory_space<vmem>>)
    %iota3A = tpu.iota {dimensions = array<i32: 0>} : vector<16xi32>
    %get3A = arith.constant 0 : index
    %get3A_935 = tpu.vector_load %arg11[%get3A] {strides = array<i32>} : memref<16xf32, #tpu.memory_space<vmem>>, vector<16xf32>,
    %broadcast_in_dim3A = arith.constant 0.000000e+00 : f32
    %broadcast_in_dim3A_936 = vector.broadcast %broadcast_in_dim3A : f32 to vector<16xf32>
    %scan3A = arith.constant 0 : i32
    %scan3A_937 = arith.constant 0 : i32
    %scan3A_938 = arith.constant 8 : i32
    %scan3A_939 = arith.addi %scan3A_937, %scan3A_938 : i32
    %scan3A_940 = arith.constant 1 : i32
    %scan3A_941 = scf.for %scan3A_945 = %scan3A_937 to %scan3A_939 step %scan3A_940 iter_args(%scan3A_946 = %scan3A) -> (i32)  : i32 {
      %mul3A_947 = arith.constant 16 : i32
      %mul3A_948 = arith.muli %scan3A_945, %mul3A_947 : i32
      %add3A_949 = vector.broadcast %mul3A_948 : i32 to vector<16xi32>
      %add3A_950 = arith.addi %add3A_949, %iota3A : vector<16xi32>
      %mul3A_951 = arith.constant 26 : i32
      %mul3A_952 = vector.broadcast %mul3A_951 : i32 to vector<16xi32>
      %mul3A_953 = arith.muli %add3A_950, %mul3A_952 : vector<16xi32>
      %gather3A = tpu.vector_load_idx %arg9[%mul3A_953] : memref<3328xf32, #tpu.memory_space<vmem>>[vector<16xi32>], vector<16xf32>,
      %add3A_954 = arith.addf %broadcast_in_dim3A_936, %gather3A : vector<16xf32>
      %add3A_955 = arith.constant 1 : i32
      %add3A_956 = vector.broadcast %add3A_955 : i32 to vector<16xi32>
      %add3A_957 = arith.addi %mul3A_953, %add3A_956 : vector<16xi32>
      %gather3A_958 = tpu.vector_load_idx %arg9[%add3A_957] : memref<3328xf32, #tpu.memory_space<vmem>>[vector<16xi32>], vector<16xf32>,
      %add3A_959 = arith.addf %add3A_954, %gather3A_958 : vector<16xf32>
      %add3A_960 = arith.constant 1 : i32
      %add3A_961 = vector.broadcast %add3A_960 : i32 to vector<16xi32>
      %add3A_962 = arith.addi %add3A_957, %add3A_961 : vector<16xi32>
      %gather3A_963 = tpu.vector_load_idx %arg9[%add3A_962] : memref<3328xf32, #tpu.memory_space<vmem>>[vector<16xi32>], vector<16xf32>,
      %add3A_964 = arith.addf %add3A_959, %gather3A_963 : vector<16xf32>
      %add3A_965 = arith.constant 1 : i32
      %add3A_966 = vector.broadcast %add3A_965 : i32 to vector<16xi32>
      %add3A_967 = arith.addi %add3A_962, %add3A_966 : vector<16xi32>
      %gather3A_968 = tpu.vector_load_idx %arg9[%add3A_967] : memref<3328xf32, #tpu.memory_space<vmem>>[vector<16xi32>], vector<16xf32>,
      %add3A_969 = arith.addf %add3A_964, %gather3A_968 : vector<16xf32>
      %add3A_970 = arith.constant 1 : i32
      %add3A_971 = vector.broadcast %add3A_970 : i32 to vector<16xi32>
      %add3A_972 = arith.addi %add3A_967, %add3A_971 : vector<16xi32>
      %gather3A_973 = tpu.vector_load_idx %arg9[%add3A_972] : memref<3328xf32, #tpu.memory_space<vmem>>[vector<16xi32>], vector<16xf32>,
      %add3A_974 = arith.addf %add3A_969, %gather3A_973 : vector<16xf32>
      %add3A_975 = arith.constant 1 : i32
      %add3A_976 = vector.broadcast %add3A_975 : i32 to vector<16xi32>
      %add3A_977 = arith.addi %add3A_972, %add3A_976 : vector<16xi32>
      %gather3A_978 = tpu.vector_load_idx %arg9[%add3A_977] : memref<3328xf32, #tpu.memory_space<vmem>>[vector<16xi32>], vector<16xf32>,
      %add3A_979 = arith.addf %add3A_974, %gather3A_978 : vector<16xf32>
      %add3A_980 = arith.constant 1 : i32
      %add3A_981 = vector.broadcast %add3A_980 : i32 to vector<16xi32>
      %add3A_982 = arith.addi %add3A_977, %add3A_981 : vector<16xi32>
      %gather3A_983 = tpu.vector_load_idx %arg9[%add3A_982] : memref<3328xf32, #tpu.memory_space<vmem>>[vector<16xi32>], vector<16xf32>,
      %add3A_984 = arith.addf %add3A_979, %gather3A_983 : vector<16xf32>
      %add3A_985 = arith.constant 1 : i32
      %add3A_986 = vector.broadcast %add3A_985 : i32 to vector<16xi32>
      %add3A_987 = arith.addi %add3A_982, %add3A_986 : vector<16xi32>
      %gather3A_988 = tpu.vector_load_idx %arg9[%add3A_987] : memref<3328xf32, #tpu.memory_space<vmem>>[vector<16xi32>], vector<16xf32>,
      %add3A_989 = arith.addf %add3A_984, %gather3A_988 : vector<16xf32>
      %add3A_990 = arith.constant 1 : i32
      %add3A_991 = vector.broadcast %add3A_990 : i32 to vector<16xi32>
      %add3A_992 = arith.addi %add3A_987, %add3A_991 : vector<16xi32>
      %gather3A_993 = tpu.vector_load_idx %arg9[%add3A_992] : memref<3328xf32, #tpu.memory_space<vmem>>[vector<16xi32>], vector<16xf32>,
      %add3A_994 = arith.addf %add3A_989, %gather3A_993 : vector<16xf32>
      %add3A_995 = arith.constant 1 : i32
      %add3A_996 = vector.broadcast %add3A_995 : i32 to vector<16xi32>
      %add3A_997 = arith.addi %add3A_992, %add3A_996 : vector<16xi32>
      %gather3A_998 = tpu.vector_load_idx %arg9[%add3A_997] : memref<3328xf32, #tpu.memory_space<vmem>>[vector<16xi32>], vector<16xf32>,
      %add3A_999 = arith.addf %add3A_994, %gather3A_998 : vector<16xf32>
      %add3A_1000 = arith.constant 1 : i32
      %add3A_1001 = vector.broadcast %add3A_1000 : i32 to vector<16xi32>
      %add3A_1002 = arith.addi %add3A_997, %add3A_1001 : vector<16xi32>
      %gather3A_1003 = tpu.vector_load_idx %arg9[%add3A_1002] : memref<3328xf32, #tpu.memory_space<vmem>>[vector<16xi32>], vector<16xf32>,
      %add3A_1004 = arith.addf %add3A_999, %gather3A_1003 : vector<16xf32>
      %add3A_1005 = arith.constant 1 : i32
      %add3A_1006 = vector.broadcast %add3A_1005 : i32 to vector<16xi32>
      %add3A_1007 = arith.addi %add3A_1002, %add3A_1006 : vector<16xi32>
      %gather3A_1008 = tpu.vector_load_idx %arg9[%add3A_1007] : memref<3328xf32, #tpu.memory_space<vmem>>[vector<16xi32>], vector<16xf32>,
      %add3A_1009 = arith.addf %add3A_1004, %gather3A_1008 : vector<16xf32>
      %add3A_1010 = arith.constant 1 : i32
      %add3A_1011 = vector.broadcast %add3A_1010 : i32 to vector<16xi32>
      %add3A_1012 = arith.addi %add3A_1007, %add3A_1011 : vector<16xi32>
      %gather3A_1013 = tpu.vector_load_idx %arg9[%add3A_1012] : memref<3328xf32, #tpu.memory_space<vmem>>[vector<16xi32>], vector<16xf32>,
      %add3A_1014 = arith.addf %add3A_1009, %gather3A_1013 : vector<16xf32>
      %add3A_1015 = arith.constant 1 : i32
      %add3A_1016 = vector.broadcast %add3A_1015 : i32 to vector<16xi32>
      %add3A_1017 = arith.addi %add3A_1012, %add3A_1016 : vector<16xi32>
      %gather3A_1018 = tpu.vector_load_idx %arg9[%add3A_1017] : memref<3328xf32, #tpu.memory_space<vmem>>[vector<16xi32>], vector<16xf32>,
      %add3A_1019 = arith.addf %add3A_1014, %gather3A_1018 : vector<16xf32>
      %add3A_1020 = arith.constant 1 : i32
      %add3A_1021 = vector.broadcast %add3A_1020 : i32 to vector<16xi32>
      %add3A_1022 = arith.addi %add3A_1017, %add3A_1021 : vector<16xi32>
      %gather3A_1023 = tpu.vector_load_idx %arg9[%add3A_1022] : memref<3328xf32, #tpu.memory_space<vmem>>[vector<16xi32>], vector<16xf32>,
      %add3A_1024 = arith.addf %add3A_1019, %gather3A_1023 : vector<16xf32>
      %add3A_1025 = arith.constant 1 : i32
      %add3A_1026 = vector.broadcast %add3A_1025 : i32 to vector<16xi32>
      %add3A_1027 = arith.addi %add3A_1022, %add3A_1026 : vector<16xi32>
      %gather3A_1028 = tpu.vector_load_idx %arg9[%add3A_1027] : memref<3328xf32, #tpu.memory_space<vmem>>[vector<16xi32>], vector<16xf32>,
      %add3A_1029 = arith.addf %add3A_1024, %gather3A_1028 : vector<16xf32>
      %add3A_1030 = arith.constant 1 : i32
      %add3A_1031 = vector.broadcast %add3A_1030 : i32 to vector<16xi32>
      %add3A_1032 = arith.addi %add3A_1027, %add3A_1031 : vector<16xi32>
      %gather3A_1033 = tpu.vector_load_idx %arg9[%add3A_1032] : memref<3328xf32, #tpu.memory_space<vmem>>[vector<16xi32>], vector<16xf32>,
      %add3A_1034 = arith.addf %add3A_1029, %gather3A_1033 : vector<16xf32>
      %add3A_1035 = arith.constant 1 : i32
      %add3A_1036 = vector.broadcast %add3A_1035 : i32 to vector<16xi32>
      %add3A_1037 = arith.addi %add3A_1032, %add3A_1036 : vector<16xi32>
      %gather3A_1038 = tpu.vector_load_idx %arg9[%add3A_1037] : memref<3328xf32, #tpu.memory_space<vmem>>[vector<16xi32>], vector<16xf32>,
      %add3A_1039 = arith.addf %add3A_1034, %gather3A_1038 : vector<16xf32>
      %add3A_1040 = arith.constant 1 : i32
      %add3A_1041 = vector.broadcast %add3A_1040 : i32 to vector<16xi32>
      %add3A_1042 = arith.addi %add3A_1037, %add3A_1041 : vector<16xi32>
      %gather3A_1043 = tpu.vector_load_idx %arg9[%add3A_1042] : memref<3328xf32, #tpu.memory_space<vmem>>[vector<16xi32>], vector<16xf32>,
      %add3A_1044 = arith.addf %add3A_1039, %gather3A_1043 : vector<16xf32>
      %add3A_1045 = arith.constant 1 : i32
      %add3A_1046 = vector.broadcast %add3A_1045 : i32 to vector<16xi32>
      %add3A_1047 = arith.addi %add3A_1042, %add3A_1046 : vector<16xi32>
      %gather3A_1048 = tpu.vector_load_idx %arg9[%add3A_1047] : memref<3328xf32, #tpu.memory_space<vmem>>[vector<16xi32>], vector<16xf32>,
      %add3A_1049 = arith.addf %add3A_1044, %gather3A_1048 : vector<16xf32>
      %add3A_1050 = arith.constant 1 : i32
      %add3A_1051 = vector.broadcast %add3A_1050 : i32 to vector<16xi32>
      %add3A_1052 = arith.addi %add3A_1047, %add3A_1051 : vector<16xi32>
      %gather3A_1053 = tpu.vector_load_idx %arg9[%add3A_1052] : memref<3328xf32, #tpu.memory_space<vmem>>[vector<16xi32>], vector<16xf32>,
      %add3A_1054 = arith.addf %add3A_1049, %gather3A_1053 : vector<16xf32>
      %add3A_1055 = arith.constant 1 : i32
      %add3A_1056 = vector.broadcast %add3A_1055 : i32 to vector<16xi32>
      %add3A_1057 = arith.addi %add3A_1052, %add3A_1056 : vector<16xi32>
      %gather3A_1058 = tpu.vector_load_idx %arg9[%add3A_1057] : memref<3328xf32, #tpu.memory_space<vmem>>[vector<16xi32>], vector<16xf32>,
      %add3A_1059 = arith.addf %add3A_1054, %gather3A_1058 : vector<16xf32>
      %add3A_1060 = arith.constant 1 : i32
      %add3A_1061 = vector.broadcast %add3A_1060 : i32 to vector<16xi32>
      %add3A_1062 = arith.addi %add3A_1057, %add3A_1061 : vector<16xi32>
      %gather3A_1063 = tpu.vector_load_idx %arg9[%add3A_1062] : memref<3328xf32, #tpu.memory_space<vmem>>[vector<16xi32>], vector<16xf32>,
      %add3A_1064 = arith.addf %add3A_1059, %gather3A_1063 : vector<16xf32>
      %add3A_1065 = arith.constant 1 : i32
      %add3A_1066 = vector.broadcast %add3A_1065 : i32 to vector<16xi32>
      %add3A_1067 = arith.addi %add3A_1062, %add3A_1066 : vector<16xi32>
      %gather3A_1068 = tpu.vector_load_idx %arg9[%add3A_1067] : memref<3328xf32, #tpu.memory_space<vmem>>[vector<16xi32>], vector<16xf32>,
      %add3A_1069 = arith.addf %add3A_1064, %gather3A_1068 : vector<16xf32>
      %add3A_1070 = arith.constant 1 : i32
      %add3A_1071 = vector.broadcast %add3A_1070 : i32 to vector<16xi32>
      %add3A_1072 = arith.addi %add3A_1067, %add3A_1071 : vector<16xi32>
      %gather3A_1073 = tpu.vector_load_idx %arg9[%add3A_1072] : memref<3328xf32, #tpu.memory_space<vmem>>[vector<16xi32>], vector<16xf32>,
      %add3A_1074 = arith.addf %add3A_1069, %gather3A_1073 : vector<16xf32>
      %add3A_1075 = arith.constant 1 : i32
      %add3A_1076 = vector.broadcast %add3A_1075 : i32 to vector<16xi32>
      %add3A_1077 = arith.addi %add3A_1072, %add3A_1076 : vector<16xi32>
      %gather3A_1078 = tpu.vector_load_idx %arg9[%add3A_1077] : memref<3328xf32, #tpu.memory_space<vmem>>[vector<16xi32>], vector<16xf32>,
      %add3A_1079 = arith.addf %add3A_1074, %gather3A_1078 : vector<16xf32>
      %add3A_1080 = arith.constant 1 : i32
      %add3A_1081 = vector.broadcast %add3A_1080 : i32 to vector<16xi32>
      %add3A_1082 = arith.addi %add3A_1077, %add3A_1081 : vector<16xi32>
      %scan3A_1083 = arith.constant 0 : i32
      %scan3A_1084 = arith.constant 32 : i32
      %scan3A_1085 = arith.addi %scan3A_1083, %scan3A_1084 : i32
      %scan3A_1086 = arith.constant 1 : i32
      %scan3A_1087 = scf.for %scan3A_1098 = %scan3A_1083 to %scan3A_1085 step %scan3A_1086 iter_args(%scan3A_1099 = %broadcast_in_dim3A_936) -> (vector<16xf32>)  : i32 {
        %broadcast_in_dim3A_1100 = vector.broadcast %scan3A_1098 : i32 to vector<16xi32>
        %gather3A_1101 = tpu.vector_load_idx %arg8[%mul3A_953, %broadcast_in_dim3A_1100] : memref<3328x32xf32, #tpu.memory_space<vmem>>[vector<16xi32>, vector<16xi32>], vector<16xf32>,
        %add3A_1102 = arith.addf %broadcast_in_dim3A_936, %gather3A_1101 : vector<16xf32>
        %mul3A_1103 = arith.mulf %gather3A_1101, %gather3A_1101 : vector<16xf32>
        %add3A_1104 = arith.addf %broadcast_in_dim3A_936, %mul3A_1103 : vector<16xf32>
        %add3A_1105 = arith.constant 1 : i32
        %add3A_1106 = vector.broadcast %add3A_1105 : i32 to vector<16xi32>
        %add3A_1107 = arith.addi %mul3A_953, %add3A_1106 : vector<16xi32>
        %gather3A_1108 = tpu.vector_load_idx %arg8[%add3A_1107, %broadcast_in_dim3A_1100] : memref<3328x32xf32, #tpu.memory_space<vmem>>[vector<16xi32>, vector<16xi32>], vector<16xf32>,
        %add3A_1109 = arith.addf %add3A_1102, %gather3A_1108 : vector<16xf32>
        %mul3A_1110 = arith.mulf %gather3A_1108, %gather3A_1108 : vector<16xf32>
        %add3A_1111 = arith.addf %add3A_1104, %mul3A_1110 : vector<16xf32>
        %add3A_1112 = arith.constant 1 : i32
        %add3A_1113 = vector.broadcast %add3A_1112 : i32 to vector<16xi32>
        %add3A_1114 = arith.addi %add3A_1107, %add3A_1113 : vector<16xi32>
        %gather3A_1115 = tpu.vector_load_idx %arg8[%add3A_1114, %broadcast_in_dim3A_1100] : memref<3328x32xf32, #tpu.memory_space<vmem>>[vector<16xi32>, vector<16xi32>], vector<16xf32>,
        %add3A_1116 = arith.addf %add3A_1109, %gather3A_1115 : vector<16xf32>
        %mul3A_1117 = arith.mulf %gather3A_1115, %gather3A_1115 : vector<16xf32>
        %add3A_1118 = arith.addf %add3A_1111, %mul3A_1117 : vector<16xf32>
        %add3A_1119 = arith.constant 1 : i32
        %add3A_1120 = vector.broadcast %add3A_1119 : i32 to vector<16xi32>
        %add3A_1121 = arith.addi %add3A_1114, %add3A_1120 : vector<16xi32>
        %gather3A_1122 = tpu.vector_load_idx %arg8[%add3A_1121, %broadcast_in_dim3A_1100] : memref<3328x32xf32, #tpu.memory_space<vmem>>[vector<16xi32>, vector<16xi32>], vector<16xf32>,
        %add3A_1123 = arith.addf %add3A_1116, %gather3A_1122 : vector<16xf32>
        %mul3A_1124 = arith.mulf %gather3A_1122, %gather3A_1122 : vector<16xf32>
        %add3A_1125 = arith.addf %add3A_1118, %mul3A_1124 : vector<16xf32>
        %add3A_1126 = arith.constant 1 : i32
        %add3A_1127 = vector.broadcast %add3A_1126 : i32 to vector<16xi32>
        %add3A_1128 = arith.addi %add3A_1121, %add3A_1127 : vector<16xi32>
        %gather3A_1129 = tpu.vector_load_idx %arg8[%add3A_1128, %broadcast_in_dim3A_1100] : memref<3328x32xf32, #tpu.memory_space<vmem>>[vector<16xi32>, vector<16xi32>], vector<16xf32>,
        %add3A_1130 = arith.addf %add3A_1123, %gather3A_1129 : vector<16xf32>
        %mul3A_1131 = arith.mulf %gather3A_1129, %gather3A_1129 : vector<16xf32>
        %add3A_1132 = arith.addf %add3A_1125, %mul3A_1131 : vector<16xf32>
        %add3A_1133 = arith.constant 1 : i32
        %add3A_1134 = vector.broadcast %add3A_1133 : i32 to vector<16xi32>
        %add3A_1135 = arith.addi %add3A_1128, %add3A_1134 : vector<16xi32>
        %gather3A_1136 = tpu.vector_load_idx %arg8[%add3A_1135, %broadcast_in_dim3A_1100] : memref<3328x32xf32, #tpu.memory_space<vmem>>[vector<16xi32>, vector<16xi32>], vector<16xf32>,
        %add3A_1137 = arith.addf %add3A_1130, %gather3A_1136 : vector<16xf32>
        %mul3A_1138 = arith.mulf %gather3A_1136, %gather3A_1136 : vector<16xf32>
        %add3A_1139 = arith.addf %add3A_1132, %mul3A_1138 : vector<16xf32>
        %add3A_1140 = arith.constant 1 : i32
        %add3A_1141 = vector.broadcast %add3A_1140 : i32 to vector<16xi32>
        %add3A_1142 = arith.addi %add3A_1135, %add3A_1141 : vector<16xi32>
        %gather3A_1143 = tpu.vector_load_idx %arg8[%add3A_1142, %broadcast_in_dim3A_1100] : memref<3328x32xf32, #tpu.memory_space<vmem>>[vector<16xi32>, vector<16xi32>], vector<16xf32>,
        %add3A_1144 = arith.addf %add3A_1137, %gather3A_1143 : vector<16xf32>
        %mul3A_1145 = arith.mulf %gather3A_1143, %gather3A_1143 : vector<16xf32>
        %add3A_1146 = arith.addf %add3A_1139, %mul3A_1145 : vector<16xf32>
        %add3A_1147 = arith.constant 1 : i32
        %add3A_1148 = vector.broadcast %add3A_1147 : i32 to vector<16xi32>
        %add3A_1149 = arith.addi %add3A_1142, %add3A_1148 : vector<16xi32>
        %gather3A_1150 = tpu.vector_load_idx %arg8[%add3A_1149, %broadcast_in_dim3A_1100] : memref<3328x32xf32, #tpu.memory_space<vmem>>[vector<16xi32>, vector<16xi32>], vector<16xf32>,
        %add3A_1151 = arith.addf %add3A_1144, %gather3A_1150 : vector<16xf32>
        %mul3A_1152 = arith.mulf %gather3A_1150, %gather3A_1150 : vector<16xf32>
        %add3A_1153 = arith.addf %add3A_1146, %mul3A_1152 : vector<16xf32>
        %add3A_1154 = arith.constant 1 : i32
        %add3A_1155 = vector.broadcast %add3A_1154 : i32 to vector<16xi32>
        %add3A_1156 = arith.addi %add3A_1149, %add3A_1155 : vector<16xi32>
        %gather3A_1157 = tpu.vector_load_idx %arg8[%add3A_1156, %broadcast_in_dim3A_1100] : memref<3328x32xf32, #tpu.memory_space<vmem>>[vector<16xi32>, vector<16xi32>], vector<16xf32>,
        %add3A_1158 = arith.addf %add3A_1151, %gather3A_1157 : vector<16xf32>
        %mul3A_1159 = arith.mulf %gather3A_1157, %gather3A_1157 : vector<16xf32>
        %add3A_1160 = arith.addf %add3A_1153, %mul3A_1159 : vector<16xf32>
        %add3A_1161 = arith.constant 1 : i32
        %add3A_1162 = vector.broadcast %add3A_1161 : i32 to vector<16xi32>
        %add3A_1163 = arith.addi %add3A_1156, %add3A_1162 : vector<16xi32>
        %gather3A_1164 = tpu.vector_load_idx %arg8[%add3A_1163, %broadcast_in_dim3A_1100] : memref<3328x32xf32, #tpu.memory_space<vmem>>[vector<16xi32>, vector<16xi32>], vector<16xf32>,
        %add3A_1165 = arith.addf %add3A_1158, %gather3A_1164 : vector<16xf32>
        %mul3A_1166 = arith.mulf %gather3A_1164, %gather3A_1164 : vector<16xf32>
        %add3A_1167 = arith.addf %add3A_1160, %mul3A_1166 : vector<16xf32>
        %add3A_1168 = arith.constant 1 : i32
        %add3A_1169 = vector.broadcast %add3A_1168 : i32 to vector<16xi32>
        %add3A_1170 = arith.addi %add3A_1163, %add3A_1169 : vector<16xi32>
        %gather3A_1171 = tpu.vector_load_idx %arg8[%add3A_1170, %broadcast_in_dim3A_1100] : memref<3328x32xf32, #tpu.memory_space<vmem>>[vector<16xi32>, vector<16xi32>], vector<16xf32>,
        %add3A_1172 = arith.addf %add3A_1165, %gather3A_1171 : vector<16xf32>
        %mul3A_1173 = arith.mulf %gather3A_1171, %gather3A_1171 : vector<16xf32>
        %add3A_1174 = arith.addf %add3A_1167, %mul3A_1173 : vector<16xf32>
        %add3A_1175 = arith.constant 1 : i32
        %add3A_1176 = vector.broadcast %add3A_1175 : i32 to vector<16xi32>
        %add3A_1177 = arith.addi %add3A_1170, %add3A_1176 : vector<16xi32>
        %gather3A_1178 = tpu.vector_load_idx %arg8[%add3A_1177, %broadcast_in_dim3A_1100] : memref<3328x32xf32, #tpu.memory_space<vmem>>[vector<16xi32>, vector<16xi32>], vector<16xf32>,
        %add3A_1179 = arith.addf %add3A_1172, %gather3A_1178 : vector<16xf32>
        %mul3A_1180 = arith.mulf %gather3A_1178, %gather3A_1178 : vector<16xf32>
        %add3A_1181 = arith.addf %add3A_1174, %mul3A_1180 : vector<16xf32>
        %add3A_1182 = arith.constant 1 : i32
        %add3A_1183 = vector.broadcast %add3A_1182 : i32 to vector<16xi32>
        %add3A_1184 = arith.addi %add3A_1177, %add3A_1183 : vector<16xi32>
        %gather3A_1185 = tpu.vector_load_idx %arg8[%add3A_1184, %broadcast_in_dim3A_1100] : memref<3328x32xf32, #tpu.memory_space<vmem>>[vector<16xi32>, vector<16xi32>], vector<16xf32>,
        %add3A_1186 = arith.addf %add3A_1179, %gather3A_1185 : vector<16xf32>
        %mul3A_1187 = arith.mulf %gather3A_1185, %gather3A_1185 : vector<16xf32>
        %add3A_1188 = arith.addf %add3A_1181, %mul3A_1187 : vector<16xf32>
        %add3A_1189 = arith.constant 1 : i32
        %add3A_1190 = vector.broadcast %add3A_1189 : i32 to vector<16xi32>
        %add3A_1191 = arith.addi %add3A_1184, %add3A_1190 : vector<16xi32>
        %gather3A_1192 = tpu.vector_load_idx %arg8[%add3A_1191, %broadcast_in_dim3A_1100] : memref<3328x32xf32, #tpu.memory_space<vmem>>[vector<16xi32>, vector<16xi32>], vector<16xf32>,
        %add3A_1193 = arith.addf %add3A_1186, %gather3A_1192 : vector<16xf32>
        %mul3A_1194 = arith.mulf %gather3A_1192, %gather3A_1192 : vector<16xf32>
        %add3A_1195 = arith.addf %add3A_1188, %mul3A_1194 : vector<16xf32>
        %add3A_1196 = arith.constant 1 : i32
        %add3A_1197 = vector.broadcast %add3A_1196 : i32 to vector<16xi32>
        %add3A_1198 = arith.addi %add3A_1191, %add3A_1197 : vector<16xi32>
        %gather3A_1199 = tpu.vector_load_idx %arg8[%add3A_1198, %broadcast_in_dim3A_1100] : memref<3328x32xf32, #tpu.memory_space<vmem>>[vector<16xi32>, vector<16xi32>], vector<16xf32>,
        %add3A_1200 = arith.addf %add3A_1193, %gather3A_1199 : vector<16xf32>
        %mul3A_1201 = arith.mulf %gather3A_1199, %gather3A_1199 : vector<16xf32>
        %add3A_1202 = arith.addf %add3A_1195, %mul3A_1201 : vector<16xf32>
        %add3A_1203 = arith.constant 1 : i32
        %add3A_1204 = vector.broadcast %add3A_1203 : i32 to vector<16xi32>
        %add3A_1205 = arith.addi %add3A_1198, %add3A_1204 : vector<16xi32>
        %gather3A_1206 = tpu.vector_load_idx %arg8[%add3A_1205, %broadcast_in_dim3A_1100] : memref<3328x32xf32, #tpu.memory_space<vmem>>[vector<16xi32>, vector<16xi32>], vector<16xf32>,
        %add3A_1207 = arith.addf %add3A_1200, %gather3A_1206 : vector<16xf32>
        %mul3A_1208 = arith.mulf %gather3A_1206, %gather3A_1206 : vector<16xf32>
        %add3A_1209 = arith.addf %add3A_1202, %mul3A_1208 : vector<16xf32>
        %add3A_1210 = arith.constant 1 : i32
        %add3A_1211 = vector.broadcast %add3A_1210 : i32 to vector<16xi32>
        %add3A_1212 = arith.addi %add3A_1205, %add3A_1211 : vector<16xi32>
        %gather3A_1213 = tpu.vector_load_idx %arg8[%add3A_1212, %broadcast_in_dim3A_1100] : memref<3328x32xf32, #tpu.memory_space<vmem>>[vector<16xi32>, vector<16xi32>], vector<16xf32>,
        %add3A_1214 = arith.addf %add3A_1207, %gather3A_1213 : vector<16xf32>
        %mul3A_1215 = arith.mulf %gather3A_1213, %gather3A_1213 : vector<16xf32>
        %add3A_1216 = arith.addf %add3A_1209, %mul3A_1215 : vector<16xf32>
        %add3A_1217 = arith.constant 1 : i32
        %add3A_1218 = vector.broadcast %add3A_1217 : i32 to vector<16xi32>
        %add3A_1219 = arith.addi %add3A_1212, %add3A_1218 : vector<16xi32>
        %gather3A_1220 = tpu.vector_load_idx %arg8[%add3A_1219, %broadcast_in_dim3A_1100] : memref<3328x32xf32, #tpu.memory_space<vmem>>[vector<16xi32>, vector<16xi32>], vector<16xf32>,
        %add3A_1221 = arith.addf %add3A_1214, %gather3A_1220 : vector<16xf32>
        %mul3A_1222 = arith.mulf %gather3A_1220, %gather3A_1220 : vector<16xf32>
        %add3A_1223 = arith.addf %add3A_1216, %mul3A_1222 : vector<16xf32>
        %add3A_1224 = arith.constant 1 : i32
        %add3A_1225 = vector.broadcast %add3A_1224 : i32 to vector<16xi32>
        %add3A_1226 = arith.addi %add3A_1219, %add3A_1225 : vector<16xi32>
        %gather3A_1227 = tpu.vector_load_idx %arg8[%add3A_1226, %broadcast_in_dim3A_1100] : memref<3328x32xf32, #tpu.memory_space<vmem>>[vector<16xi32>, vector<16xi32>], vector<16xf32>,
        %add3A_1228 = arith.addf %add3A_1221, %gather3A_1227 : vector<16xf32>
        %mul3A_1229 = arith.mulf %gather3A_1227, %gather3A_1227 : vector<16xf32>
        %add3A_1230 = arith.addf %add3A_1223, %mul3A_1229 : vector<16xf32>
        %add3A_1231 = arith.constant 1 : i32
        %add3A_1232 = vector.broadcast %add3A_1231 : i32 to vector<16xi32>
        %add3A_1233 = arith.addi %add3A_1226, %add3A_1232 : vector<16xi32>
        %gather3A_1234 = tpu.vector_load_idx %arg8[%add3A_1233, %broadcast_in_dim3A_1100] : memref<3328x32xf32, #tpu.memory_space<vmem>>[vector<16xi32>, vector<16xi32>], vector<16xf32>,
        %add3A_1235 = arith.addf %add3A_1228, %gather3A_1234 : vector<16xf32>
        %mul3A_1236 = arith.mulf %gather3A_1234, %gather3A_1234 : vector<16xf32>
        %add3A_1237 = arith.addf %add3A_1230, %mul3A_1236 : vector<16xf32>
        %add3A_1238 = arith.constant 1 : i32
        %add3A_1239 = vector.broadcast %add3A_1238 : i32 to vector<16xi32>
        %add3A_1240 = arith.addi %add3A_1233, %add3A_1239 : vector<16xi32>
        %gather3A_1241 = tpu.vector_load_idx %arg8[%add3A_1240, %broadcast_in_dim3A_1100] : memref<3328x32xf32, #tpu.memory_space<vmem>>[vector<16xi32>, vector<16xi32>], vector<16xf32>,
        %add3A_1242 = arith.addf %add3A_1235, %gather3A_1241 : vector<16xf32>
        %mul3A_1243 = arith.mulf %gather3A_1241, %gather3A_1241 : vector<16xf32>
        %add3A_1244 = arith.addf %add3A_1237, %mul3A_1243 : vector<16xf32>
        %add3A_1245 = arith.constant 1 : i32
        %add3A_1246 = vector.broadcast %add3A_1245 : i32 to vector<16xi32>
        %add3A_1247 = arith.addi %add3A_1240, %add3A_1246 : vector<16xi32>
        %gather3A_1248 = tpu.vector_load_idx %arg8[%add3A_1247, %broadcast_in_dim3A_1100] : memref<3328x32xf32, #tpu.memory_space<vmem>>[vector<16xi32>, vector<16xi32>], vector<16xf32>,
        %add3A_1249 = arith.addf %add3A_1242, %gather3A_1248 : vector<16xf32>
        %mul3A_1250 = arith.mulf %gather3A_1248, %gather3A_1248 : vector<16xf32>
        %add3A_1251 = arith.addf %add3A_1244, %mul3A_1250 : vector<16xf32>
        %add3A_1252 = arith.constant 1 : i32
        %add3A_1253 = vector.broadcast %add3A_1252 : i32 to vector<16xi32>
        %add3A_1254 = arith.addi %add3A_1247, %add3A_1253 : vector<16xi32>
        %gather3A_1255 = tpu.vector_load_idx %arg8[%add3A_1254, %broadcast_in_dim3A_1100] : memref<3328x32xf32, #tpu.memory_space<vmem>>[vector<16xi32>, vector<16xi32>], vector<16xf32>,
        %add3A_1256 = arith.addf %add3A_1249, %gather3A_1255 : vector<16xf32>
        %mul3A_1257 = arith.mulf %gather3A_1255, %gather3A_1255 : vector<16xf32>
        %add3A_1258 = arith.addf %add3A_1251, %mul3A_1257 : vector<16xf32>
        %add3A_1259 = arith.constant 1 : i32
        %add3A_1260 = vector.broadcast %add3A_1259 : i32 to vector<16xi32>
        %add3A_1261 = arith.addi %add3A_1254, %add3A_1260 : vector<16xi32>
        %gather3A_1262 = tpu.vector_load_idx %arg8[%add3A_1261, %broadcast_in_dim3A_1100] : memref<3328x32xf32, #tpu.memory_space<vmem>>[vector<16xi32>, vector<16xi32>], vector<16xf32>,
        %add3A_1263 = arith.addf %add3A_1256, %gather3A_1262 : vector<16xf32>
        %mul3A_1264 = arith.mulf %gather3A_1262, %gather3A_1262 : vector<16xf32>
        %add3A_1265 = arith.addf %add3A_1258, %mul3A_1264 : vector<16xf32>
        %add3A_1266 = arith.constant 1 : i32
        %add3A_1267 = vector.broadcast %add3A_1266 : i32 to vector<16xi32>
        %add3A_1268 = arith.addi %add3A_1261, %add3A_1267 : vector<16xi32>
        %gather3A_1269 = tpu.vector_load_idx %arg8[%add3A_1268, %broadcast_in_dim3A_1100] : memref<3328x32xf32, #tpu.memory_space<vmem>>[vector<16xi32>, vector<16xi32>], vector<16xf32>,
        %add3A_1270 = arith.addf %add3A_1263, %gather3A_1269 : vector<16xf32>
        %mul3A_1271 = arith.mulf %gather3A_1269, %gather3A_1269 : vector<16xf32>
        %add3A_1272 = arith.addf %add3A_1265, %mul3A_1271 : vector<16xf32>
        %add3A_1273 = arith.constant 1 : i32
        %add3A_1274 = vector.broadcast %add3A_1273 : i32 to vector<16xi32>
        %add3A_1275 = arith.addi %add3A_1268, %add3A_1274 : vector<16xi32>
        %gather3A_1276 = tpu.vector_load_idx %arg8[%add3A_1275, %broadcast_in_dim3A_1100] : memref<3328x32xf32, #tpu.memory_space<vmem>>[vector<16xi32>, vector<16xi32>], vector<16xf32>,
        %add3A_1277 = arith.addf %add3A_1270, %gather3A_1276 : vector<16xf32>
        %mul3A_1278 = arith.mulf %gather3A_1276, %gather3A_1276 : vector<16xf32>
        %add3A_1279 = arith.addf %add3A_1272, %mul3A_1278 : vector<16xf32>
        %add3A_1280 = arith.constant 1 : i32
        %add3A_1281 = vector.broadcast %add3A_1280 : i32 to vector<16xi32>
        %add3A_1282 = arith.addi %add3A_1275, %add3A_1281 : vector<16xi32>
        %mul3A_1283 = arith.mulf %add3A_1277, %add3A_1277 : vector<16xf32>
        %add3A_1284 = arith.addf %scan3A_1099, %mul3A_1283 : vector<16xf32>
        %sub3A = arith.subf %add3A_1284, %add3A_1279 : vector<16xf32>
        scf.yield %sub3A : vector<16xf32>
      }
      %scan3A_1088 = arith.constant 32 : i32
      %add3A_1089 = arith.addf %add3A_1079, %get3A_935 : vector<16xf32>
      %mul3A_1090 = arith.constant 5.000000e-01 : f32
      %mul3A_1091 = vector.broadcast %mul3A_1090 : f32 to vector<16xf32>
      %mul3A_1092 = arith.mulf %mul3A_1091, %scan3A_1087 : vector<16xf32>
      %add3A_1093 = arith.addf %add3A_1089, %mul3A_1092 : vector<16xf32>
      %mul3A_1094 = arith.constant 16 : i32
      %mul3A_1095 = arith.muli %scan3A_945, %mul3A_1094 : i32
      %swap3A = arith.index_cast %mul3A_1095 : i32 to index
      %swap3A_1096 = tpu.vector_load %arg10[%swap3A] {strides = array<i32>} : memref<128xf32, #tpu.memory_space<vmem>>, vector<16xf32>,
      tpu.vector_store %arg10[%swap3A], %add3A_1093 {strides = array<i32>} : memref<128xf32, #tpu.memory_space<vmem>>, vector<16xf32>,
      %scan3A_1097 = arith.constant 0 : i32
      scf.yield %scan3A_1097 : i32
    }
    %scan3A_942 = arith.constant 8 : i32
    %mul3A_943 = arith.constant 128 : i32
    %mul3A_944 = arith.muli %add3A, %mul3A_943 : i32
    "tpu.region"() ({
      %run_scoped3A = tpu.sem_alloc : memref<!tpu.dma_semaphore, #tpu.memory_space<semaphore_mem>>
      %dma_start3A_945 = tpu.memref_slice %arg6[%mul3A_944] : memref<4096xf32, #tpu.memory_space<hbm>> -> memref<128xf32, #tpu.memory_space<hbm>>
      %dma_start3A_946 = tpu.memref_slice %arg6[%mul3A_944] : memref<4096xf32, #tpu.memory_space<hbm>> -> memref<128xf32, #tpu.memory_space<hbm>>
      tpu.enqueue_dma source(%arg10 : memref<128xf32, #tpu.memory_space<vmem>>) target(%dma_start3A_946 : memref<128xf32, #tpu.memory_space<hbm>>) target_semaphore(%run_scoped3A : memref<!tpu.dma_semaphore, #tpu.memory_space<semaphore_mem>>)
      %dma_wait3A_947 = tpu.memref_slice %arg6[%mul3A_944] : memref<4096xf32, #tpu.memory_space<hbm>> -> memref<128xf32, #tpu.memory_space<hbm>>
      %dma_wait3A_948 = tpu.memref_slice %arg6[%mul3A_944] : memref<4096xf32, #tpu.memory_space<hbm>> -> memref<128xf32, #tpu.memory_space<hbm>>
      tpu.wait_dma2 semaphore(%run_scoped3A : memref<!tpu.dma_semaphore, #tpu.memory_space<semaphore_mem>>) src(%arg10 : memref<128xf32, #tpu.memory_space<vmem>>) dst(%dma_wait3A_948 : memref<128xf32, #tpu.memory_space<hbm>>)
      tpu.yield
    }) : () -> ()
    return
  }
}

</mosaic_0001>

<sc_bundles>
// kernel: _fm_sc.3.cloned.1.call-start
scs
__scs_entry_jumppad:
0x0: {  	(pc) =	sbr.rel $0x88, $3  }
0x1: {  	(tag) =	ssettag $0x0;
	lr =	simm.s32 $0x1  }
0x2: {  	[smem:$0x3F9D] =	sst lr;
	_ =	strace $0xD0000000  }
0x3: {  	_ = 	snop  }
0x4: {  	_ = 	snop  }
0x5: {  	_ = 	snop  }
0x6: {  	_ = 	snop  }
0x7: {  	_ = 	snop  }
__scs_overlays_trampoline_lowered:
0x8: {  	[smem:$0x3FAC] =	sst s0  }
0x9: {  	[smem:$0x3FAD] =	sst s1  }
0xa: {  	[smem:$0x3FAE] =	sst s2  }
0xb: {  	[smem:$0x3FAF] =	sst s3  }
0xc: {  	[smem:$0x3FB0] =	sst s4  }
0xd: {  	[smem:$0x3FB1] =	sst s5  }
0xe: {  	[smem:$0x3FB2] =	sst s6  }
0xf: {  	[smem:$0x3FB3] =	sst s7  }
0x10: {  	[smem:$0x3FB4] =	sst s8  }
0x11: {  	[smem:$0x3FB5] =	sst s9;
	s0 =	simm.s32 @!p0 $0x0  }
0x12: {  	s1 =	sld [smem:$0x3F9B];
	s0 =	simm.s32 @p0 $0x1  }
0x13: {  	[smem:$0x3FB6] =	sst s0;
	s0 =	simm.s32 @!p1 $0x0  }
0x14: {  	s2 =	sld [smem:$0x3F9A];
	s0 =	simm.s32 @p1 $0x1  }
0x15: {  	[smem:$0x3FB7] =	sst s0;
	s0 =	simm.s32 @!p2 $0x0  }
0x16: {  	s3 =	sld [smem:$0x3FDB];
	s0 =	simm.s32 @p2 $0x1  }
0x17: {  	s4 =	simm.s32 $0x1BF5;
	[smem:$0x3FB9] =	sst s0  }
0x18: {  	s0 =	sld [smem:$0x3F9C];
	_ =	swait.ge [sflag:s4], $0x0  }
0x19: {  	s7 =	sld [smem:$0x3F9D]  }
0x1a: {  	s8 =	sadd.s32 $0xFFFFE003, lr  }
0x1b: {  	s9 =	sadd.s32 $0xFFFFFEF7, lr;
	s5 =	simm.s32 $0xFFFFFFFF;
	p2 =	slt.u32 s8, $0xFFFFF086  }
0x1c: {  	p1 =	slt.u32 s9, $0xF7A;
	s5 =	simm.s32 @!p2 $0x0  }
0x1d: {  	s5 =	simm.s32 @p1 $0x1;
	p0 =	seq.s32 s7, s2  }
0x1e: {  	s7 =	smul.u32 @!p0 $0xF7A, s2;
	p2 =	seq.s32 @!p0 s5, $0x0  }
0x1f: {  	s9 =	smul.u32 $0xF7A, s1;
	s8 =	simm.s32 @!p0 $0x1BF5;
	p2 =	por !p2, p0  }
0x20: {  	[sflag:s8] =	ssyncset.s32 @!p0 $0xFFFFF086;
	s6 =	sadd.s32 @!p0 s3, s7;
	s7 =	simm.s32 @!p0 $0x108  }
0x21: {  	s3 =	sadd.s32 s3, s9;
	s6 =	sadd.s32 @!p0 $0x88, s6;
	s7 =	simm.s32 @p2 $0x1082  }
0x22: {  	[simem:s7], [sflag:s8] =	dma.local @!p0 [hbm:s6], $0xF7A  }
0x23: {  	s9 =	sor.u32 $0xD0000000, s2;
	s6 =	simm.s32 $0x108;
	_ =	swait.ge @!p0 [sflag:s8], $0x0  }
0x24: {  	s3 =	sadd.s32 $0x88, s3;
	s6 =	simm.s32 @!p1 $0x1082;
	[sflag:s4] =	ssyncset.s32 $0xFFFFF086  }
0x25: {  	[simem:s6], [sflag:s4] =	dma.local [hbm:s3], $0xF7A  }
0x26: {  	[smem:$0x3F9D] =	sst s1;
	(tag) =	ssettag s2;
	_ =	strace s9  }
0x27: {  	s1 =	sld [smem:$0x3FAD]  }
0x28: {  	s2 =	sld [smem:$0x3FAE]  }
0x29: {  	s4 =	sld [smem:$0x3FB0]  }
0x2a: {  	p0 =	seq.s32 s5, $0x0;
	s5 =	sld [smem:$0x3FB1]  }
0x2b: {  	s6 =	sld [smem:$0x3FB2]  }
0x2c: {  	s7 =	sld [smem:$0x3FB3]  }
0x2d: {  	s3 =	simm.s32 $0x108;
	s8 =	sld [smem:$0x3FB4]  }
0x2e: {  	s3 =	simm.s32 @!p0 $0x1082;
	s9 =	sld [smem:$0x3FB5]  }
0x2f: {  	lr =	sadd.s32 s0, s3;
	s0 =	sld [smem:$0x3FAC]  }
0x30: {  	s3 =	sld [smem:$0x3FAF]  }
0x31: {  	[smem:$0x3FB8] =	sst s10  }
0x32: {  	s10 =	sld [smem:$0x3FB6];
	_ =	sdelay $0x3  }
0x33: {  	p0 =	seq.s32 s10, $0x1;
	s10 =	sld [smem:$0x3FB8];
	_ =	sdelay $0x3  }
0x34: {  	[smem:$0x3FB8] =	sst s10  }
0x35: {  	s10 =	sld [smem:$0x3FB7];
	_ =	sdelay $0x3  }
0x36: {  	p1 =	seq.s32 s10, $0x1;
	s10 =	sld [smem:$0x3FB8];
	_ =	sdelay $0x3  }
0x37: {  	[smem:$0x3FB8] =	sst s10  }
0x38: {  	s10 =	sld [smem:$0x3FB9]  }
0x39: {  	_ = 	snop;
	(pc) =	sbr.ind lr, $3  }
0x3a: {  	_ = 	snop  }
0x3b: {  	_ = 	snop  }
0x3c: {  	p2 =	seq.s32 s10, $0x1;
	s10 =	sld [smem:$0x3FB8]  }
0x3d: {  	_ =	shalt  }
0x3e: {  	_ =	shalt  }
0x3f: {  	_ =	shalt  }
0x40: {  	_ =	shalt  }
0x41: {  	_ =	shalt  }
0x42: {  	_ =	shalt  }
0x43: {  	_ =	shalt  }
0x44: {  	_ =	shalt  }
0x45: {  	_ =	shalt  }
0x46: {  	_ =	shalt  }
0x47: {  	_ =	shalt  }
0x48: {  	_ =	shalt  }
0x49: {  	_ =	shalt  }
0x4a: {  	_ =	shalt  }
0x4b: {  	_ =	shalt  }
0x4c: {  	_ =	shalt  }
0x4d: {  	_ =	shalt  }
0x4e: {  	_ =	shalt  }
0x4f: {  	_ =	shalt  }
0x50: {  	_ =	shalt  }
0x51: {  	_ =	shalt  }
0x52: {  	_ =	shalt  }
0x53: {  	_ =	shalt  }
0x54: {  	_ =	shalt  }
0x55: {  	_ =	shalt  }
0x56: {  	_ =	shalt  }
0x57: {  	_ =	shalt  }
0x58: {  	_ =	shalt  }
0x59: {  	_ =	shalt  }
0x5a: {  	_ =	shalt  }
0x5b: {  	_ =	shalt  }
0x5c: {  	_ =	shalt  }
0x5d: {  	_ =	shalt  }
0x5e: {  	_ =	shalt  }
0x5f: {  	_ =	shalt  }
0x60: {  	_ =	shalt  }
0x61: {  	_ =	shalt  }
0x62: {  	_ =	shalt  }
0x63: {  	_ =	shalt  }
0x64: {  	_ =	shalt  }
0x65: {  	_ =	shalt  }
0x66: {  	_ =	shalt  }
0x67: {  	_ =	shalt  }
0x68: {  	_ =	shalt  }
0x69: {  	_ =	shalt  }
0x6a: {  	_ =	shalt  }
0x6b: {  	_ =	shalt  }
0x6c: {  	_ =	shalt  }
0x6d: {  	_ =	shalt  }
0x6e: {  	_ =	shalt  }
0x6f: {  	_ =	shalt  }
0x70: {  	_ =	shalt  }
0x71: {  	_ =	shalt  }
0x72: {  	_ =	shalt  }
0x73: {  	_ =	shalt  }
0x74: {  	_ =	shalt  }
0x75: {  	_ =	shalt  }
0x76: {  	_ =	shalt  }
0x77: {  	_ =	shalt  }
0x78: {  	_ =	shalt  }
0x79: {  	_ =	shalt  }
0x7a: {  	_ =	shalt  }
0x7b: {  	_ =	shalt  }
0x7c: {  	_ =	shalt  }
0x7d: {  	_ =	shalt  }
0x7e: {  	_ =	shalt  }
0x7f: {  	_ =	shalt  }
0x80: {  	_ =	shalt  }
0x81: {  	_ =	shalt  }
0x82: {  	_ =	shalt  }
0x83: {  	_ =	shalt  }
0x84: {  	_ =	shalt  }
0x85: {  	_ =	shalt  }
0x86: {  	_ =	shalt  }
0x87: {  	_ =	shalt  }
.Lfunc_end0:
.L_simem_size_0:
called_computation_lowered:
.L_overlay_start_0:
0x88: {  	s2 =	sld [smem:$0x3FD9]  }
0x89: {  	s3 =	sld [smem:$0x3FFE];
	_ =	sdelay $0x1  }
0x8a: {  	s1 =	srdreg.scid  }
0x8b: {  	s0 =	sand.u32 $0x1, s1  }
0x8c: {  	s17 =	sshll.u32 s0, $0xA;
	s2 =	sadd.s32 s3, s2  }
0x8d: {  	s2 =	sadd.s32 s2, s17  }
0x8e: {  	[smem:$0x3FC4] =	sst s2  }
0x8f: {  	_ = 	snop  }
0x90: {  	s2 =	sld [smem:$0x3FC8]  }
0x91: {  	s18 =	sld [smem:$0x3FC7]  }
0x92: {  	s4 =	sld [smem:$0x3FD0];
	(tm) =	ssettm $0x1  }
0x93: {  	s5 =	sld [smem:$0x3FFB];
	_ =	sdelay $0x3  }
0x94: {  	_ =	strace s5  }
0x95: {  	s5 =	sld [smem:$0x3FFC];
	_ =	sdelay $0x3  }
0x96: {  	_ =	strace s5  }
0x97: {  	s5 =	sld [smem:$0x3FFD];
	_ =	sdelay $0x3  }
0x98: {  	_ =	strace s5  }
0x99: {  	_ =	strace $0x8FFFFFFF  }
0x9a: {  	s19 =	sld [smem:$0x3FDB];
	_ =	sdelay $0x1  }
0x9b: {  	s6 =	simm.s32 $_scs_section_size  }
0x9c: {  	s7 =	simm.s32 $_size__tile_overlayer_lowered;
	s8 =	simm.s32 $_tile_overlayer_lowered  }
0x9d: {  	s22 =	simm.s32 $0x1BFF;
	s21 =	sshll.u32 s8, $0x1;
	s5 =	sadd.s32 s6, s19  }
0x9e: {  	s9 =	simm.s32 $0x0;
	s20 =	sshll.u32 s7, $0x1;
	s7 =	sadd.s32 s21, s5  }
0x9f: {  	[timem:s9], [sflag:s22] =	dma.local [hbm:s7], s20  }
0xa0: {  	_ =	swait.ge [sflag:s22], s20  }
0xa1: {  	s6 =	ssub.s32 $0x0, s20;
	[sflag:s22] =	ssyncset.done $0x0  }
0xa2: {  	[sflag:s22] =	ssyncadd.s32 s6;
	_ =	sdelay $0x1  }
0xa3: {  	s23 =	simm.s32 $0x1B8B  }
0xa4: {  	_ =	swait.ge [sflag:s23], $0x1  }
0xa5: {  	[sflag:s23] =	ssyncset.done $0x0  }
0xa6: {  	s25 =	simm.s32 $0x1B8E;
	s24 =	sld [smem:$0x3FFE];
	[sflag:s23] =	ssyncadd.s32 $0xFFFFFFFF  }
0xa7: {  	s26 =	simm.s32 $execute0_lowered;
	[smem:$0x3FD2] =	sst s25  }
0xa8: {  	s7 =	sshll.u32 s26, $0x1;
	_ =	strace $0x80000046;
	[dreg:$0x1] =	wrdreg $0xFFFFFFFF  }
0xa9: {  	s28 =	simm.s32 $_size_execute0_lowered;
	s5 =	sadd.s32 s5, s7;
	[dreg:$0x0] =	wrdreg $0x0  }
0xaa: {  	s7 =	sshll.u32 s28, $0x1;
	[dreg:$0x2] =	wrdreg s5  }
0xab: {  	[dreg:$0x3] =	wrdreg s7  }
0xac: {  	[dreg:$0x4] =	wrdreg $0xC0  }
0xad: {  	_ =	task [dreg:s9], $0x5FFFF  }
0xae: {  	[dreg:$0x1] =	wrdreg $0xFFFFFFFF  }
0xaf: {  	[dreg:$0x0] =	wrdreg $0x60  }
0xb0: {  	[dreg:$0x2] =	wrdreg s24  }
0xb1: {  	[dreg:$0x3] =	wrdreg s2  }
0xb2: {  	[dreg:$0x4] =	wrdreg s18  }
0xb3: {  	[dreg:$0x5] =	wrdreg s4  }
0xb4: {  	[dreg:$0x6] =	wrdreg $0x9  }
0xb5: {  	_ =	task.clear_ibuf [dreg:s9], $0x7FFFF;
	_ =	strace $0x90000046  }
0xb6: {  	s29 =	simm.s32 $0x9;
	_ =	strace $0x80000048  }
0xb7: {  	_ =	swait.ge [sflag:s29], $0x1  }
0xb8: {  	[sflag:s29] =	ssyncadd.s32 $0xFFFFFFFF  }
0xb9: {  	_ =	strace $0x90000048  }
0xba: {  	_ =	sfence  }
0xbb: {  	s30 =	sld [smem:$0x0];
	_ =	sdelay $0x2  }
0xbc: {  	s31 =	sshll.u32 s1, $0xD;
	s1 =	sshrl.u32 s1, $0x2  }
0xbd: {  	s3 =	sand.u32 $0x4000, s31;
	s1 =	sadd.s32 s1, s30  }
0xbe: {  	s0 =	sor.u32 s3, s0;
	s1 =	sshll.u32 s1, $0x11  }
0xbf: {  	s0 =	sor.u32 s1, s0  }
0xc0: {  	s0 =	sadd.s32 $0x8F2B, s0  }
0xc1: {  	[sflag:s0] =	ssyncadd.remote.s32 $0x1  }
0xc2: {  	_ =	sfence.sel $0xFFFF  }
0xc3: {  	[dreg:$0x0] =	wrdreg $0xFFFFFFFF;
	(pc) =	sbr.abs _section_cstart, $3  }
0xc4: {  	[dreg:$0x1] =	wrdreg $0xFFFFFFFF  }
0xc5: {  	_ =	task.clear_ibuf [dreg:s9], $0x2FFFF;
	_ =	strace $0x9FFFFFFF  }
0xc6: {  	(tm) =	ssettm $0x7FFFFFFF  }
0xc7: {  	_ =	shalt  }
tec
execute0_lowered:
.L_overlay_start_1:
0x0: {  	(tag) =	ssettag $0x1  }
0x1: {  	s0 =	rddreg [dreg:$0x0];
	s4 =	stileid.u32;
	v43 =	vimm.s32 $0x5030107  }
0x2: {  	s1 =	rddreg [dreg:$0x1];
	v0 =	vlaneseq.u32;
	s5 =	sshll.u32 s4, $0x1;
	s4 =	simm.s32 $0x0;
	v45 =	vunpack.c.0.s8.s32 v43  }
0x3: {  	v2 =	vmul.u32 $0x1A, v0;
	[smem:$0x7FF] =	sst s4  }
0x4: {  	s3 =	rddreg [dreg:$0x3];
	v1 =	vand.u32 $0x3, v0;
	_ =	strace $0x80000047;
	[tilespmem:$0x1FEC0] =	vst v45  }
0x5: {  	v31 =	vmul.u32 $0x2, v1;
	v32 =	vor.u32 $0x1, v2;
	[tilespmem:$0x1FFE0] =	vst v2  }
0x6: {  	[tilespmem:$0x1FDE0] =	vst v32  }
0x7: {  	v35 =	vimm.s32 $0x1070503;
	v33 =	vadd.s32 $0x2, v2;
	[tilespmem:$0x1FDF0] =	vst v31  }
0x8: {  	v1 =	vunpack.c.0.s8.s32 v35;
	v36 =	vadd.s32 $0x3, v2;
	[tilespmem:$0x1FE10] =	vst v33  }
0x9: {  	[tilespmem:$0x1FE30] =	vst v36  }
0xa: {  	v38 =	vadd.s32 $0x4, v2;
	[tilespmem:$0x1FE40] =	vst v1  }
0xb: {  	v40 =	vadd.s32 $0x5, v2;
	[tilespmem:$0x1FE50] =	vst v38  }
0xc: {  	v42 =	vadd.s32 $0x6, v2;
	[tilespmem:$0x1FE70] =	vst v40  }
0xd: {  	v44 =	vadd.s32 $0x7, v2;
	[tilespmem:$0x1FE90] =	vst v42  }
0xe: {  	v46 =	vadd.s32 $0x8, v2;
	[tilespmem:$0x1FEB0] =	vst v44  }
0xf: {  	v47 =	vadd.s32 $0x9, v2;
	[tilespmem:$0x1FED0] =	vst v46  }
0x10: {  	v48 =	vadd.s32 $0xA, v2;
	[tilespmem:$0x1FEE0] =	vst v47  }
0x11: {  	v49 =	vadd.s32 $0xB, v2;
	[tilespmem:$0x1FEF0] =	vst v48  }
0x12: {  	v50 =	vadd.s32 $0xC, v2;
	[tilespmem:$0x1FF00] =	vst v49  }
0x13: {  	v51 =	vadd.s32 $0xD, v2;
	[tilespmem:$0x1FF10] =	vst v50  }
0x14: {  	v52 =	vadd.s32 $0xE, v2;
	[tilespmem:$0x1FF20] =	vst v51  }
0x15: {  	v53 =	vadd.s32 $0xF, v2;
	[tilespmem:$0x1FF30] =	vst v52  }
0x16: {  	v54 =	vadd.s32 $0x10, v2;
	[tilespmem:$0x1FF40] =	vst v53  }
0x17: {  	v55 =	vadd.s32 $0x11, v2;
	[tilespmem:$0x1FF50] =	vst v54  }
0x18: {  	s2 =	srdreg.scid;
	s9 =	simm.s32 $0x2;
	v56 =	vadd.s32 $0x12, v2;
	[tilespmem:$0x1FF60] =	vst v55  }
0x19: {  	s11 =	simm.s32 $0x80;
	s12 =	simm.s32 $0xD00;
	s13 =	simm.s32 $0x1AD00;
	v57 =	vadd.s32 $0x13, v2;
	[tilespmem:$0x1FF70] =	vst v56  }
0x1a: {  	s10 =	simm.s32 $0x400;
	s17 =	simm.s32 $0x480;
	s21 =	simm.s32 $0x500;
	v58 =	vadd.s32 $0x14, v2;
	[tilespmem:$0x1FF80] =	vst v57  }
0x1b: {  	s31 =	simm.s32 $0x600;
	s14 =	simm.s32 $0x680;
	s20 =	simm.s32 $0x700;
	v59 =	vadd.s32 $0x15, v2;
	[tilespmem:$0x1FF90] =	vst v58  }
0x1c: {  	s28 =	simm.s32 $0x780;
	s23 =	simm.s32 $0x880;
	s24 =	simm.s32 $0x980;
	v60 =	vadd.s32 $0x16, v2;
	[tilespmem:$0x1FFA0] =	vst v59  }
0x1d: {  	s18 =	simm.s32 $0xA00;
	s30 =	simm.s32 $0xA80;
	s2 =	sand.u32 $0x1, s2;
	v61 =	vadd.s32 $0x17, v2;
	[tilespmem:$0x1FFB0] =	vst v60  }
0x1e: {  	v34 =	vimm.s32 $0x60402;
	s15 =	simm.s32 $0xB00;
	s16 =	simm.s32 $0xB80;
	s6 =	sor.u32 s2, s5;
	v0 =	vor.u32 $0x1, v31;
	[tilespmem:$0x1FFC0] =	vst v61  }
0x1f: {  	s19 =	simm.s32 $0xC00;
	s2 =	ssub.s32 $0x2, s2;
	s5 =	smul.u32 $0x1A0, s6;
	v62 =	vadd.s32 $0x18, v2;
	[tilespmem:$0x1FE00] =	vst v0;
	v0 =	vunpack.c.0.s8.s32 v34  }
0x20: {  	v37 =	vimm.s32 $0x2000604;
	v39 =	vimm.s32 $0x3010705;
	s22 =	simm.s32 $0x1;
	s25 =	sshrl.u32 s2, $0x1;
	s29 =	sshll.u32 s6, $0x4;
	[tilespmem:$0x1FFD0] =	vst v62  }
0x21: {  	s6 =	simm.s32 $0xC80;
	v63 =	vadd.s32 $0x19, v2;
	s7 =	sadd.s32 s5, s0;
	s5 =	sadd.s32 $0xF42A00, s0;
	[tilespmem:$0x1FE20] =	vst v0;
	v0 =	vunpack.c.0.s8.s32 v37  }
0x22: {  	v41 =	vimm.s32 $0x4020006;
	v1 =	vunpack.c.0.s8.s32 v39;
	[tilespmem:$0x1FFF0] =	vst v63;
	s0 =	ssub.s32 s2, s25;
	s2 =	sadd.s32 s3, s29;
	s3 =	simm.s32 $0x800  }
0x23: {  	s26 =	sadd.s32 $0x600, s7;
	[dreg:$0x6] =	wrdreg s2;
	s0 =	smax.u32 s0, $0x1;
	[tilespmem:$0x1FE60] =	vst v0;
	v0 =	vunpack.c.0.s8.s32 v41  }
0x24: {  	s2 =	simm.s32 $0x380;
	[tilespmem:$0x1FE80] =	vst v1;
	s7 =	simm.s32 $0x0;
	[dreg:$0x5] =	wrdreg s26  }
0x25: {  	[dreg:$0x7] =	wrdreg s0;
	s26 =	simm.s32 $0x580;
	s0 =	simm.s32 $0x900;
	[tilespmem:$0x1FEA0] =	vst v0  }
.LBB2_1:
0x26: {  	s8 =	rddreg [dreg:$0x5]  }
0x27: {  	[tilespmem:s4], [sflag:$0x2] =	stream.linear.gather [hbm4b:s8+s4], $0xD00, $0x38;
	[tilespmem:$0x1BA90] =	vst v63  }
0x28: {  	_ =	swait.ge [sflag:s9], $0xD00  }
0x29: {  	[sflag:s9] =	ssyncset.done $0x0  }
0x2a: {  	[sflag:s9] =	ssyncadd.s32 $0xFFFFF300  }
0x2b: {  	s25 =	simm.s32 $0x1BA80;
	s29 =	rddreg [dreg:$0x2]  }
0x2c: {  	[tilespmem:s25], [sflag:$0x2] =	stream.linear.gather [hbm4b:s29+s4], $0x10, $0x38;
	[tilespmem:$0x1BA90] =	vst v63  }
0x2d: {  	_ =	swait.ge [sflag:s9], $0x10  }
0x2e: {  	[sflag:s9] =	ssyncset.done $0x0  }
0x2f: {  	[sflag:s9] =	ssyncadd.s32 $0xFFFFFFF0  }
0x30: {  	[tilespmem:s12], [sflag:$0x1] =	stream.indirect.gather [hbm4b:s5+s11], $0x20, s4, s11, $0xb8;
	[tilespmem:$0x1BA90] =	vst v63  }
0x31: {  	_ = 	snop  }
0x32: {  	[tilespmem:s13], [sflag:$0x1] =	stream.indirect.gather [hbm4b:s1+s11], $0x1, s4, s11, $0xb8;
	[tilespmem:$0x1BA90] =	vst v63  }
0x33: {  	s29 =	simm.s32 $0x1D00  }
0x34: {  	[tilespmem:s29], [sflag:$0x1] =	stream.indirect.gather [hbm4b:s5+s11], $0x20, s11, s11, $0xb8;
	[tilespmem:$0x1BA90] =	vst v63  }
0x35: {  	s25 =	simm.s32 $0x1AD80  }
0x36: {  	[tilespmem:s25], [sflag:$0x1] =	stream.indirect.gather [hbm4b:s1+s11], $0x1, s11, s11, $0xb8;
	[tilespmem:$0x1BA90] =	vst v63  }
0x37: {  	s8 =	simm.s32 $0x100;
	s29 =	simm.s32 $0x2D00  }
0x38: {  	[tilespmem:s29], [sflag:$0x1] =	stream.indirect.gather [hbm4b:s5+s11], $0x20, s8, s11, $0xb8;
	[tilespmem:$0x1BA90] =	vst v63  }
0x39: {  	s29 =	simm.s32 $0x1AE00  }
0x3a: {  	[tilespmem:s29], [sflag:$0x1] =	stream.indirect.gather [hbm4b:s1+s11], $0x1, s8, s11, $0xb8;
	[tilespmem:$0x1BA90] =	vst v63  }
0x3b: {  	s8 =	simm.s32 $0x180;
	s29 =	simm.s32 $0x3D00  }
0x3c: {  	[tilespmem:s29], [sflag:$0x1] =	stream.indirect.gather [hbm4b:s5+s11], $0x20, s8, s11, $0xb8;
	[tilespmem:$0x1BA90] =	vst v63  }
0x3d: {  	s29 =	simm.s32 $0x1AE80  }
0x3e: {  	[tilespmem:s29], [sflag:$0x1] =	stream.indirect.gather [hbm4b:s1+s11], $0x1, s8, s11, $0xb8;
	[tilespmem:$0x1BA90] =	vst v63  }
0x3f: {  	s8 =	simm.s32 $0x200;
	s29 =	simm.s32 $0x4D00  }
0x40: {  	[tilespmem:s29], [sflag:$0x1] =	stream.indirect.gather [hbm4b:s5+s11], $0x20, s8, s11, $0xb8;
	[tilespmem:$0x1BA90] =	vst v63  }
0x41: {  	s29 =	simm.s32 $0x1AF00  }
0x42: {  	[tilespmem:s29], [sflag:$0x1] =	stream.indirect.gather [hbm4b:s1+s11], $0x1, s8, s11, $0xb8;
	[tilespmem:$0x1BA90] =	vst v63  }
0x43: {  	s8 =	simm.s32 $0x280;
	s29 =	simm.s32 $0x5D00  }
0x44: {  	[tilespmem:s29], [sflag:$0x1] =	stream.indirect.gather [hbm4b:s5+s11], $0x20, s8, s11, $0xb8;
	[tilespmem:$0x1BA90] =	vst v63  }
0x45: {  	s29 =	simm.s32 $0x1AF80  }
0x46: {  	[tilespmem:s29], [sflag:$0x1] =	stream.indirect.gather [hbm4b:s1+s11], $0x1, s8, s11, $0xb8;
	[tilespmem:$0x1BA90] =	vst v63  }
0x47: {  	s8 =	simm.s32 $0x300;
	s29 =	simm.s32 $0x6D00  }
0x48: {  	[tilespmem:s29], [sflag:$0x1] =	stream.indirect.gather [hbm4b:s5+s11], $0x20, s8, s11, $0xb8;
	[tilespmem:$0x1BA90] =	vst v63  }
0x49: {  	s29 =	simm.s32 $0x1B000  }
0x4a: {  	[tilespmem:s29], [sflag:$0x1] =	stream.indirect.gather [hbm4b:s1+s11], $0x1, s8, s11, $0xb8;
	[tilespmem:$0x1BA90] =	vst v63  }
0x4b: {  	s25 =	simm.s32 $0x7D00  }
0x4c: {  	[tilespmem:s25], [sflag:$0x1] =	stream.indirect.gather [hbm4b:s5+s11], $0x20, s2, s11, $0xb8;
	[tilespmem:$0x1BA90] =	vst v63  }
0x4d: {  	s29 =	simm.s32 $0x1B080  }
0x4e: {  	[tilespmem:s29], [sflag:$0x1] =	stream.indirect.gather [hbm4b:s1+s11], $0x1, s2, s11, $0xb8;
	[tilespmem:$0x1BA90] =	vst v63  }
0x4f: {  	s25 =	simm.s32 $0x8D00  }
0x50: {  	[tilespmem:s25], [sflag:$0x1] =	stream.indirect.gather [hbm4b:s5+s11], $0x20, s10, s11, $0xb8;
	[tilespmem:$0x1BA90] =	vst v63  }
0x51: {  	s29 =	simm.s32 $0x1B100  }
0x52: {  	[tilespmem:s29], [sflag:$0x1] =	stream.indirect.gather [hbm4b:s1+s11], $0x1, s10, s11, $0xb8;
	[tilespmem:$0x1BA90] =	vst v63  }
0x53: {  	s25 =	simm.s32 $0x9D00  }
0x54: {  	[tilespmem:s25], [sflag:$0x1] =	stream.indirect.gather [hbm4b:s5+s11], $0x20, s17, s11, $0xb8;
	[tilespmem:$0x1BA90] =	vst v63  }
0x55: {  	s29 =	simm.s32 $0x1B180  }
0x56: {  	[tilespmem:s29], [sflag:$0x1] =	stream.indirect.gather [hbm4b:s1+s11], $0x1, s17, s11, $0xb8;
	[tilespmem:$0x1BA90] =	vst v63  }
0x57: {  	s25 =	simm.s32 $0xAD00  }
0x58: {  	[tilespmem:s25], [sflag:$0x1] =	stream.indirect.gather [hbm4b:s5+s11], $0x20, s21, s11, $0xb8;
	[tilespmem:$0x1BA90] =	vst v63  }
0x59: {  	s29 =	simm.s32 $0x1B200  }
0x5a: {  	[tilespmem:s29], [sflag:$0x1] =	stream.indirect.gather [hbm4b:s1+s11], $0x1, s21, s11, $0xb8;
	[tilespmem:$0x1BA90] =	vst v63  }
0x5b: {  	s25 =	simm.s32 $0xBD00  }
0x5c: {  	[tilespmem:s25], [sflag:$0x1] =	stream.indirect.gather [hbm4b:s5+s11], $0x20, s26, s11, $0xb8;
	[tilespmem:$0x1BA90] =	vst v63  }
0x5d: {  	s29 =	simm.s32 $0x1B280  }
0x5e: {  	[tilespmem:s29], [sflag:$0x1] =	stream.indirect.gather [hbm4b:s1+s11], $0x1, s26, s11, $0xb8;
	[tilespmem:$0x1BA90] =	vst v63  }
0x5f: {  	s25 =	simm.s32 $0xCD00  }
0x60: {  	[tilespmem:s25], [sflag:$0x1] =	stream.indirect.gather [hbm4b:s5+s11], $0x20, s31, s11, $0xb8;
	[tilespmem:$0x1BA90] =	vst v63  }
0x61: {  	s29 =	simm.s32 $0x1B300  }
0x62: {  	[tilespmem:s29], [sflag:$0x1] =	stream.indirect.gather [hbm4b:s1+s11], $0x1, s31, s11, $0xb8;
	[tilespmem:$0x1BA90] =	vst v63  }
0x63: {  	s25 =	simm.s32 $0xDD00  }
0x64: {  	[tilespmem:s25], [sflag:$0x1] =	stream.indirect.gather [hbm4b:s5+s11], $0x20, s14, s11, $0xb8;
	[tilespmem:$0x1BA90] =	vst v63  }
0x65: {  	s29 =	simm.s32 $0x1B380  }
0x66: {  	[tilespmem:s29], [sflag:$0x1] =	stream.indirect.gather [hbm4b:s1+s11], $0x1, s14, s11, $0xb8;
	[tilespmem:$0x1BA90] =	vst v63  }
0x67: {  	s25 =	simm.s32 $0xED00  }
0x68: {  	[tilespmem:s25], [sflag:$0x1] =	stream.indirect.gather [hbm4b:s5+s11], $0x20, s20, s11, $0xb8;
	[tilespmem:$0x1BA90] =	vst v63  }
0x69: {  	s29 =	simm.s32 $0x1B400  }
0x6a: {  	[tilespmem:s29], [sflag:$0x1] =	stream.indirect.gather [hbm4b:s1+s11], $0x1, s20, s11, $0xb8;
	[tilespmem:$0x1BA90] =	vst v63  }
0x6b: {  	s25 =	simm.s32 $0xFD00  }
0x6c: {  	[tilespmem:s25], [sflag:$0x1] =	stream.indirect.gather [hbm4b:s5+s11], $0x20, s28, s11, $0xb8;
	[tilespmem:$0x1BA90] =	vst v63  }
0x6d: {  	s29 =	simm.s32 $0x1B480  }
0x6e: {  	[tilespmem:s29], [sflag:$0x1] =	stream.indirect.gather [hbm4b:s1+s11], $0x1, s28, s11, $0xb8;
	[tilespmem:$0x1BA90] =	vst v63  }
0x6f: {  	s25 =	simm.s32 $0x10D00  }
0x70: {  	[tilespmem:s25], [sflag:$0x1] =	stream.indirect.gather [hbm4b:s5+s11], $0x20, s3, s11, $0xb8;
	[tilespmem:$0x1BA90] =	vst v63  }
0x71: {  	s29 =	simm.s32 $0x1B500  }
0x72: {  	[tilespmem:s29], [sflag:$0x1] =	stream.indirect.gather [hbm4b:s1+s11], $0x1, s3, s11, $0xb8;
	[tilespmem:$0x1BA90] =	vst v63  }
0x73: {  	s25 =	simm.s32 $0x11D00  }
0x74: {  	[tilespmem:s25], [sflag:$0x1] =	stream.indirect.gather [hbm4b:s5+s11], $0x20, s23, s11, $0xb8;
	[tilespmem:$0x1BA90] =	vst v63  }
0x75: {  	s29 =	simm.s32 $0x1B580  }
0x76: {  	[tilespmem:s29], [sflag:$0x1] =	stream.indirect.gather [hbm4b:s1+s11], $0x1, s23, s11, $0xb8;
	[tilespmem:$0x1BA90] =	vst v63  }
0x77: {  	s25 =	simm.s32 $0x12D00  }
0x78: {  	[tilespmem:s25], [sflag:$0x1] =	stream.indirect.gather [hbm4b:s5+s11], $0x20, s0, s11, $0xb8;
	[tilespmem:$0x1BA90] =	vst v63  }
0x79: {  	s29 =	simm.s32 $0x1B600  }
0x7a: {  	[tilespmem:s29], [sflag:$0x1] =	stream.indirect.gather [hbm4b:s1+s11], $0x1, s0, s11, $0xb8;
	[tilespmem:$0x1BA90] =	vst v63  }
0x7b: {  	s25 =	simm.s32 $0x13D00  }
0x7c: {  	[tilespmem:s25], [sflag:$0x1] =	stream.indirect.gather [hbm4b:s5+s11], $0x20, s24, s11, $0xb8;
	[tilespmem:$0x1BA90] =	vst v63  }
0x7d: {  	s29 =	simm.s32 $0x1B680  }
0x7e: {  	[tilespmem:s29], [sflag:$0x1] =	stream.indirect.gather [hbm4b:s1+s11], $0x1, s24, s11, $0xb8;
	[tilespmem:$0x1BA90] =	vst v63  }
0x7f: {  	s25 =	simm.s32 $0x14D00  }
0x80: {  	[tilespmem:s25], [sflag:$0x1] =	stream.indirect.gather [hbm4b:s5+s11], $0x20, s18, s11, $0xb8;
	[tilespmem:$0x1BA90] =	vst v63  }
0x81: {  	s29 =	simm.s32 $0x1B700  }
0x82: {  	[tilespmem:s29], [sflag:$0x1] =	stream.indirect.gather [hbm4b:s1+s11], $0x1, s18, s11, $0xb8;
	[tilespmem:$0x1BA90] =	vst v63  }
0x83: {  	s25 =	simm.s32 $0x15D00  }
0x84: {  	[tilespmem:s25], [sflag:$0x1] =	stream.indirect.gather [hbm4b:s5+s11], $0x20, s30, s11, $0xb8;
	[tilespmem:$0x1BA90] =	vst v63  }
0x85: {  	s29 =	simm.s32 $0x1B780  }
0x86: {  	[tilespmem:s29], [sflag:$0x1] =	stream.indirect.gather [hbm4b:s1+s11], $0x1, s30, s11, $0xb8;
	[tilespmem:$0x1BA90] =	vst v63  }
0x87: {  	s25 =	simm.s32 $0x16D00  }
0x88: {  	[tilespmem:s25], [sflag:$0x1] =	stream.indirect.gather [hbm4b:s5+s11], $0x20, s15, s11, $0xb8;
	[tilespmem:$0x1BA90] =	vst v63  }
0x89: {  	s29 =	simm.s32 $0x1B800  }
0x8a: {  	[tilespmem:s29], [sflag:$0x1] =	stream.indirect.gather [hbm4b:s1+s11], $0x1, s15, s11, $0xb8;
	[tilespmem:$0x1BA90] =	vst v63  }
0x8b: {  	s25 =	simm.s32 $0x17D00  }
0x8c: {  	[tilespmem:s25], [sflag:$0x1] =	stream.indirect.gather [hbm4b:s5+s11], $0x20, s16, s11, $0xb8;
	[tilespmem:$0x1BA90] =	vst v63  }
0x8d: {  	s29 =	simm.s32 $0x1B880  }
0x8e: {  	[tilespmem:s29], [sflag:$0x1] =	stream.indirect.gather [hbm4b:s1+s11], $0x1, s16, s11, $0xb8;
	[tilespmem:$0x1BA90] =	vst v63  }
0x8f: {  	s25 =	simm.s32 $0x18D00  }
0x90: {  	[tilespmem:s25], [sflag:$0x1] =	stream.indirect.gather [hbm4b:s5+s11], $0x20, s19, s11, $0xb8;
	[tilespmem:$0x1BA90] =	vst v63  }
0x91: {  	s29 =	simm.s32 $0x1B900  }
0x92: {  	[tilespmem:s29], [sflag:$0x1] =	stream.indirect.gather [hbm4b:s1+s11], $0x1, s19, s11, $0xb8;
	[tilespmem:$0x1BA90] =	vst v63  }
0x93: {  	s25 =	simm.s32 $0x19D00  }
0x94: {  	[tilespmem:s25], [sflag:$0x1] =	stream.indirect.gather [hbm4b:s5+s11], $0x20, s6, s11, $0xb8;
	[tilespmem:$0x1BA90] =	vst v63  }
0x95: {  	s29 =	simm.s32 $0x1B980  }
0x96: {  	[tilespmem:s29], [sflag:$0x1] =	stream.indirect.gather [hbm4b:s1+s11], $0x1, s6, s11, $0xb8;
	[tilespmem:$0x1BA90] =	vst v63  }
0x97: {  	_ =	swait.ge [sflag:s22], $0x1000  }
0x98: {  	[sflag:s22] =	ssyncset.done $0x0  }
0x99: {  	[sflag:s22] =	ssyncadd.s32 $0xFFFFF000  }
0x9a: {  	_ =	swait.ge [sflag:s22], $0x80  }
0x9b: {  	[sflag:s22] =	ssyncset.done $0x0  }
0x9c: {  	[sflag:s22] =	ssyncadd.s32 $0xFFFFFF80  }
0x9d: {  	_ =	swait.ge [sflag:s22], $0x1000  }
0x9e: {  	[sflag:s22] =	ssyncset.done $0x0  }
0x9f: {  	[sflag:s22] =	ssyncadd.s32 $0xFFFFF000  }
0xa0: {  	_ =	swait.ge [sflag:s22], $0x80  }
0xa1: {  	[sflag:s22] =	ssyncset.done $0x0  }
0xa2: {  	[sflag:s22] =	ssyncadd.s32 $0xFFFFFF80  }
0xa3: {  	_ =	swait.ge [sflag:s22], $0x1000  }
0xa4: {  	[sflag:s22] =	ssyncset.done $0x0  }
0xa5: {  	[sflag:s22] =	ssyncadd.s32 $0xFFFFF000  }
0xa6: {  	_ =	swait.ge [sflag:s22], $0x80  }
0xa7: {  	[sflag:s22] =	ssyncset.done $0x0  }
0xa8: {  	[sflag:s22] =	ssyncadd.s32 $0xFFFFFF80  }
0xa9: {  	_ =	swait.ge [sflag:s22], $0x1000  }
0xaa: {  	[sflag:s22] =	ssyncset.done $0x0  }
0xab: {  	[sflag:s22] =	ssyncadd.s32 $0xFFFFF000  }
0xac: {  	_ =	swait.ge [sflag:s22], $0x80  }
0xad: {  	[sflag:s22] =	ssyncset.done $0x0  }
0xae: {  	[sflag:s22] =	ssyncadd.s32 $0xFFFFFF80  }
0xaf: {  	_ =	swait.ge [sflag:s22], $0x1000  }
0xb0: {  	[sflag:s22] =	ssyncset.done $0x0  }
0xb1: {  	[sflag:s22] =	ssyncadd.s32 $0xFFFFF000  }
0xb2: {  	_ =	swait.ge [sflag:s22], $0x80  }
0xb3: {  	[sflag:s22] =	ssyncset.done $0x0  }
0xb4: {  	[sflag:s22] =	ssyncadd.s32 $0xFFFFFF80  }
0xb5: {  	_ =	swait.ge [sflag:s22], $0x1000  }
0xb6: {  	[sflag:s22] =	ssyncset.done $0x0  }
0xb7: {  	[sflag:s22] =	ssyncadd.s32 $0xFFFFF000  }
0xb8: {  	_ =	swait.ge [sflag:s22], $0x80  }
0xb9: {  	[sflag:s22] =	ssyncset.done $0x0  }
0xba: {  	[sflag:s22] =	ssyncadd.s32 $0xFFFFFF80  }
0xbb: {  	_ =	swait.ge [sflag:s22], $0x1000  }
0xbc: {  	[sflag:s22] =	ssyncset.done $0x0  }
0xbd: {  	[sflag:s22] =	ssyncadd.s32 $0xFFFFF000  }
0xbe: {  	_ =	swait.ge [sflag:s22], $0x80  }
0xbf: {  	[sflag:s22] =	ssyncset.done $0x0  }
0xc0: {  	[sflag:s22] =	ssyncadd.s32 $0xFFFFFF80  }
0xc1: {  	_ =	swait.ge [sflag:s22], $0x1000  }
0xc2: {  	[sflag:s22] =	ssyncset.done $0x0  }
0xc3: {  	[sflag:s22] =	ssyncadd.s32 $0xFFFFF000  }
0xc4: {  	_ =	swait.ge [sflag:s22], $0x80  }
0xc5: {  	[sflag:s22] =	ssyncset.done $0x0  }
0xc6: {  	[sflag:s22] =	ssyncadd.s32 $0xFFFFFF80  }
0xc7: {  	_ =	swait.ge [sflag:s22], $0x1000  }
0xc8: {  	[sflag:s22] =	ssyncset.done $0x0  }
0xc9: {  	[sflag:s22] =	ssyncadd.s32 $0xFFFFF000  }
0xca: {  	_ =	swait.ge [sflag:s22], $0x80  }
0xcb: {  	[sflag:s22] =	ssyncset.done $0x0  }
0xcc: {  	[sflag:s22] =	ssyncadd.s32 $0xFFFFFF80  }
0xcd: {  	_ =	swait.ge [sflag:s22], $0x1000  }
0xce: {  	[sflag:s22] =	ssyncset.done $0x0  }
0xcf: {  	[sflag:s22] =	ssyncadd.s32 $0xFFFFF000  }
0xd0: {  	_ =	swait.ge [sflag:s22], $0x80  }
0xd1: {  	[sflag:s22] =	ssyncset.done $0x0  }
0xd2: {  	[sflag:s22] =	ssyncadd.s32 $0xFFFFFF80  }
0xd3: {  	_ =	swait.ge [sflag:s22], $0x1000  }
0xd4: {  	[sflag:s22] =	ssyncset.done $0x0  }
0xd5: {  	[sflag:s22] =	ssyncadd.s32 $0xFFFFF000  }
0xd6: {  	_ =	swait.ge [sflag:s22], $0x80  }
0xd7: {  	[sflag:s22] =	ssyncset.done $0x0  }
0xd8: {  	[sflag:s22] =	ssyncadd.s32 $0xFFFFFF80  }
0xd9: {  	_ =	swait.ge [sflag:s22], $0x1000  }
0xda: {  	[sflag:s22] =	ssyncset.done $0x0  }
0xdb: {  	[sflag:s22] =	ssyncadd.s32 $0xFFFFF000  }
0xdc: {  	_ =	swait.ge [sflag:s22], $0x80  }
0xdd: {  	[sflag:s22] =	ssyncset.done $0x0  }
0xde: {  	[sflag:s22] =	ssyncadd.s32 $0xFFFFFF80  }
0xdf: {  	_ =	swait.ge [sflag:s22], $0x1000  }
0xe0: {  	[sflag:s22] =	ssyncset.done $0x0  }
0xe1: {  	[sflag:s22] =	ssyncadd.s32 $0xFFFFF000  }
0xe2: {  	_ =	swait.ge [sflag:s22], $0x80  }
0xe3: {  	[sflag:s22] =	ssyncset.done $0x0  }
0xe4: {  	[sflag:s22] =	ssyncadd.s32 $0xFFFFFF80  }
0xe5: {  	_ =	swait.ge [sflag:s22], $0x1000  }
0xe6: {  	[sflag:s22] =	ssyncset.done $0x0  }
0xe7: {  	[sflag:s22] =	ssyncadd.s32 $0xFFFFF000  }
0xe8: {  	_ =	swait.ge [sflag:s22], $0x80  }
0xe9: {  	[sflag:s22] =	ssyncset.done $0x0  }
0xea: {  	[sflag:s22] =	ssyncadd.s32 $0xFFFFFF80  }
0xeb: {  	_ =	swait.ge [sflag:s22], $0x1000  }
0xec: {  	[sflag:s22] =	ssyncset.done $0x0  }
0xed: {  	[sflag:s22] =	ssyncadd.s32 $0xFFFFF000  }
0xee: {  	_ =	swait.ge [sflag:s22], $0x80  }
0xef: {  	[sflag:s22] =	ssyncset.done $0x0  }
0xf0: {  	[sflag:s22] =	ssyncadd.s32 $0xFFFFFF80  }
0xf1: {  	_ =	swait.ge [sflag:s22], $0x1000  }
0xf2: {  	[sflag:s22] =	ssyncset.done $0x0  }
0xf3: {  	[sflag:s22] =	ssyncadd.s32 $0xFFFFF000  }
0xf4: {  	_ =	swait.ge [sflag:s22], $0x80  }
0xf5: {  	[sflag:s22] =	ssyncset.done $0x0  }
0xf6: {  	[sflag:s22] =	ssyncadd.s32 $0xFFFFFF80  }
0xf7: {  	_ =	swait.ge [sflag:s22], $0x1000  }
0xf8: {  	[sflag:s22] =	ssyncset.done $0x0  }
0xf9: {  	[sflag:s22] =	ssyncadd.s32 $0xFFFFF000  }
0xfa: {  	_ =	swait.ge [sflag:s22], $0x80  }
0xfb: {  	[sflag:s22] =	ssyncset.done $0x0  }
0xfc: {  	[sflag:s22] =	ssyncadd.s32 $0xFFFFFF80  }
0xfd: {  	_ =	swait.ge [sflag:s22], $0x1000  }
0xfe: {  	[sflag:s22] =	ssyncset.done $0x0  }
0xff: {  	[sflag:s22] =	ssyncadd.s32 $0xFFFFF000  }
0x100: {  	_ =	swait.ge [sflag:s22], $0x80  }
0x101: {  	[sflag:s22] =	ssyncset.done $0x0  }
0x102: {  	[sflag:s22] =	ssyncadd.s32 $0xFFFFFF80  }
0x103: {  	_ =	swait.ge [sflag:s22], $0x1000  }
0x104: {  	[sflag:s22] =	ssyncset.done $0x0  }
0x105: {  	[sflag:s22] =	ssyncadd.s32 $0xFFFFF000  }
0x106: {  	_ =	swait.ge [sflag:s22], $0x80  }
0x107: {  	[sflag:s22] =	ssyncset.done $0x0  }
0x108: {  	[sflag:s22] =	ssyncadd.s32 $0xFFFFFF80  }
0x109: {  	_ =	swait.ge [sflag:s22], $0x1000  }
0x10a: {  	[sflag:s22] =	ssyncset.done $0x0  }
0x10b: {  	[sflag:s22] =	ssyncadd.s32 $0xFFFFF000  }
0x10c: {  	_ =	swait.ge [sflag:s22], $0x80  }
0x10d: {  	[sflag:s22] =	ssyncset.done $0x0  }
0x10e: {  	[sflag:s22] =	ssyncadd.s32 $0xFFFFFF80  }
0x10f: {  	_ =	swait.ge [sflag:s22], $0x1000  }
0x110: {  	[sflag:s22] =	ssyncset.done $0x0  }
0x111: {  	[sflag:s22] =	ssyncadd.s32 $0xFFFFF000  }
0x112: {  	_ =	swait.ge [sflag:s22], $0x80  }
0x113: {  	[sflag:s22] =	ssyncset.done $0x0  }
0x114: {  	[sflag:s22] =	ssyncadd.s32 $0xFFFFFF80  }
0x115: {  	_ =	swait.ge [sflag:s22], $0x1000  }
0x116: {  	[sflag:s22] =	ssyncset.done $0x0  }
0x117: {  	[sflag:s22] =	ssyncadd.s32 $0xFFFFF000  }
0x118: {  	_ =	swait.ge [sflag:s22], $0x80  }
0x119: {  	[sflag:s22] =	ssyncset.done $0x0  }
0x11a: {  	[sflag:s22] =	ssyncadd.s32 $0xFFFFFF80  }
0x11b: {  	_ =	swait.ge [sflag:s22], $0x1000  }
0x11c: {  	[sflag:s22] =	ssyncset.done $0x0  }
0x11d: {  	[sflag:s22] =	ssyncadd.s32 $0xFFFFF000  }
0x11e: {  	_ =	swait.ge [sflag:s22], $0x80  }
0x11f: {  	[sflag:s22] =	ssyncset.done $0x0  }
0x120: {  	[sflag:s22] =	ssyncadd.s32 $0xFFFFFF80  }
0x121: {  	_ =	swait.ge [sflag:s22], $0x1000  }
0x122: {  	[sflag:s22] =	ssyncset.done $0x0  }
0x123: {  	[sflag:s22] =	ssyncadd.s32 $0xFFFFF000  }
0x124: {  	_ =	swait.ge [sflag:s22], $0x80  }
0x125: {  	[sflag:s22] =	ssyncset.done $0x0  }
0x126: {  	[sflag:s22] =	ssyncadd.s32 $0xFFFFFF80  }
0x127: {  	_ =	swait.ge [sflag:s22], $0x1000  }
0x128: {  	[sflag:s22] =	ssyncset.done $0x0  }
0x129: {  	[sflag:s22] =	ssyncadd.s32 $0xFFFFF000  }
0x12a: {  	_ =	swait.ge [sflag:s22], $0x80  }
0x12b: {  	[sflag:s22] =	ssyncset.done $0x0  }
0x12c: {  	[sflag:s22] =	ssyncadd.s32 $0xFFFFFF80  }
0x12d: {  	_ =	swait.ge [sflag:s22], $0x1000  }
0x12e: {  	[sflag:s22] =	ssyncset.done $0x0  }
0x12f: {  	[sflag:s22] =	ssyncadd.s32 $0xFFFFF000  }
0x130: {  	_ =	swait.ge [sflag:s22], $0x80  }
0x131: {  	[sflag:s22] =	ssyncset.done $0x0  }
0x132: {  	[sflag:s22] =	ssyncadd.s32 $0xFFFFFF80  }
0x133: {  	v0 =	vld [tilespmem:$0x1BA80];
	_ =	sdelay $0x4  }
0x134: {  	s8 =	simm.s32 $0x0;
	[tilespmem:$0x1FDD0] =	vst v0  }
.LBB2_2:
0x135: {  	s25 =	sshll.u32 s8, $0x4  }
0x136: {  	v1 =	vld [tilespmem:$0x1FDE0];
	v0 =	vmov s25  }
0x137: {  	v0 =	vmul.u32 $0x1A, v0;
	_ =	sdelay $0x1  }
0x138: {  	v3 =	vbroadcast v0, $0x0;
	_ =	sdelay $0x1  }
0x139: {  	v6 =	vadd.s32 v1, v3;
	v1 =	vld [tilespmem:$0x1FE10];
	_ =	sdelay $0x4  }
0x13a: {  	v10 =	vadd.s32 v1, v3;
	v1 =	vld [tilespmem:$0x1FE30];
	_ =	sdelay $0x4  }
0x13b: {  	v16 =	vadd.s32 v1, v3;
	v1 =	vld [tilespmem:$0x1FE50];
	_ =	sdelay $0x4  }
0x13c: {  	v17 =	vadd.s32 v1, v3;
	v1 =	vld [tilespmem:$0x1FE70];
	_ =	sdelay $0x4  }
0x13d: {  	v20 =	vadd.s32 v1, v3;
	v1 =	vld [tilespmem:$0x1FE90];
	_ =	sdelay $0x4  }
0x13e: {  	v21 =	vadd.s32 v1, v3;
	v1 =	vld [tilespmem:$0x1FEB0];
	_ =	sdelay $0x4  }
0x13f: {  	v26 =	vadd.s32 v1, v3;
	v1 =	vld [tilespmem:$0x1FED0];
	_ =	sdelay $0x3  }
0x140: {  	v30 =	vld [tilespmem:$0x1FDF0]  }
0x141: {  	v29 =	vadd.s32 v1, v3;
	v1 =	vld [tilespmem:$0x1FEE0]  }
0x142: {  	v0 =	vld [tilespmem:$0x1FFE0]  }
0x143: {  	v31 =	vld [tilespmem:$0x1FE00]  }
0x144: {  	v7 =	vld [tilespmem:$0x1FE20]  }
0x145: {  	v9 =	vld [tilespmem:$0x1FE40]  }
0x146: {  	v32 =	vadd.s32 v1, v3;
	v1 =	vld [tilespmem:$0x1FEF0]  }
0x147: {  	v11 =	vld [tilespmem:$0x1FE60];
	v4 =	vadd.s32 v0, v3  }
0x148: {  	v22 =	vld [tilespmem:$0x1FE80];
	v0 =	vand.u32 $0xFFFFFFF8, v4  }
0x149: {  	v23 =	vld [tilespmem:$0x1FEA0];
	v8 =	vor.u32 v30, v0;
	v0 =	vand.u32 $0xFFFFFFF8, v6  }
0x14a: {  	v27 =	vld [tilespmem:$0x1FEC0];
	v12 =	vor.u32 v31, v0;
	v0 =	vand.u32 $0xFFFFFFF8, v10  }
0x14b: {  	v15 =	vor.u32 v7, v0;
	v0 =	vand.u32 $0xFFFFFFF8, v16;
	v34 =	vadd.s32 v1, v3;
	v1 =	vld [tilespmem:$0x1FF00]  }
0x14c: {  	v5 =	vld [tilespmem:$0x1FF70];
	v18 =	vor.u32 v9, v0;
	v0 =	vand.u32 $0xFFFFFFF8, v17  }
0x14d: {  	v19 =	vor.u32 v11, v0;
	v0 =	vand.u32 $0xFFFFFFF8, v20  }
0x14e: {  	v24 =	vor.u32 v22, v0;
	v0 =	vand.u32 $0xFFFFFFF8, v21  }
0x14f: {  	v28 =	vor.u32 v23, v0;
	v0 =	vand.u32 $0xFFFFFFF8, v26  }
0x150: {  	v33 =	vor.u32 v27, v0;
	v0 =	vand.u32 $0xFFFFFFF8, v29;
	v38 =	vadd.s32 v1, v3;
	v1 =	vld [tilespmem:$0x1FF10]  }
0x151: {  	v51 =	vadd.s32 v5, v3;
	v36 =	vor.u32 v30, v0;
	v0 =	vand.u32 $0xFFFFFFF8, v32  }
0x152: {  	v13 =	vld [tilespmem:$0x1FF80];
	v5 =	vand.u32 $0xFFFFFFF8, v51;
	v37 =	vor.u32 v31, v0;
	v0 =	vand.u32 $0xFFFFFFF8, v34  }
0x153: {  	v14 =	vor.u32 v7, v5;
	v39 =	vor.u32 v7, v0;
	v7 =	vld [tilespmem:$0x1FF90];
	_ =	sdelay $0x1  }
0x154: {  	v40 =	vadd.s32 v1, v3;
	v1 =	vld [tilespmem:$0x1FF20];
	_ =	sdelay $0x1  }
0x155: {  	v52 =	vadd.s32 v13, v3  }
0x156: {  	v5 =	vand.u32 $0xFFFFFFF8, v52;
	v0 =	vand.u32 $0xFFFFFFF8, v38;
	v53 =	vadd.s32 v7, v3;
	v7 =	vld [tilespmem:$0x1FFA0]  }
0x157: {  	v13 =	vor.u32 v9, v5;
	v41 =	vor.u32 v9, v0;
	v9 =	vld [tilespmem:$0x1FFB0]  }
0x158: {  	v42 =	vadd.s32 v1, v3;
	v1 =	vld [tilespmem:$0x1FF30];
	_ =	sdelay $0x1  }
0x159: {  	v0 =	vand.u32 $0xFFFFFFF8, v40  }
0x15a: {  	v5 =	vand.u32 $0xFFFFFFF8, v53;
	v43 =	vor.u32 v11, v0;
	v54 =	vadd.s32 v7, v3  }
0x15b: {  	v7 =	vor.u32 v11, v5;
	v55 =	vadd.s32 v9, v3;
	v5 =	vand.u32 $0xFFFFFFF8, v54  }
0x15c: {  	v9 =	vor.u32 v22, v5;
	v0 =	vand.u32 $0xFFFFFFF8, v42;
	v44 =	vadd.s32 v1, v3  }
0x15d: {  	v60 =	vld.idx.msk [tilespmem:v8+s13+$0x0], $0xffff;
	v5 =	vand.u32 $0xFFFFFFF8, v55;
	v45 =	vor.u32 v22, v0;
	v0 =	vand.u32 $0xFFFFFFF8, v44  }
0x15e: {  	v5 =	vor.u32 v23, v5;
	v48 =	vor.u32 v23, v0;
	v23 =	vshll.u32 v6, $0x5;
	v6 =	vld [tilespmem:$0x1FFC0]  }
0x15f: {  	s29 =	simm.s32 $0x0;
	v8 =	vld.idx.msk [tilespmem:v15+s13+$0x0], $0xffff  }
0x160: {  	v25 =	vmov s29  }
0x161: {  	v35 =	vand.u32 $0x7, v25;
	v11 =	vand.u32 $0x18, v25;
	v25 =	vshll.u32 v10, $0x5;
	v10 =	vld.idx.msk [tilespmem:v18+s13+$0x0], $0xffff;
	_ =	sdelay $0x1  }
0x162: {  	v56 =	vadd.s32 v6, v3  }
0x163: {  	[tilespmem:$0x1FD10] =	vst v8;
	v1 =	vld [tilespmem:$0x1FF40];
	v8 =	vand.u32 $0xFFFFFFF8, v56  }
0x164: {  	v15 =	vor.u32 v27, v8;
	v8 =	vld [tilespmem:$0x1FFD0]  }
0x165: {  	[tilespmem:$0x1FD20] =	vst v10;
	v10 =	vld.idx.msk [tilespmem:v19+s13+$0x0], $0xffff;
	_ =	sdelay $0x1  }
0x166: {  	v2 =	vld [tilespmem:$0x1FF60]  }
0x167: {  	v22 =	vshll.u32 v4, $0x5  }
0x168: {  	v4 =	vor.u32 v22, v11;
	v46 =	vadd.s32 v1, v3;
	v1 =	vld [tilespmem:$0x1FF50];
	v57 =	vadd.s32 v8, v3  }
0x169: {  	v61 =	vld.idx.msk [tilespmem:v12+s13+$0x0], $0xffff;
	v4 =	vor.u32 v35, v4;
	[tilespmem:$0x1FD30] =	vst v10;
	v6 =	vor.u32 v23, v11;
	v10 =	vand.u32 $0xFFFFFFF8, v57  }
0x16a: {  	v6 =	vor.u32 v35, v6;
	v19 =	vor.u32 v30, v10;
	v10 =	vld [tilespmem:$0x1FFF0]  }
0x16b: {  	v50 =	vadd.s32 v2, v3;
	v12 =	vld.idx.msk [tilespmem:v24+s13+$0x0], $0xffff;
	v0 =	vand.u32 $0xFFFFFFF8, v46  }
0x16c: {  	v2 =	vand.u32 $0xFFFFFFF8, v50;
	v0 =	vor.u32 v27, v0  }
0x16d: {  	v27 =	vshll.u32 v16, $0x5;
	v16 =	vld.idx.msk [tilespmem:v28+s13+$0x0], $0xffff;
	v49 =	vadd.s32 v1, v3;
	v8 =	vor.u32 v25, v11  }
0x16e: {  	v2 =	vor.u32 v31, v2;
	v4 =	vld.idx.msk [tilespmem:v4+s12+$0x0], $0xffff;
	v1 =	vand.u32 $0xFFFFFFF8, v49;
	v8 =	vor.u32 v35, v8  }
0x16f: {  	v1 =	vor.u32 v30, v1;
	v6 =	vld.idx.msk [tilespmem:v6+s12+$0x0], $0xffff;
	v3 =	vadd.s32 v10, v3;
	v10 =	vor.u32 v27, v11  }
0x170: {  	[tilespmem:$0x1FD40] =	vst v12;
	v30 =	vshll.u32 v17, $0x5;
	v17 =	vld.idx.msk [tilespmem:v33+s13+$0x0], $0xffff;
	v12 =	vand.u32 $0xFFFFFFF8, v3;
	v10 =	vor.u32 v35, v10  }
0x171: {  	v59 =	vor.u32 v31, v12;
	v31 =	vshll.u32 v20, $0x5;
	v12 =	vor.u32 v30, v11  }
0x172: {  	v26 =	vshll.u32 v26, $0x5;
	[tilespmem:$0x1FD50] =	vst v16;
	v12 =	vor.u32 v35, v12;
	v16 =	vor.u32 v31, v11  }
0x173: {  	v24 =	vshll.u32 v29, $0x5;
	v18 =	vadd.f32 $0.0e+00, v4;
	v8 =	vld.idx.msk [tilespmem:v8+s12+$0x0], $0xffff;
	v16 =	vor.u32 v35, v16  }
0x174: {  	v28 =	vshll.u32 v21, $0x5;
	v21 =	vld.idx.msk [tilespmem:v36+s13+$0x0], $0xffff;
	v4 =	vmul.f32 v4, v4;
	v29 =	vmul.f32 v6, v6  }
0x175: {  	v32 =	vshll.u32 v32, $0x5;
	v6 =	vadd.f32 v6, v18;
	v18 =	vld.idx.msk [tilespmem:v37+s13+$0x0], $0xffff;
	[tilespmem:$0x1FD60] =	vst v17;
	v17 =	vor.u32 v28, v11  }
0x176: {  	v17 =	vor.u32 v35, v17;
	v20 =	vshll.u32 v40, $0x5;
	v40 =	vor.u32 v24, v11;
	v10 =	vld.idx.msk [tilespmem:v10+s12+$0x0], $0xffff  }
0x177: {  	v63 =	vor.u32 v26, v11;
	v62 =	vshll.u32 v55, $0x5;
	v37 =	vor.u32 v35, v40;
	v12 =	vld.idx.msk [tilespmem:v12+s12+$0x0], $0xffff  }
0x178: {  	v4 =	vadd.f32 v29, v4;
	v29 =	vmul.f32 v8, v8;
	v6 =	vadd.f32 v8, v6;
	v8 =	vld.idx.msk [tilespmem:v16+s12+$0x0], $0xffff  }
0x179: {  	v36 =	vor.u32 v35, v63;
	[tilespmem:$0x1FD70] =	vst v21;
	v21 =	vshll.u32 v42, $0x5;
	v42 =	vor.u32 v32, v11;
	v16 =	vld.idx.msk [tilespmem:v39+s13+$0x0], $0xffff  }
0x17a: {  	v55 =	vld.idx.msk [tilespmem:v7+s13+$0x0], $0xffff;
	v33 =	vshll.u32 v34, $0x5;
	v34 =	vshll.u32 v38, $0x5;
	v38 =	vor.u32 v35, v42  }
0x17b: {  	v42 =	vor.u32 v21, v11;
	v4 =	vadd.f32 v29, v4;
	v17 =	vld.idx.msk [tilespmem:v17+s12+$0x0], $0xffff;
	v29 =	vmul.f32 v10, v10  }
0x17c: {  	v58 =	vor.u32 v35, v42;
	[tilespmem:$0x1FD80] =	vst v18;
	v18 =	vshll.u32 v44, $0x5;
	v37 =	vld.idx.msk [tilespmem:v37+s12+$0x0], $0xffff;
	v6 =	vadd.f32 v10, v6  }
0x17d: {  	v44 =	vor.u32 v33, v11;
	v10 =	vld.idx.msk [tilespmem:v41+s13+$0x0], $0xffff;
	v4 =	vadd.f32 v29, v4;
	v29 =	vmul.f32 v12, v12  }
0x17e: {  	v36 =	vld.idx.msk [tilespmem:v36+s12+$0x0], $0xffff;
	v39 =	vor.u32 v35, v44;
	v6 =	vadd.f32 v12, v6;
	[tilespmem:$0x1FD90] =	vst v16;
	v16 =	vshll.u32 v46, $0x5  }
0x17f: {  	v38 =	vld.idx.msk [tilespmem:v38+s12+$0x0], $0xffff;
	v46 =	vor.u32 v34, v11;
	v4 =	vadd.f32 v29, v4;
	v29 =	vmul.f32 v8, v8  }
0x180: {  	v47 =	vor.u32 v20, v11;
	v12 =	vld.idx.msk [tilespmem:v43+s13+$0x0], $0xffff;
	v8 =	vadd.f32 v8, v6;
	v40 =	vor.u32 v35, v46  }
0x181: {  	v41 =	vor.u32 v35, v47;
	v6 =	vld.idx.msk [tilespmem:v45+s13+$0x0], $0xffff;
	v4 =	vadd.f32 v29, v4;
	v29 =	vmul.f32 v17, v17  }
0x182: {  	v63 =	vmul.f32 v37, v37;
	[tilespmem:$0x1FDA0] =	vst v10;
	v10 =	vshll.u32 v49, $0x5;
	v49 =	vld.idx.msk [tilespmem:v0+s13+$0x0], $0xffff;
	v17 =	vadd.f32 v17, v8  }
0x183: {  	v0 =	vshll.u32 v53, $0x5;
	v53 =	vld.idx.msk [tilespmem:v14+s13+$0x0], $0xffff;
	v4 =	vadd.f32 v29, v4;
	v29 =	vmul.f32 v36, v36  }
0x184: {  	s29 =	simm.s32 $0x1;
	v46 =	vmul.f32 v38, v38;
	v14 =	vshll.u32 v3, $0x5;
	v17 =	vadd.f32 v36, v17;
	v36 =	vld.idx.msk [tilespmem:v39+s12+$0x0], $0xffff  }
0x185: {  	v3 =	vmov s29;
	v8 =	vshll.u32 v52, $0x5;
	v45 =	vld.idx.msk [tilespmem:v40+s12+$0x0], $0xffff;
	v29 =	vadd.f32 v29, v4  }
0x186: {  	[tilespmem:$0x1FDC0] =	vst v6;
	v6 =	vshll.u32 v51, $0x5;
	v51 =	vld.idx.msk [tilespmem:v1+s13+$0x0], $0xffff;
	v1 =	vor.u32 v18, v11;
	v17 =	vadd.f32 v37, v17  }
0x187: {  	[tilespmem:$0x1FDB0] =	vst v12;
	v12 =	vshll.u32 v50, $0x5;
	v50 =	vld.idx.msk [tilespmem:v2+s13+$0x0], $0xffff;
	v1 =	vor.u32 v35, v1;
	v29 =	vadd.f32 v63, v29  }
0x188: {  	v17 =	vadd.f32 v38, v17;
	v38 =	vld.idx.msk [tilespmem:v41+s12+$0x0], $0xffff;
	v63 =	vshll.u32 v56, $0x5;
	v56 =	vor.u32 v16, v11  }
0x189: {  	v2 =	vshll.u32 v57, $0x5;
	v57 =	vld.idx.msk [tilespmem:v58+s12+$0x0], $0xffff;
	v4 =	vshll.u32 v54, $0x5;
	v58 =	vor.u32 v35, v56  }
0x18a: {  	v54 =	vld.idx.msk [tilespmem:v9+s13+$0x0], $0xffff;
	v47 =	vmul.f32 v36, v36;
	v29 =	vadd.f32 v46, v29;
	v17 =	vadd.f32 v36, v17  }
0x18b: {  	v9 =	vor.u32 v12, v11;
	v56 =	vld.idx.msk [tilespmem:v15+s13+$0x0], $0xffff;
	v15 =	vor.u32 v62, v11;
	v44 =	vmul.f32 v45, v45  }
0x18c: {  	v52 =	vld.idx.msk [tilespmem:v13+s13+$0x0], $0xffff;
	v40 =	vadd.f32 v47, v29;
	v13 =	vadd.f32 v45, v17;
	v29 =	vand.u32 $0x7, v3  }
0x18d: {  	v1 =	vld.idx.msk [tilespmem:v1+s12+$0x0], $0xffff;
	v17 =	vand.u32 $0x18, v3;
	v3 =	vor.u32 v10, v11;
	v46 =	vmul.f32 v38, v38  }
0x18e: {  	v3 =	vor.u32 v35, v3;
	v45 =	vadd.f32 v44, v40;
	v7 =	vadd.f32 v38, v13;
	v39 =	vld.idx.msk [tilespmem:v58+s12+$0x0], $0xffff  }
0x18f: {  	v38 =	vor.u32 v35, v9;
	v58 =	vld.idx.msk [tilespmem:v5+s13+$0x0], $0xffff;
	v5 =	vor.u32 v6, v11;
	v9 =	vor.u32 v8, v11  }
0x190: {  	v47 =	vmul.f32 v57, v57;
	v37 =	vor.u32 v35, v5;
	v36 =	vor.u32 v35, v9  }
0x191: {  	v48 =	vld.idx.msk [tilespmem:v48+s13+$0x0], $0xffff;
	v5 =	vor.u32 v14, v11;
	v13 =	vadd.f32 v46, v45;
	v7 =	vadd.f32 v57, v7  }
0x192: {  	v9 =	vor.u32 v63, v11;
	v57 =	vld.idx.msk [tilespmem:v19+s13+$0x0], $0xffff;
	v19 =	vor.u32 v0, v11;
	v44 =	vmul.f32 v1, v1  }
0x193: {  	v45 =	vor.u32 v22, v17;
	v42 =	vadd.f32 v47, v13;
	v13 =	vadd.f32 v1, v7;
	v41 =	vld.idx.msk [tilespmem:v3+s12+$0x0], $0xffff  }
0x194: {  	v59 =	vld.idx.msk [tilespmem:v59+s13+$0x0], $0xffff;
	v7 =	vor.u32 v2, v11;
	v11 =	vor.u32 v4, v11;
	v3 =	vor.u32 v35, v19  }
0x195: {  	v19 =	vimm.f32 $0.0e+00;
	v40 =	vld.idx.msk [tilespmem:v38+s12+$0x0], $0xffff;
	v1 =	vor.u32 v35, v11;
	v11 =	vor.u32 v34, v17  }
0x196: {  	s29 =	simm.s32 $0x2;
	v38 =	vor.u32 v32, v17;
	v43 =	vadd.f32 v39, v13;
	v13 =	vor.u32 v33, v17;
	v37 =	vld.idx.msk [tilespmem:v37+s12+$0x0], $0xffff  }
.LBB2_3:
0x197: {  	v42 =	vadd.f32 v44, v42;
	v39 =	vmul.f32 v39, v39  }
0x198: {  	p0 =	sne.s32 s29, $0x1F;
	v43 =	vadd.f32 v41, v43;
	v36 =	vld.idx.msk [tilespmem:v36+s12+$0x0], $0xffff;
	v44 =	vor.u32 v29, v45;
	v45 =	vor.u32 v23, v17  }
0x199: {  	v15 =	vor.u32 v35, v15;
	v41 =	vmul.f32 v41, v41;
	v39 =	vadd.f32 v39, v42  }
0x19a: {  	v9 =	vor.u32 v35, v9;
	v42 =	vadd.f32 v40, v43;
	v3 =	vld.idx.msk [tilespmem:v3+s12+$0x0], $0xffff;
	v43 =	vor.u32 v29, v45  }
0x19b: {  	v45 =	vor.u32 v25, v17;
	v40 =	vmul.f32 v40, v40;
	v39 =	vadd.f32 v41, v39  }
0x19c: {  	v7 =	vor.u32 v35, v7;
	v41 =	vadd.f32 v37, v42;
	v1 =	vld.idx.msk [tilespmem:v1+s12+$0x0], $0xffff;
	v42 =	vor.u32 v29, v45  }
0x19d: {  	v45 =	vor.u32 v27, v17;
	v37 =	vmul.f32 v37, v37;
	v39 =	vadd.f32 v40, v39  }
0x19e: {  	v5 =	vor.u32 v35, v5;
	v40 =	vadd.f32 v36, v41;
	v15 =	vld.idx.msk [tilespmem:v15+s12+$0x0], $0xffff;
	v36 =	vmul.f32 v36, v36  }
0x19f: {  	v41 =	vld.idx.msk [tilespmem:v44+s12+$0x0], $0xffff;
	v44 =	vor.u32 v29, v45;
	v45 =	vor.u32 v30, v17;
	v35 =	vadd.f32 v37, v39  }
0x1a0: {  	v37 =	vadd.f32 v3, v40;
	v9 =	vld.idx.msk [tilespmem:v9+s12+$0x0], $0xffff;
	v40 =	vor.u32 v29, v45  }
0x1a1: {  	v45 =	vor.u32 v24, v17;
	v39 =	vld.idx.msk [tilespmem:v43+s12+$0x0], $0xffff;
	v43 =	vor.u32 v31, v17;
	v35 =	vadd.f32 v36, v35  }
0x1a2: {  	v3 =	vmul.f32 v3, v3;
	v36 =	vadd.f32 v1, v37;
	v7 =	vld.idx.msk [tilespmem:v7+s12+$0x0], $0xffff  }
0x1a3: {  	v46 =	vor.u32 v26, v17;
	v37 =	vld.idx.msk [tilespmem:v42+s12+$0x0], $0xffff;
	v42 =	vor.u32 v29, v43;
	v43 =	vor.u32 v28, v17  }
0x1a4: {  	v1 =	vmul.f32 v1, v1;
	v3 =	vadd.f32 v3, v35;
	v36 =	vadd.f32 v15, v36;
	v5 =	vld.idx.msk [tilespmem:v5+s12+$0x0], $0xffff  }
0x1a5: {  	v38 =	vor.u32 v29, v38;
	v47 =	vadd.f32 $0.0e+00, v41;
	v43 =	vor.u32 v29, v43;
	v44 =	vld.idx.msk [tilespmem:v44+s12+$0x0], $0xffff;
	v35 =	vmovc v29  }
0x1a6: {  	v1 =	vadd.f32 v1, v3;
	v3 =	vmul.f32 v15, v15;
	v15 =	vadd.f32 v9, v36  }
0x1a7: {  	v29 =	vadd.f32 v39, v47;
	v45 =	vor.u32 v35, v45;
	v36 =	vld.idx.msk [tilespmem:v40+s12+$0x0], $0xffff;
	v40 =	vor.u32 v35, v46  }
0x1a8: {  	v1 =	vadd.f32 v3, v1;
	v3 =	vmul.f32 v9, v9;
	v9 =	vadd.f32 v7, v15  }
0x1a9: {  	v39 =	vmul.f32 v39, v39;
	v15 =	vmul.f32 v41, v41;
	v29 =	vadd.f32 v37, v29;
	v41 =	vld.idx.msk [tilespmem:v42+s12+$0x0], $0xffff  }
0x1aa: {  	v1 =	vadd.f32 v3, v1;
	v3 =	vmul.f32 v7, v7;
	v7 =	vadd.f32 v5, v9  }
0x1ab: {  	v9 =	vadd.f32 v39, v15;
	v15 =	vmul.f32 v37, v37;
	v29 =	vadd.f32 v44, v29;
	v37 =	vld.idx.msk [tilespmem:v43+s12+$0x0], $0xffff  }
0x1ac: {  	v1 =	vadd.f32 v3, v1;
	v3 =	vmul.f32 v5, v5;
	v5 =	vmul.f32 v7, v7  }
0x1ad: {  	v7 =	vadd.f32 v15, v9;
	v9 =	vmul.f32 v44, v44;
	v15 =	vadd.f32 v36, v29;
	v39 =	vld.idx.msk [tilespmem:v40+s12+$0x0], $0xffff  }
0x1ae: {  	v13 =	vor.u32 v35, v13;
	v1 =	vadd.f32 v3, v1;
	v3 =	vadd.f32 v5, v19  }
0x1af: {  	v5 =	vadd.f32 v9, v7;
	v7 =	vmul.f32 v36, v36;
	v9 =	vadd.f32 v41, v15;
	v15 =	vld.idx.msk [tilespmem:v45+s12+$0x0], $0xffff  }
0x1b0: {  	v11 =	vor.u32 v35, v11;
	v29 =	vor.u32 v20, v17;
	v19 =	vsub.f32 v3, v1  }
0x1b1: {  	v1 =	vadd.f32 v7, v5;
	v3 =	vmul.f32 v41, v41;
	v5 =	vadd.f32 v37, v9;
	v7 =	vld.idx.msk [tilespmem:v38+s12+$0x0], $0xffff  }
0x1b2: {  	v36 =	vor.u32 v35, v29;
	v9 =	vmov s29;
	v38 =	vor.u32 v21, v17  }
0x1b3: {  	v1 =	vadd.f32 v3, v1;
	v3 =	vmul.f32 v37, v37;
	v5 =	vadd.f32 v39, v5;
	v13 =	vld.idx.msk [tilespmem:v13+s12+$0x0], $0xffff  }
0x1b4: {  	v29 =	vand.u32 $0x7, v9;
	v37 =	vor.u32 v35, v38;
	v38 =	vor.u32 v18, v17  }
0x1b5: {  	v1 =	vadd.f32 v3, v1;
	v3 =	vmul.f32 v39, v39;
	v5 =	vadd.f32 v15, v5;
	v11 =	vld.idx.msk [tilespmem:v11+s12+$0x0], $0xffff  }
0x1b6: {  	v40 =	vand.u32 $0x18, v9;
	v9 =	vor.u32 v35, v38;
	v38 =	vor.u32 v16, v17  }
0x1b7: {  	v1 =	vadd.f32 v3, v1;
	v3 =	vmul.f32 v15, v15;
	v15 =	vadd.f32 v7, v5;
	v36 =	vld.idx.msk [tilespmem:v36+s12+$0x0], $0xffff  }
0x1b8: {  	v39 =	vor.u32 v10, v17;
	v38 =	vor.u32 v35, v38;
	v5 =	vor.u32 v14, v17  }
0x1b9: {  	v1 =	vadd.f32 v3, v1;
	v3 =	vmul.f32 v7, v7;
	v15 =	vadd.f32 v13, v15;
	v37 =	vld.idx.msk [tilespmem:v37+s12+$0x0], $0xffff  }
0x1ba: {  	v41 =	vor.u32 v35, v39;
	v39 =	vor.u32 v12, v17;
	v7 =	vor.u32 v2, v17  }
0x1bb: {  	v1 =	vadd.f32 v3, v1;
	v3 =	vmul.f32 v13, v13;
	v13 =	vadd.f32 v11, v15;
	v43 =	vld.idx.msk [tilespmem:v9+s12+$0x0], $0xffff  }
0x1bc: {  	v42 =	vor.u32 v35, v39;
	v15 =	vor.u32 v6, v17;
	v9 =	vor.u32 v63, v17  }
0x1bd: {  	v1 =	vadd.f32 v3, v1;
	v3 =	vmul.f32 v11, v11;
	v11 =	vadd.f32 v36, v13;
	v39 =	vld.idx.msk [tilespmem:v38+s12+$0x0], $0xffff  }
0x1be: {  	v13 =	vor.u32 v8, v17;
	v38 =	vor.u32 v35, v15;
	v15 =	vor.u32 v62, v17  }
0x1bf: {  	v1 =	vadd.f32 v3, v1;
	v3 =	vmul.f32 v36, v36;
	v11 =	vadd.f32 v37, v11;
	v41 =	vld.idx.msk [tilespmem:v41+s12+$0x0], $0xffff  }
.Ltmp0:
0x1c0: {  	v46 =	vor.u32 v4, v17;
	v44 =	vor.u32 v0, v17;
	v36 =	vor.u32 v35, v13;
	v17 =	vmovc v40;
	(pc) =	sbr.rel @p0 .LBB2_3-.Ltmp0, $4  }
0x1c1: {  	v37 =	vmul.f32 v37, v37;
	v1 =	vadd.f32 v3, v1;
	v45 =	vadd.f32 v43, v11;
	v40 =	vld.idx.msk [tilespmem:v42+s12+$0x0], $0xffff  }
0x1c2: {  	v13 =	vor.u32 v33, v17;
	v3 =	vor.u32 v35, v44;
	v11 =	vor.u32 v34, v17  }
0x1c3: {  	v44 =	vmul.f32 v43, v43;
	v42 =	vadd.f32 v37, v1;
	v43 =	vadd.f32 v39, v45;
	v37 =	vld.idx.msk [tilespmem:v38+s12+$0x0], $0xffff  }
0x1c4: {  	s29 =	sadd.s32 $0x1, s29;
	v1 =	vor.u32 v35, v46;
	v45 =	vor.u32 v22, v17;
	v38 =	vor.u32 v32, v17  }
0x1c5: {  	v22 =	vor.u32 v29, v45  }
0x1c6: {  	v23 =	vor.u32 v23, v17  }
0x1c7: {  	v25 =	vor.u32 v25, v17;
	v23 =	vor.u32 v29, v23  }
0x1c8: {  	v25 =	vor.u32 v29, v25;
	_ =	sdelay $0x1  }
0x1c9: {  	v27 =	vor.u32 v27, v17;
	v22 =	vld.idx.msk [tilespmem:v22+s12+$0x0], $0xffff  }
0x1ca: {  	v30 =	vor.u32 v30, v17;
	v27 =	vor.u32 v29, v27  }
0x1cb: {  	v31 =	vor.u32 v31, v17;
	v30 =	vor.u32 v29, v30;
	v23 =	vld.idx.msk [tilespmem:v23+s12+$0x0], $0xffff  }
0x1cc: {  	v28 =	vor.u32 v28, v17;
	v46 =	vor.u32 v26, v17;
	v44 =	vadd.f32 v44, v42;
	v25 =	vld.idx.msk [tilespmem:v25+s12+$0x0], $0xffff  }
0x1cd: {  	v24 =	vor.u32 v24, v17;
	v42 =	vadd.f32 v41, v43;
	v13 =	vor.u32 v29, v13  }
0x1ce: {  	v11 =	vor.u32 v29, v11;
	v31 =	vor.u32 v29, v31;
	v32 =	vadd.f32 $0.0e+00, v22  }
0x1cf: {  	v60 =	vadd.f32 $0.0e+00, v60;
	v20 =	vor.u32 v20, v17;
	v28 =	vor.u32 v29, v28;
	v27 =	vld.idx.msk [tilespmem:v27+s12+$0x0], $0xffff  }
0x1d0: {  	v30 =	vld.idx.msk [tilespmem:v30+s12+$0x0], $0xffff;
	v22 =	vmul.f32 v22, v22;
	v33 =	vmul.f32 v23, v23;
	v23 =	vadd.f32 v23, v32  }
0x1d1: {  	v21 =	vor.u32 v21, v17;
	v18 =	vor.u32 v18, v17;
	v45 =	vmul.f32 v25, v25  }
0x1d2: {  	v22 =	vadd.f32 v33, v22;
	v23 =	vadd.f32 v25, v23;
	v25 =	vor.u32 v29, v46  }
0x1d3: {  	v15 =	vor.u32 v35, v15;
	v16 =	vor.u32 v16, v17;
	v24 =	vor.u32 v29, v24;
	v26 =	vld.idx.msk [tilespmem:v31+s12+$0x0], $0xffff  }
0x1d4: {  	v3 =	vld.idx.msk [tilespmem:v3+s12+$0x0], $0xffff;
	v47 =	vmul.f32 v27, v27;
	v22 =	vadd.f32 v45, v22;
	v23 =	vadd.f32 v27, v23  }
0x1d5: {  	v10 =	vor.u32 v10, v17;
	v28 =	vld.idx.msk [tilespmem:v28+s12+$0x0], $0xffff;
	v46 =	vmul.f32 v30, v30;
	v45 =	vmul.f32 v39, v39  }
0x1d6: {  	v1 =	vld.idx.msk [tilespmem:v1+s12+$0x0], $0xffff;
	v22 =	vadd.f32 v47, v22;
	v47 =	vor.u32 v29, v38;
	v23 =	vadd.f32 v30, v23  }
0x1d7: {  	v9 =	vor.u32 v35, v9;
	v27 =	vadd.f32 v45, v44;
	v38 =	vmul.f32 v41, v41;
	v25 =	vld.idx.msk [tilespmem:v25+s12+$0x0], $0xffff  }
0x1d8: {  	v24 =	vld.idx.msk [tilespmem:v24+s12+$0x0], $0xffff;
	v39 =	vmul.f32 v26, v26;
	v22 =	vadd.f32 v46, v22;
	v23 =	vadd.f32 v26, v23  }
0x1d9: {  	v45 =	vadd.f32 v40, v42;
	v42 =	vld [tilespmem:$0x1FD10];
	v43 =	vadd.f32 v38, v27;
	v46 =	vmul.f32 v40, v40  }
0x1da: {  	v44 =	vmul.f32 v28, v28;
	v22 =	vadd.f32 v39, v22;
	v39 =	vld.idx.msk [tilespmem:v36+s12+$0x0], $0xffff;
	v23 =	vadd.f32 v28, v23  }
0x1db: {  	v20 =	vor.u32 v29, v20;
	v21 =	vor.u32 v29, v21;
	v26 =	vadd.f32 v46, v43;
	v30 =	vld.idx.msk [tilespmem:v47+s12+$0x0], $0xffff  }
0x1dc: {  	v43 =	vld [tilespmem:$0x1FD20];
	v22 =	vadd.f32 v44, v22;
	v47 =	vmul.f32 v25, v25;
	v23 =	vadd.f32 v25, v23  }
0x1dd: {  	v13 =	vld.idx.msk [tilespmem:v13+s12+$0x0], $0xffff;
	v38 =	vadd.f32 v61, v60;
	v40 =	vmul.f32 v37, v37;
	v28 =	vadd.f32 v37, v45  }
0x1de: {  	v46 =	vld [tilespmem:$0x1FD30];
	v22 =	vadd.f32 v47, v22;
	v23 =	vadd.f32 v24, v23;
	v24 =	vmul.f32 v24, v24  }
0x1df: {  	v18 =	vor.u32 v29, v18;
	v11 =	vld.idx.msk [tilespmem:v11+s12+$0x0], $0xffff;
	v26 =	vadd.f32 v40, v26;
	v25 =	vadd.f32 v42, v38  }
0x1e0: {  	v27 =	vmul.f32 v39, v39;
	v47 =	vld [tilespmem:$0x1FD40];
	v41 =	vmul.f32 v30, v30;
	v22 =	vadd.f32 v24, v22  }
0x1e1: {  	v12 =	vor.u32 v12, v17;
	v20 =	vld.idx.msk [tilespmem:v20+s12+$0x0], $0xffff;
	v23 =	vadd.f32 v30, v23;
	v24 =	vadd.f32 v43, v25  }
0x1e2: {  	v7 =	vor.u32 v35, v7;
	v26 =	vadd.f32 v27, v26;
	v27 =	vld [tilespmem:$0x1FD50];
	v22 =	vadd.f32 v41, v22  }
0x1e3: {  	v21 =	vld.idx.msk [tilespmem:v21+s12+$0x0], $0xffff;
	v23 =	vadd.f32 v13, v23;
	v13 =	vmul.f32 v13, v13;
	v24 =	vadd.f32 v46, v24  }
0x1e4: {  	v5 =	vor.u32 v35, v5;
	v6 =	vor.u32 v6, v17;
	v44 =	vadd.f32 v39, v28;
	v28 =	vld [tilespmem:$0x1FD60]  }
0x1e5: {  	v18 =	vld.idx.msk [tilespmem:v18+s12+$0x0], $0xffff;
	v45 =	vmul.f32 v11, v11;
	v13 =	vadd.f32 v13, v22;
	v22 =	vadd.f32 v47, v24  }
0x1e6: {  	v8 =	vor.u32 v8, v17;
	v16 =	vor.u32 v29, v16;
	v31 =	vld [tilespmem:$0x1FD70];
	v11 =	vadd.f32 v11, v23  }
0x1e7: {  	v35 =	vld [tilespmem:$0x1FD80];
	v60 =	vmul.f32 v20, v20;
	v13 =	vadd.f32 v45, v13;
	v22 =	vadd.f32 v27, v22  }
0x1e8: {  	v0 =	vor.u32 v0, v17;
	v10 =	vor.u32 v29, v10;
	v15 =	vld.idx.msk [tilespmem:v15+s12+$0x0], $0xffff;
	v11 =	vadd.f32 v20, v11  }
0x1e9: {  	v9 =	vld.idx.msk [tilespmem:v9+s12+$0x0], $0xffff;
	v25 =	vmul.f32 v21, v21;
	v13 =	vadd.f32 v60, v13;
	v20 =	vadd.f32 v28, v22  }
0x1ea: {  	v12 =	vor.u32 v29, v12;
	v37 =	vld [tilespmem:$0x1FD90];
	v61 =	vadd.f32 v3, v44;
	v3 =	vmul.f32 v3, v3  }
0x1eb: {  	v16 =	vld.idx.msk [tilespmem:v16+s12+$0x0], $0xffff;
	v32 =	vmul.f32 v18, v18;
	v13 =	vadd.f32 v25, v13;
	v20 =	vadd.f32 v31, v20  }
0x1ec: {  	v4 =	vor.u32 v4, v17;
	v39 =	vld [tilespmem:$0x1FDA0];
	v3 =	vadd.f32 v3, v26;
	v30 =	vadd.f32 v1, v61  }
0x1ed: {  	v10 =	vld.idx.msk [tilespmem:v10+s12+$0x0], $0xffff;
	v1 =	vmul.f32 v1, v1;
	v34 =	vadd.f32 v32, v13;
	v13 =	vadd.f32 v35, v20  }
0x1ee: {  	v2 =	vor.u32 v2, v17;
	v6 =	vor.u32 v29, v6;
	v40 =	vld [tilespmem:$0x1FDB0];
	v11 =	vadd.f32 v21, v11  }
0x1ef: {  	v8 =	vor.u32 v29, v8;
	v12 =	vld.idx.msk [tilespmem:v12+s12+$0x0], $0xffff;
	v1 =	vadd.f32 v1, v3;
	v13 =	vadd.f32 v37, v13  }
0x1f0: {  	v43 =	vld [tilespmem:$0x1FDC0];
	v36 =	vadd.f32 v15, v30;
	v15 =	vmul.f32 v15, v15;
	v33 =	vadd.f32 v18, v11  }
0x1f1: {  	v0 =	vor.u32 v29, v0;
	v4 =	vor.u32 v29, v4;
	v13 =	vadd.f32 v39, v13  }
0x1f2: {  	v38 =	vmul.f32 v16, v16;
	v1 =	vadd.f32 v15, v1;
	v3 =	vadd.f32 v16, v33  }
0x1f3: {  	v6 =	vld.idx.msk [tilespmem:v6+s12+$0x0], $0xffff;
	v41 =	vadd.f32 v9, v36;
	v9 =	vmul.f32 v9, v9;
	v13 =	vadd.f32 v40, v13  }
0x1f4: {  	v11 =	vadd.f32 v38, v34;
	v3 =	vadd.f32 v10, v3;
	v10 =	vmul.f32 v10, v10  }
0x1f5: {  	v8 =	vld.idx.msk [tilespmem:v8+s12+$0x0], $0xffff;
	v42 =	vmul.f32 v12, v12;
	v1 =	vadd.f32 v9, v1;
	v9 =	vadd.f32 v43, v13  }
0x1f6: {  	v7 =	vld.idx.msk [tilespmem:v7+s12+$0x0], $0xffff;
	v44 =	vor.u32 v62, v17;
	v10 =	vadd.f32 v10, v11;
	v3 =	vadd.f32 v12, v3  }
0x1f7: {  	v0 =	vld.idx.msk [tilespmem:v0+s12+$0x0], $0xffff;
	v46 =	vor.u32 v63, v17;
	v11 =	vor.u32 v29, v44;
	v9 =	vadd.f32 v48, v9  }
0x1f8: {  	v10 =	vadd.f32 v42, v10;
	v3 =	vadd.f32 v6, v3;
	v6 =	vmul.f32 v6, v6  }
0x1f9: {  	v2 =	vor.u32 v29, v2;
	v13 =	vor.u32 v29, v46;
	v9 =	vadd.f32 v49, v9  }
0x1fa: {  	v4 =	vld.idx.msk [tilespmem:v4+s12+$0x0], $0xffff;
	v6 =	vadd.f32 v6, v10;
	v3 =	vadd.f32 v8, v3;
	v8 =	vmul.f32 v8, v8  }
0x1fb: {  	v5 =	vld.idx.msk [tilespmem:v5+s12+$0x0], $0xffff;
	v45 =	vor.u32 v14, v17;
	v47 =	vadd.f32 v7, v41;
	v9 =	vadd.f32 v51, v9  }
0x1fc: {  	v7 =	vmul.f32 v7, v7;
	v11 =	vld.idx.msk [tilespmem:v11+s12+$0x0], $0xffff;
	v6 =	vadd.f32 v8, v6;
	v48 =	vmul.f32 v0, v0  }
0x1fd: {  	v12 =	vor.u32 v29, v45;
	v0 =	vadd.f32 v0, v3;
	v49 =	vadd.f32 v50, v9  }
0x1fe: {  	v1 =	vadd.f32 v7, v1;
	v6 =	vadd.f32 v48, v6;
	v50 =	vld.idx.msk [tilespmem:v13+s12+$0x0], $0xffff  }
0x1ff: {  	v0 =	vadd.f32 v4, v0;
	v3 =	vadd.f32 v53, v49  }
0x200: {  	v2 =	vld.idx.msk [tilespmem:v2+s12+$0x0], $0xffff;
	v4 =	vmul.f32 v4, v4;
	v51 =	vadd.f32 v5, v47;
	v5 =	vmul.f32 v5, v5  }
0x201: {  	v0 =	vadd.f32 v11, v0;
	v3 =	vadd.f32 v52, v3  }
0x202: {  	v4 =	vadd.f32 v4, v6;
	v1 =	vadd.f32 v5, v1;
	v53 =	vmul.f32 v11, v11;
	v52 =	vld.idx.msk [tilespmem:v12+s12+$0x0], $0xffff  }
0x203: {  	v0 =	vadd.f32 v50, v0;
	v3 =	vadd.f32 v55, v3  }
0x204: {  	v60 =	vmul.f32 v51, v51;
	v4 =	vadd.f32 v53, v4;
	v7 =	vmul.f32 v50, v50  }
0x205: {  	v0 =	vadd.f32 v2, v0;
	v3 =	vadd.f32 v54, v3  }
0x206: {  	v6 =	vadd.f32 v60, v19;
	v4 =	vadd.f32 v7, v4;
	v2 =	vmul.f32 v2, v2  }
0x207: {  	v0 =	vadd.f32 v52, v0;
	v3 =	vadd.f32 v58, v3  }
0x208: {  	v2 =	vadd.f32 v2, v4;
	v61 =	vmul.f32 v52, v52  }
0x209: {  	v1 =	vsub.f32 v6, v1;
	v0 =	vmul.f32 v0, v0;
	v3 =	vadd.f32 v56, v3  }
0x20a: {  	v63 =	vld [tilespmem:$0x1FDD0];
	v2 =	vadd.f32 v61, v2  }
0x20b: {  	v0 =	vadd.f32 v0, v1;
	v62 =	vadd.f32 v57, v3;
	_ =	sdelay $0x1  }
0x20c: {  	s8 =	sadd.s32 $0x1, s8;
	v0 =	vsub.f32 v0, v2;
	v1 =	vadd.f32 v59, v62  }
0x20d: {  	p0 =	sne.s32 s8, $0x8  }
.Ltmp1:
0x20e: {  	v0 =	vmul.f32 $5.000000000e-01, v0;
	v1 =	vadd.f32 v1, v63;
	(pc) =	sbr.rel @p0 .LBB2_2-.Ltmp1, $3  }
0x20f: {  	_ = 	snop  }
0x210: {  	v0 =	vadd.f32 v0, v1;
	_ =	sdelay $0x1  }
0x211: {  	[tilespmem:s25+$0x1BA00] =	vst v0  }
0x212: {  	s8 =	rddreg [dreg:$0x6];
	s25 =	simm.s32 $0x1BA00  }
0x213: {  	[hbm4b:s8+s4] =	stream.linear.scatter [tilespmem:s25], [sflag:$0x2], $0x80, $0x38;
	[tilespmem:$0x1BA90] =	vst v63  }
0x214: {  	_ =	swait.ge [sflag:s9], $0x80  }
0x215: {  	s7 =	sadd.s32 $0x1, s7;
	s29 =	rddreg [dreg:$0x7]  }
0x216: {  	p0 =	sne.s32 s7, s29  }
.Ltmp2:
0x217: {  	_ = 	snop;
	(pc) =	sbr.rel @p0 .LBB2_1-.Ltmp2, $3  }
0x218: {  	_ =	sdelay $0x1  }
0x219: {  	[sflag:s9] =	ssyncset.done $0x0  }
0x21a: {  	[sflag:s9] =	ssyncadd.s32 $0xFFFFFF80  }
0x21b: {  	_ =	sfence.sel $0x180000  }
0x21c: {  	[bflag:$0x0] =	sbarrier.arrive $0xFFFF  }
0x21d: {  	_ =	strace $0x90000047  }
0x21e: {  	s0 =	stileid.u32;
	[bflag:$0x2] =	sbarrier.arrive $0xFFFF  }
0x21f: {  	p0 =	sne.s32 s0, $0x0;
	s0 =	rddreg [dreg:$0x4]  }
0x220: {  	s0 =	sadd.s32 @!p0 $0x100000, s0  }
0x221: {  	[sflag:s0] =	ssyncadd.tile.s32 @!p0 $0x1;
	_ =	shalt  }
.Lfunc_end2:
_tile_overlayer_lowered:
.L_overlay_start_2:
0x222: {  	(tag) =	ssettag $0x2  }
0x223: {  	s0 =	rddreg [dreg:$0x0];
	s2 =	stileid.u32  }
0x224: {  	s1 =	rddreg [dreg:$0x1];
	p0 =	sne.s32 s2, $0x0  }
0x225: {  	s3 =	rddreg [dreg:$0x2];
	[bflag:$0x3] =	sbarrier.arrive $0xFFFF;
	s2 =	simm.s32 @!p0 $0x1C02  }
0x226: {  	[timem:s3], [sflag:s2] =	dma.local @!p0 [hbm:s0], s1  }
0x227: {  	s0 =	simm.s32 @!p0 $0x2  }
0x228: {  	_ =	swait.ge @!p0 [sflag:s0], s1  }
0x229: {  	s1 =	ssub.s32 @!p0 $0x0, s1;
	[sflag:s0] =	ssyncset.done @!p0 $0x0  }
0x22a: {  	[sflag:s0] =	ssyncadd.s32 @!p0 s1  }
0x22b: {  	[bflag:$0x3] =	sbarrier.arrive $0xFFFF  }
0x22c: {  	_ =	shalt  }

</sc_bundles>
